<compile_context>
chip_gen: v7x
topology: tpu7x:2x2x1
jax: 0.10.2.dev20260603
libtpu: 0.0.44.dev20260713+nightly
codegen_flags: <defaults>
</compile_context>

<pallas_src>
import functools

import jax
import jax.numpy as jnp
from jax import lax
from jax.experimental import pallas as pl
from jax.experimental.pallas import tpu as pltpu
from jax.experimental.pallas import tpu_sc as plsc

NUM_EXPERTS = 32
HIDDEN = 2880
TOP_K = 4
N_TOKENS = 8192
N_WORKERS = 32
N_CHUNKS = 2
CHUNK = N_TOKENS // N_CHUNKS
TPW = CHUNK // N_WORKERS
GROUPS = TPW // 16
BLOCK_T = 512


def _mm_body(x_ref, w_ref, b_ref, out_ref):
    x = x_ref[...]
    w = w_ref[...]
    lg = jax.lax.dot_general(
        w, x, (((1,), (1,)), ((), ())), preferred_element_type=jnp.float32)
    lg = lg + b_ref[...]
    for j in range(BLOCK_T // TPW):
        out_ref[j] = lg[:, j * TPW:(j + 1) * TPW]


def _tc_logits(hidden_states, weight, b2, chunk):
    blocks = CHUNK // BLOCK_T
    return pl.pallas_call(
        _mm_body,
        grid=(blocks,),
        in_specs=[
            pl.BlockSpec((BLOCK_T, HIDDEN),
                         lambda i, c=chunk, nb=blocks: (i + c * nb, 0)),
            pl.BlockSpec((NUM_EXPERTS, HIDDEN), lambda i: (0, 0)),
            pl.BlockSpec((NUM_EXPERTS, 1), lambda i: (0, 0)),
        ],
        out_specs=pl.BlockSpec(
            (BLOCK_T // TPW, NUM_EXPERTS, TPW),
            lambda i: (i, 0, 0)),
        out_shape=jax.ShapeDtypeStruct((N_WORKERS, NUM_EXPERTS, TPW),
                                       jnp.float32),
    )(hidden_states, weight, b2)


def _make_sc_route(chunk):
    @functools.partial(
        pl.kernel,
        mesh=plsc.VectorSubcoreMesh(core_axis_name="c", subcore_axis_name="s"),
        out_type=(),
        scratch_types=[
            pltpu.VMEM((NUM_EXPERTS * TPW,), jnp.float32),
            pltpu.VMEM((TPW, NUM_EXPERTS), jnp.float32),
            pltpu.VMEM((TPW, TOP_K), jnp.int32),
            pltpu.SemaphoreType.DMA,
        ],
        compiler_params=pltpu.CompilerParams(needs_layout_passes=False),
    )
    def _sc_route(l3_hbm, scores_ref, sel_ref, lbuf, scorebuf, selbuf, sem):
        wid = lax.axis_index("s") * 2 + lax.axis_index("c")
        base = chunk * CHUNK + wid * TPW
        cp = pltpu.async_copy(
            l3_hbm.at[pl.ds(wid * NUM_EXPERTS * TPW, NUM_EXPERTS * TPW)],
            lbuf, sem)
        iota16 = lax.iota(jnp.int32, 16)
        zero16f = jnp.zeros((16,), jnp.float32)

        def zero_body(i, carry):
            scorebuf[i, pl.ds(0, 16)] = zero16f
            scorebuf[i, pl.ds(16, 16)] = zero16f
            return carry

        lax.fori_loop(0, TPW, zero_body, 0)
        cp.wait()

        def group_body(g, carry):
            row0 = g * 16
            neg = jnp.full((16,), -jnp.inf, jnp.float32)
            zi = jnp.zeros((16,), jnp.int32)
            v0 = lbuf[pl.ds(row0, 16)]
            i0 = zi
            v1, v2, v3 = neg, neg, neg
            i1, i2, i3 = zi, zi, zi
            for e in range(1, NUM_EXPERTS):
                x = lbuf[pl.ds(e * TPW + row0, 16)]
                ei = jnp.full((16,), e, jnp.int32)
                m0 = x > v0
                m1 = x > v1
                m2 = x > v2
                m3 = x > v3
                v0, v1, v2, v3, i0, i1, i2, i3 = (
                    jnp.where(m0, x, v0),
                    jnp.where(m0, v0, jnp.where(m1, x, v1)),
                    jnp.where(m1, v1, jnp.where(m2, x, v2)),
                    jnp.where(m2, v2, jnp.where(m3, x, v3)),
                    jnp.where(m0, ei, i0),
                    jnp.where(m0, i0, jnp.where(m1, ei, i1)),
                    jnp.where(m1, i1, jnp.where(m2, ei, i2)),
                    jnp.where(m2, i2, jnp.where(m3, ei, i3)),
                )
            e1 = jnp.exp(v1 - v0)
            e2 = jnp.exp(v2 - v0)
            e3 = jnp.exp(v3 - v0)
            r = 1.0 / (1.0 + e1 + e2 + e3)
            rows = row0 + iota16
            plsc.store_scatter(scorebuf, [rows, i0], r)
            plsc.store_scatter(scorebuf, [rows, i1], e1 * r)
            plsc.store_scatter(scorebuf, [rows, i2], e2 * r)
            plsc.store_scatter(scorebuf, [rows, i3], e3 * r)
            plsc.store_scatter(selbuf, [rows, zi], i0)
            plsc.store_scatter(selbuf, [rows, zi + 1], i1)
            plsc.store_scatter(selbuf, [rows, zi + 2], i2)
            plsc.store_scatter(selbuf, [rows, zi + 3], i3)
            return carry

        lax.fori_loop(0, GROUPS, group_body, 0)
        pltpu.sync_copy(scorebuf, scores_ref.at[pl.ds(base, TPW)])
        pltpu.sync_copy(selbuf, sel_ref.at[pl.ds(base, TPW)])

    return _sc_route


_SC_ROUTES = [_make_sc_route(c) for c in range(N_CHUNKS)]


@jax.jit
def kernel(hidden_states, weight, bias):
    b2 = bias.reshape(NUM_EXPERTS, 1)
    scores_ref = jax.new_ref(
        jax.lax.empty((N_TOKENS, NUM_EXPERTS), jnp.float32))
    sel_ref = jax.new_ref(jax.lax.empty((N_TOKENS, TOP_K), jnp.int32))
    for c in range(N_CHUNKS):
        l3 = _tc_logits(hidden_states, weight, b2, c)
        _SC_ROUTES[c](l3.reshape(-1), scores_ref, sel_ref)
    return scores_ref[...], sel_ref[...]

# --- scband reference (transcript-rebuilt; emitter-appended) ---
"""Pipeline reference for scband-load-router-29308856828037 (READ-ONLY COPY).

The authoritative reference and input builder live on the scoring server;
editing this copy changes nothing except your own understanding.
"""

import jax, jax.numpy as jnp
import numpy as np

TOP_K = 4
EXPERTS_TO_SELECT = 4
NUM_EXPERTS = 32
HIDDEN = 2880
NUM_TOKENS = 8192


def setup_inputs(seed: int = 0) -> dict:
    key = jax.random.key(seed)
    k1, k2, k3 = jax.random.split(key, 3)
    hidden_states = jax.random.normal(k1, (NUM_TOKENS, HIDDEN), dtype=jnp.float32)
    # learned router params (torch loads these from disk in forward)
    weight = jax.random.normal(k2, (NUM_EXPERTS, HIDDEN), dtype=jnp.float32) * (1.0 / np.sqrt(HIDDEN))
    bias = jax.random.normal(k3, (NUM_EXPERTS,), dtype=jnp.float32) * 0.01
    return {"hidden_states": hidden_states, "weight": weight, "bias": bias}


def _random_selection(key, topk_indices, topk_values, experts_to_select):
    # Faithful port of random_selection: per-row random subset of the top-k,
    # then re-sorted descending by value.
    B, K = topk_indices.shape
    keys = jax.random.split(key, B)

    def per_row(k, idx_row, val_row):
        perm = jax.random.permutation(k, K)[:experts_to_select]
        si = idx_row[perm]
        sv = val_row[perm]
        order = jnp.argsort(-sv)
        return sv[order], si[order]

    vals, idxs = jax.vmap(per_row)(keys, topk_indices, topk_values)
    return vals, idxs


def reference(hidden_states, weight, bias):
    hs = hidden_states.reshape(-1, HIDDEN)
    router_logits = hs @ weight.T + bias  # F.linear
    top_vals, top_idx = jax.lax.top_k(router_logits, TOP_K)
    sel_vals, sel_idx = _random_selection(jax.random.key(42), top_idx, top_vals, EXPERTS_TO_SELECT)
    probs = jax.nn.softmax(sel_vals.astype(jnp.float32), axis=-1).astype(hs.dtype)
    B = router_logits.shape[0]
    router_scores = jnp.zeros_like(router_logits).at[jnp.arange(B)[:, None], sel_idx].set(probs)
    return router_scores, sel_idx

if __name__ == "__main__":
    import jax
    _d = setup_inputs()
    print(jax.jit(kernel)(*tuple(_d.values())))

</pallas_src>

<mosaic_0001>
#map = affine_map<(d0, d1) -> (0)>
#map1 = affine_map<(d0, d1) -> (0, 0)>
module attributes {stable_mosaic.version = 14 : i64} {
  func.func @new_body(%arg0: i32, %arg1: i32, %arg2: memref<131072xf32, #tpu.memory_space<hbm>>, %arg3: memref<8192x32xf32, #tpu.memory_space<hbm>>, %arg4: memref<8192x4xi32, #tpu.memory_space<hbm>>, %arg5: memref<8192x32xf32, #tpu.memory_space<hbm>>, %arg6: memref<8192x4xi32, #tpu.memory_space<hbm>>, %arg7: memref<4096xf32, #tpu.memory_space<vmem>>, %arg8: memref<128x32xf32, #tpu.memory_space<vmem>>, %arg9: memref<128x4xi32, #tpu.memory_space<vmem>>, %arg10: memref<!tpu.dma_semaphore, #tpu.memory_space<semaphore_mem>>) attributes {dimension_semantics = [#tpu.dimension_semantics<core_parallel>, #tpu.dimension_semantics<subcore_parallel>], iteration_bounds = array<i64: 2, 16>, scalar_prefetch = 0 : i64, scratch_operands = 4 : i64, tpu.core_type = #tpu.core_type<sc_vector_subcore>, window_params = [{transform_indices = #map}, {transform_indices = #map1}, {transform_indices = #map1}, {transform_indices = #map1}, {transform_indices = #map1}]} {
    %mul3A = arith.constant 2 : i32
    %mul3A_0 = arith.muli %arg1, %mul3A : i32
    %add3A = arith.addi %mul3A_0, %arg0 : i32
    %mul3A_1 = arith.constant 128 : i32
    %mul3A_2 = arith.muli %add3A, %mul3A_1 : i32
    %add3A_3 = arith.constant 4096 : i32
    %add3A_4 = arith.addi %add3A_3, %mul3A_2 : i32
    %mul3A_5 = arith.constant 32 : i32
    %mul3A_6 = arith.muli %add3A, %mul3A_5 : i32
    %mul3A_7 = arith.constant 128 : i32
    %mul3A_8 = arith.muli %mul3A_6, %mul3A_7 : i32
    %dma_start3A = tpu.memref_slice %arg2[%mul3A_8] : memref<131072xf32, #tpu.memory_space<hbm>> -> memref<4096xf32, #tpu.memory_space<hbm>>
    %dma_start3A_9 = tpu.memref_slice %arg2[%mul3A_8] : memref<131072xf32, #tpu.memory_space<hbm>> -> memref<4096xf32, #tpu.memory_space<hbm>>
    tpu.enqueue_dma source(%dma_start3A_9 : memref<4096xf32, #tpu.memory_space<hbm>>) target(%arg7 : memref<4096xf32, #tpu.memory_space<vmem>>) target_semaphore(%arg10 : memref<!tpu.dma_semaphore, #tpu.memory_space<semaphore_mem>>)
    %iota3A = tpu.iota {dimensions = array<i32: 0>} : vector<16xi32>
    %broadcast_in_dim3A = arith.constant 0.000000e+00 : f32
    %broadcast_in_dim3A_10 = vector.broadcast %broadcast_in_dim3A : f32 to vector<16xf32>
    %scan3A = arith.constant 0 : i32
    %scan3A_11 = arith.constant 0 : i32
    %scan3A_12 = arith.constant 128 : i32
    %scan3A_13 = arith.addi %scan3A_11, %scan3A_12 : i32
    %scan3A_14 = arith.constant 1 : i32
    scf.for %scan3A_23 = %scan3A_11 to %scan3A_13 step %scan3A_14  : i32 {
      %swap3A = arith.index_cast %scan3A_23 : i32 to index
      %swap3A_24 = arith.constant 0 : index
      %swap3A_25 = tpu.vector_load %arg8[%swap3A, %swap3A_24] {strides = array<i32>} : memref<128x32xf32, #tpu.memory_space<vmem>>, vector<16xf32>,
      tpu.vector_store %arg8[%swap3A, %swap3A_24], %broadcast_in_dim3A_10 {strides = array<i32>} : memref<128x32xf32, #tpu.memory_space<vmem>>, vector<16xf32>,
      %swap3A_26 = arith.index_cast %scan3A_23 : i32 to index
      %swap3A_27 = arith.constant 16 : index
      %swap3A_28 = tpu.vector_load %arg8[%swap3A_26, %swap3A_27] {strides = array<i32>} : memref<128x32xf32, #tpu.memory_space<vmem>>, vector<16xf32>,
      tpu.vector_store %arg8[%swap3A_26, %swap3A_27], %broadcast_in_dim3A_10 {strides = array<i32>} : memref<128x32xf32, #tpu.memory_space<vmem>>, vector<16xf32>,
    }
    %scan3A_15 = arith.constant 128 : i32
    %dma_wait3A = tpu.memref_slice %arg2[%mul3A_8] : memref<131072xf32, #tpu.memory_space<hbm>> -> memref<4096xf32, #tpu.memory_space<hbm>>
    %dma_wait3A_16 = tpu.memref_slice %arg2[%mul3A_8] : memref<131072xf32, #tpu.memory_space<hbm>> -> memref<4096xf32, #tpu.memory_space<hbm>>
    tpu.wait_dma2 semaphore(%arg10 : memref<!tpu.dma_semaphore, #tpu.memory_space<semaphore_mem>>) src(%dma_wait3A_16 : memref<4096xf32, #tpu.memory_space<hbm>>) dst(%arg7 : memref<4096xf32, #tpu.memory_space<vmem>>)
    %scan3A_17 = arith.constant 0 : i32
    %scan3A_18 = arith.constant 0 : i32
    %scan3A_19 = arith.constant 8 : i32
    %scan3A_20 = arith.addi %scan3A_18, %scan3A_19 : i32
    %scan3A_21 = arith.constant 1 : i32
    scf.for %scan3A_23 = %scan3A_18 to %scan3A_20 step %scan3A_21  : i32 {
      %mul3A_24 = arith.constant 16 : i32
      %mul3A_25 = arith.muli %scan3A_23, %mul3A_24 : i32
      %broadcast_in_dim3A_26 = arith.constant 0xFF800000 : f32
      %broadcast_in_dim3A_27 = vector.broadcast %broadcast_in_dim3A_26 : f32 to vector<16xf32>
      %broadcast_in_dim3A_28 = arith.constant 0 : i32
      %broadcast_in_dim3A_29 = vector.broadcast %broadcast_in_dim3A_28 : i32 to vector<16xi32>
      %get3A = arith.index_cast %mul3A_25 : i32 to index
      %get3A_30 = tpu.vector_load %arg7[%get3A] {strides = array<i32>} : memref<4096xf32, #tpu.memory_space<vmem>>, vector<16xf32>,
      %add3A_31 = arith.constant 128 : i32
      %add3A_32 = arith.addi %add3A_31, %mul3A_25 : i32
      %get3A_33 = arith.index_cast %add3A_32 : i32 to index
      %get3A_34 = tpu.vector_load %arg7[%get3A_33] {strides = array<i32>} : memref<4096xf32, #tpu.memory_space<vmem>>, vector<16xf32>,
      %broadcast_in_dim3A_35 = arith.constant 1 : i32
      %broadcast_in_dim3A_36 = vector.broadcast %broadcast_in_dim3A_35 : i32 to vector<16xi32>
      %gt3A = arith.cmpf ogt, %get3A_34, %get3A_30 : vector<16xf32>
      %gt3A_37 = arith.cmpf ogt, %get3A_34, %broadcast_in_dim3A_27 : vector<16xf32>
      %gt3A_38 = arith.cmpf ogt, %get3A_34, %broadcast_in_dim3A_27 : vector<16xf32>
      %gt3A_39 = arith.cmpf ogt, %get3A_34, %broadcast_in_dim3A_27 : vector<16xf32>
      %select_n3A = arith.select %gt3A, %get3A_34, %get3A_30 : vector<16xi1>, vector<16xf32>
      %select_n3A_40 = arith.select %gt3A_37, %get3A_34, %broadcast_in_dim3A_27 : vector<16xi1>, vector<16xf32>
      %select_n3A_41 = arith.select %gt3A, %get3A_30, %select_n3A_40 : vector<16xi1>, vector<16xf32>
      %select_n3A_42 = arith.select %gt3A_38, %get3A_34, %broadcast_in_dim3A_27 : vector<16xi1>, vector<16xf32>
      %select_n3A_43 = arith.select %gt3A_37, %broadcast_in_dim3A_27, %select_n3A_42 : vector<16xi1>, vector<16xf32>
      %select_n3A_44 = arith.select %gt3A_39, %get3A_34, %broadcast_in_dim3A_27 : vector<16xi1>, vector<16xf32>
      %select_n3A_45 = arith.select %gt3A_38, %broadcast_in_dim3A_27, %select_n3A_44 : vector<16xi1>, vector<16xf32>
      %select_n3A_46 = arith.select %gt3A, %broadcast_in_dim3A_36, %broadcast_in_dim3A_29 : vector<16xi1>, vector<16xi32>
      %select_n3A_47 = arith.select %gt3A_37, %broadcast_in_dim3A_36, %broadcast_in_dim3A_29 : vector<16xi1>, vector<16xi32>
      %select_n3A_48 = arith.select %gt3A, %broadcast_in_dim3A_29, %select_n3A_47 : vector<16xi1>, vector<16xi32>
      %select_n3A_49 = arith.select %gt3A_38, %broadcast_in_dim3A_36, %broadcast_in_dim3A_29 : vector<16xi1>, vector<16xi32>
      %select_n3A_50 = arith.select %gt3A_37, %broadcast_in_dim3A_29, %select_n3A_49 : vector<16xi1>, vector<16xi32>
      %select_n3A_51 = arith.select %gt3A_39, %broadcast_in_dim3A_36, %broadcast_in_dim3A_29 : vector<16xi1>, vector<16xi32>
      %select_n3A_52 = arith.select %gt3A_38, %broadcast_in_dim3A_29, %select_n3A_51 : vector<16xi1>, vector<16xi32>
      %add3A_53 = arith.constant 256 : i32
      %add3A_54 = arith.addi %add3A_53, %mul3A_25 : i32
      %get3A_55 = arith.index_cast %add3A_54 : i32 to index
      %get3A_56 = tpu.vector_load %arg7[%get3A_55] {strides = array<i32>} : memref<4096xf32, #tpu.memory_space<vmem>>, vector<16xf32>,
      %broadcast_in_dim3A_57 = arith.constant 2 : i32
      %broadcast_in_dim3A_58 = vector.broadcast %broadcast_in_dim3A_57 : i32 to vector<16xi32>
      %gt3A_59 = arith.cmpf ogt, %get3A_56, %select_n3A : vector<16xf32>
      %gt3A_60 = arith.cmpf ogt, %get3A_56, %select_n3A_41 : vector<16xf32>
      %gt3A_61 = arith.cmpf ogt, %get3A_56, %select_n3A_43 : vector<16xf32>
      %gt3A_62 = arith.cmpf ogt, %get3A_56, %select_n3A_45 : vector<16xf32>
      %select_n3A_63 = arith.select %gt3A_59, %get3A_56, %select_n3A : vector<16xi1>, vector<16xf32>
      %select_n3A_64 = arith.select %gt3A_60, %get3A_56, %select_n3A_41 : vector<16xi1>, vector<16xf32>
      %select_n3A_65 = arith.select %gt3A_59, %select_n3A, %select_n3A_64 : vector<16xi1>, vector<16xf32>
      %select_n3A_66 = arith.select %gt3A_61, %get3A_56, %select_n3A_43 : vector<16xi1>, vector<16xf32>
      %select_n3A_67 = arith.select %gt3A_60, %select_n3A_41, %select_n3A_66 : vector<16xi1>, vector<16xf32>
      %select_n3A_68 = arith.select %gt3A_62, %get3A_56, %select_n3A_45 : vector<16xi1>, vector<16xf32>
      %select_n3A_69 = arith.select %gt3A_61, %select_n3A_43, %select_n3A_68 : vector<16xi1>, vector<16xf32>
      %select_n3A_70 = arith.select %gt3A_59, %broadcast_in_dim3A_58, %select_n3A_46 : vector<16xi1>, vector<16xi32>
      %select_n3A_71 = arith.select %gt3A_60, %broadcast_in_dim3A_58, %select_n3A_48 : vector<16xi1>, vector<16xi32>
      %select_n3A_72 = arith.select %gt3A_59, %select_n3A_46, %select_n3A_71 : vector<16xi1>, vector<16xi32>
      %select_n3A_73 = arith.select %gt3A_61, %broadcast_in_dim3A_58, %select_n3A_50 : vector<16xi1>, vector<16xi32>
      %select_n3A_74 = arith.select %gt3A_60, %select_n3A_48, %select_n3A_73 : vector<16xi1>, vector<16xi32>
      %select_n3A_75 = arith.select %gt3A_62, %broadcast_in_dim3A_58, %select_n3A_52 : vector<16xi1>, vector<16xi32>
      %select_n3A_76 = arith.select %gt3A_61, %select_n3A_50, %select_n3A_75 : vector<16xi1>, vector<16xi32>
      %add3A_77 = arith.constant 384 : i32
      %add3A_78 = arith.addi %add3A_77, %mul3A_25 : i32
      %get3A_79 = arith.index_cast %add3A_78 : i32 to index
      %get3A_80 = tpu.vector_load %arg7[%get3A_79] {strides = array<i32>} : memref<4096xf32, #tpu.memory_space<vmem>>, vector<16xf32>,
      %broadcast_in_dim3A_81 = arith.constant 3 : i32
      %broadcast_in_dim3A_82 = vector.broadcast %broadcast_in_dim3A_81 : i32 to vector<16xi32>
      %gt3A_83 = arith.cmpf ogt, %get3A_80, %select_n3A_63 : vector<16xf32>
      %gt3A_84 = arith.cmpf ogt, %get3A_80, %select_n3A_65 : vector<16xf32>
      %gt3A_85 = arith.cmpf ogt, %get3A_80, %select_n3A_67 : vector<16xf32>
      %gt3A_86 = arith.cmpf ogt, %get3A_80, %select_n3A_69 : vector<16xf32>
      %select_n3A_87 = arith.select %gt3A_83, %get3A_80, %select_n3A_63 : vector<16xi1>, vector<16xf32>
      %select_n3A_88 = arith.select %gt3A_84, %get3A_80, %select_n3A_65 : vector<16xi1>, vector<16xf32>
      %select_n3A_89 = arith.select %gt3A_83, %select_n3A_63, %select_n3A_88 : vector<16xi1>, vector<16xf32>
      %select_n3A_90 = arith.select %gt3A_85, %get3A_80, %select_n3A_67 : vector<16xi1>, vector<16xf32>
      %select_n3A_91 = arith.select %gt3A_84, %select_n3A_65, %select_n3A_90 : vector<16xi1>, vector<16xf32>
      %select_n3A_92 = arith.select %gt3A_86, %get3A_80, %select_n3A_69 : vector<16xi1>, vector<16xf32>
      %select_n3A_93 = arith.select %gt3A_85, %select_n3A_67, %select_n3A_92 : vector<16xi1>, vector<16xf32>
      %select_n3A_94 = arith.select %gt3A_83, %broadcast_in_dim3A_82, %select_n3A_70 : vector<16xi1>, vector<16xi32>
      %select_n3A_95 = arith.select %gt3A_84, %broadcast_in_dim3A_82, %select_n3A_72 : vector<16xi1>, vector<16xi32>
      %select_n3A_96 = arith.select %gt3A_83, %select_n3A_70, %select_n3A_95 : vector<16xi1>, vector<16xi32>
      %select_n3A_97 = arith.select %gt3A_85, %broadcast_in_dim3A_82, %select_n3A_74 : vector<16xi1>, vector<16xi32>
      %select_n3A_98 = arith.select %gt3A_84, %select_n3A_72, %select_n3A_97 : vector<16xi1>, vector<16xi32>
      %select_n3A_99 = arith.select %gt3A_86, %broadcast_in_dim3A_82, %select_n3A_76 : vector<16xi1>, vector<16xi32>
      %select_n3A_100 = arith.select %gt3A_85, %select_n3A_74, %select_n3A_99 : vector<16xi1>, vector<16xi32>
      %add3A_101 = arith.constant 512 : i32
      %add3A_102 = arith.addi %add3A_101, %mul3A_25 : i32
      %get3A_103 = arith.index_cast %add3A_102 : i32 to index
      %get3A_104 = tpu.vector_load %arg7[%get3A_103] {strides = array<i32>} : memref<4096xf32, #tpu.memory_space<vmem>>, vector<16xf32>,
      %broadcast_in_dim3A_105 = arith.constant 4 : i32
      %broadcast_in_dim3A_106 = vector.broadcast %broadcast_in_dim3A_105 : i32 to vector<16xi32>
      %gt3A_107 = arith.cmpf ogt, %get3A_104, %select_n3A_87 : vector<16xf32>
      %gt3A_108 = arith.cmpf ogt, %get3A_104, %select_n3A_89 : vector<16xf32>
      %gt3A_109 = arith.cmpf ogt, %get3A_104, %select_n3A_91 : vector<16xf32>
      %gt3A_110 = arith.cmpf ogt, %get3A_104, %select_n3A_93 : vector<16xf32>
      %select_n3A_111 = arith.select %gt3A_107, %get3A_104, %select_n3A_87 : vector<16xi1>, vector<16xf32>
      %select_n3A_112 = arith.select %gt3A_108, %get3A_104, %select_n3A_89 : vector<16xi1>, vector<16xf32>
      %select_n3A_113 = arith.select %gt3A_107, %select_n3A_87, %select_n3A_112 : vector<16xi1>, vector<16xf32>
      %select_n3A_114 = arith.select %gt3A_109, %get3A_104, %select_n3A_91 : vector<16xi1>, vector<16xf32>
      %select_n3A_115 = arith.select %gt3A_108, %select_n3A_89, %select_n3A_114 : vector<16xi1>, vector<16xf32>
      %select_n3A_116 = arith.select %gt3A_110, %get3A_104, %select_n3A_93 : vector<16xi1>, vector<16xf32>
      %select_n3A_117 = arith.select %gt3A_109, %select_n3A_91, %select_n3A_116 : vector<16xi1>, vector<16xf32>
      %select_n3A_118 = arith.select %gt3A_107, %broadcast_in_dim3A_106, %select_n3A_94 : vector<16xi1>, vector<16xi32>
      %select_n3A_119 = arith.select %gt3A_108, %broadcast_in_dim3A_106, %select_n3A_96 : vector<16xi1>, vector<16xi32>
      %select_n3A_120 = arith.select %gt3A_107, %select_n3A_94, %select_n3A_119 : vector<16xi1>, vector<16xi32>
      %select_n3A_121 = arith.select %gt3A_109, %broadcast_in_dim3A_106, %select_n3A_98 : vector<16xi1>, vector<16xi32>
      %select_n3A_122 = arith.select %gt3A_108, %select_n3A_96, %select_n3A_121 : vector<16xi1>, vector<16xi32>
      %select_n3A_123 = arith.select %gt3A_110, %broadcast_in_dim3A_106, %select_n3A_100 : vector<16xi1>, vector<16xi32>
      %select_n3A_124 = arith.select %gt3A_109, %select_n3A_98, %select_n3A_123 : vector<16xi1>, vector<16xi32>
      %add3A_125 = arith.constant 640 : i32
      %add3A_126 = arith.addi %add3A_125, %mul3A_25 : i32
      %get3A_127 = arith.index_cast %add3A_126 : i32 to index
      %get3A_128 = tpu.vector_load %arg7[%get3A_127] {strides = array<i32>} : memref<4096xf32, #tpu.memory_space<vmem>>, vector<16xf32>,
      %broadcast_in_dim3A_129 = arith.constant 5 : i32
      %broadcast_in_dim3A_130 = vector.broadcast %broadcast_in_dim3A_129 : i32 to vector<16xi32>
      %gt3A_131 = arith.cmpf ogt, %get3A_128, %select_n3A_111 : vector<16xf32>
      %gt3A_132 = arith.cmpf ogt, %get3A_128, %select_n3A_113 : vector<16xf32>
      %gt3A_133 = arith.cmpf ogt, %get3A_128, %select_n3A_115 : vector<16xf32>
      %gt3A_134 = arith.cmpf ogt, %get3A_128, %select_n3A_117 : vector<16xf32>
      %select_n3A_135 = arith.select %gt3A_131, %get3A_128, %select_n3A_111 : vector<16xi1>, vector<16xf32>
      %select_n3A_136 = arith.select %gt3A_132, %get3A_128, %select_n3A_113 : vector<16xi1>, vector<16xf32>
      %select_n3A_137 = arith.select %gt3A_131, %select_n3A_111, %select_n3A_136 : vector<16xi1>, vector<16xf32>
      %select_n3A_138 = arith.select %gt3A_133, %get3A_128, %select_n3A_115 : vector<16xi1>, vector<16xf32>
      %select_n3A_139 = arith.select %gt3A_132, %select_n3A_113, %select_n3A_138 : vector<16xi1>, vector<16xf32>
      %select_n3A_140 = arith.select %gt3A_134, %get3A_128, %select_n3A_117 : vector<16xi1>, vector<16xf32>
      %select_n3A_141 = arith.select %gt3A_133, %select_n3A_115, %select_n3A_140 : vector<16xi1>, vector<16xf32>
      %select_n3A_142 = arith.select %gt3A_131, %broadcast_in_dim3A_130, %select_n3A_118 : vector<16xi1>, vector<16xi32>
      %select_n3A_143 = arith.select %gt3A_132, %broadcast_in_dim3A_130, %select_n3A_120 : vector<16xi1>, vector<16xi32>
      %select_n3A_144 = arith.select %gt3A_131, %select_n3A_118, %select_n3A_143 : vector<16xi1>, vector<16xi32>
      %select_n3A_145 = arith.select %gt3A_133, %broadcast_in_dim3A_130, %select_n3A_122 : vector<16xi1>, vector<16xi32>
      %select_n3A_146 = arith.select %gt3A_132, %select_n3A_120, %select_n3A_145 : vector<16xi1>, vector<16xi32>
      %select_n3A_147 = arith.select %gt3A_134, %broadcast_in_dim3A_130, %select_n3A_124 : vector<16xi1>, vector<16xi32>
      %select_n3A_148 = arith.select %gt3A_133, %select_n3A_122, %select_n3A_147 : vector<16xi1>, vector<16xi32>
      %add3A_149 = arith.constant 768 : i32
      %add3A_150 = arith.addi %add3A_149, %mul3A_25 : i32
      %get3A_151 = arith.index_cast %add3A_150 : i32 to index
      %get3A_152 = tpu.vector_load %arg7[%get3A_151] {strides = array<i32>} : memref<4096xf32, #tpu.memory_space<vmem>>, vector<16xf32>,
      %broadcast_in_dim3A_153 = arith.constant 6 : i32
      %broadcast_in_dim3A_154 = vector.broadcast %broadcast_in_dim3A_153 : i32 to vector<16xi32>
      %gt3A_155 = arith.cmpf ogt, %get3A_152, %select_n3A_135 : vector<16xf32>
      %gt3A_156 = arith.cmpf ogt, %get3A_152, %select_n3A_137 : vector<16xf32>
      %gt3A_157 = arith.cmpf ogt, %get3A_152, %select_n3A_139 : vector<16xf32>
      %gt3A_158 = arith.cmpf ogt, %get3A_152, %select_n3A_141 : vector<16xf32>
      %select_n3A_159 = arith.select %gt3A_155, %get3A_152, %select_n3A_135 : vector<16xi1>, vector<16xf32>
      %select_n3A_160 = arith.select %gt3A_156, %get3A_152, %select_n3A_137 : vector<16xi1>, vector<16xf32>
      %select_n3A_161 = arith.select %gt3A_155, %select_n3A_135, %select_n3A_160 : vector<16xi1>, vector<16xf32>
      %select_n3A_162 = arith.select %gt3A_157, %get3A_152, %select_n3A_139 : vector<16xi1>, vector<16xf32>
      %select_n3A_163 = arith.select %gt3A_156, %select_n3A_137, %select_n3A_162 : vector<16xi1>, vector<16xf32>
      %select_n3A_164 = arith.select %gt3A_158, %get3A_152, %select_n3A_141 : vector<16xi1>, vector<16xf32>
      %select_n3A_165 = arith.select %gt3A_157, %select_n3A_139, %select_n3A_164 : vector<16xi1>, vector<16xf32>
      %select_n3A_166 = arith.select %gt3A_155, %broadcast_in_dim3A_154, %select_n3A_142 : vector<16xi1>, vector<16xi32>
      %select_n3A_167 = arith.select %gt3A_156, %broadcast_in_dim3A_154, %select_n3A_144 : vector<16xi1>, vector<16xi32>
      %select_n3A_168 = arith.select %gt3A_155, %select_n3A_142, %select_n3A_167 : vector<16xi1>, vector<16xi32>
      %select_n3A_169 = arith.select %gt3A_157, %broadcast_in_dim3A_154, %select_n3A_146 : vector<16xi1>, vector<16xi32>
      %select_n3A_170 = arith.select %gt3A_156, %select_n3A_144, %select_n3A_169 : vector<16xi1>, vector<16xi32>
      %select_n3A_171 = arith.select %gt3A_158, %broadcast_in_dim3A_154, %select_n3A_148 : vector<16xi1>, vector<16xi32>
      %select_n3A_172 = arith.select %gt3A_157, %select_n3A_146, %select_n3A_171 : vector<16xi1>, vector<16xi32>
      %add3A_173 = arith.constant 896 : i32
      %add3A_174 = arith.addi %add3A_173, %mul3A_25 : i32
      %get3A_175 = arith.index_cast %add3A_174 : i32 to index
      %get3A_176 = tpu.vector_load %arg7[%get3A_175] {strides = array<i32>} : memref<4096xf32, #tpu.memory_space<vmem>>, vector<16xf32>,
      %broadcast_in_dim3A_177 = arith.constant 7 : i32
      %broadcast_in_dim3A_178 = vector.broadcast %broadcast_in_dim3A_177 : i32 to vector<16xi32>
      %gt3A_179 = arith.cmpf ogt, %get3A_176, %select_n3A_159 : vector<16xf32>
      %gt3A_180 = arith.cmpf ogt, %get3A_176, %select_n3A_161 : vector<16xf32>
      %gt3A_181 = arith.cmpf ogt, %get3A_176, %select_n3A_163 : vector<16xf32>
      %gt3A_182 = arith.cmpf ogt, %get3A_176, %select_n3A_165 : vector<16xf32>
      %select_n3A_183 = arith.select %gt3A_179, %get3A_176, %select_n3A_159 : vector<16xi1>, vector<16xf32>
      %select_n3A_184 = arith.select %gt3A_180, %get3A_176, %select_n3A_161 : vector<16xi1>, vector<16xf32>
      %select_n3A_185 = arith.select %gt3A_179, %select_n3A_159, %select_n3A_184 : vector<16xi1>, vector<16xf32>
      %select_n3A_186 = arith.select %gt3A_181, %get3A_176, %select_n3A_163 : vector<16xi1>, vector<16xf32>
      %select_n3A_187 = arith.select %gt3A_180, %select_n3A_161, %select_n3A_186 : vector<16xi1>, vector<16xf32>
      %select_n3A_188 = arith.select %gt3A_182, %get3A_176, %select_n3A_165 : vector<16xi1>, vector<16xf32>
      %select_n3A_189 = arith.select %gt3A_181, %select_n3A_163, %select_n3A_188 : vector<16xi1>, vector<16xf32>
      %select_n3A_190 = arith.select %gt3A_179, %broadcast_in_dim3A_178, %select_n3A_166 : vector<16xi1>, vector<16xi32>
      %select_n3A_191 = arith.select %gt3A_180, %broadcast_in_dim3A_178, %select_n3A_168 : vector<16xi1>, vector<16xi32>
      %select_n3A_192 = arith.select %gt3A_179, %select_n3A_166, %select_n3A_191 : vector<16xi1>, vector<16xi32>
      %select_n3A_193 = arith.select %gt3A_181, %broadcast_in_dim3A_178, %select_n3A_170 : vector<16xi1>, vector<16xi32>
      %select_n3A_194 = arith.select %gt3A_180, %select_n3A_168, %select_n3A_193 : vector<16xi1>, vector<16xi32>
      %select_n3A_195 = arith.select %gt3A_182, %broadcast_in_dim3A_178, %select_n3A_172 : vector<16xi1>, vector<16xi32>
      %select_n3A_196 = arith.select %gt3A_181, %select_n3A_170, %select_n3A_195 : vector<16xi1>, vector<16xi32>
      %add3A_197 = arith.constant 1024 : i32
      %add3A_198 = arith.addi %add3A_197, %mul3A_25 : i32
      %get3A_199 = arith.index_cast %add3A_198 : i32 to index
      %get3A_200 = tpu.vector_load %arg7[%get3A_199] {strides = array<i32>} : memref<4096xf32, #tpu.memory_space<vmem>>, vector<16xf32>,
      %broadcast_in_dim3A_201 = arith.constant 8 : i32
      %broadcast_in_dim3A_202 = vector.broadcast %broadcast_in_dim3A_201 : i32 to vector<16xi32>
      %gt3A_203 = arith.cmpf ogt, %get3A_200, %select_n3A_183 : vector<16xf32>
      %gt3A_204 = arith.cmpf ogt, %get3A_200, %select_n3A_185 : vector<16xf32>
      %gt3A_205 = arith.cmpf ogt, %get3A_200, %select_n3A_187 : vector<16xf32>
      %gt3A_206 = arith.cmpf ogt, %get3A_200, %select_n3A_189 : vector<16xf32>
      %select_n3A_207 = arith.select %gt3A_203, %get3A_200, %select_n3A_183 : vector<16xi1>, vector<16xf32>
      %select_n3A_208 = arith.select %gt3A_204, %get3A_200, %select_n3A_185 : vector<16xi1>, vector<16xf32>
      %select_n3A_209 = arith.select %gt3A_203, %select_n3A_183, %select_n3A_208 : vector<16xi1>, vector<16xf32>
      %select_n3A_210 = arith.select %gt3A_205, %get3A_200, %select_n3A_187 : vector<16xi1>, vector<16xf32>
      %select_n3A_211 = arith.select %gt3A_204, %select_n3A_185, %select_n3A_210 : vector<16xi1>, vector<16xf32>
      %select_n3A_212 = arith.select %gt3A_206, %get3A_200, %select_n3A_189 : vector<16xi1>, vector<16xf32>
      %select_n3A_213 = arith.select %gt3A_205, %select_n3A_187, %select_n3A_212 : vector<16xi1>, vector<16xf32>
      %select_n3A_214 = arith.select %gt3A_203, %broadcast_in_dim3A_202, %select_n3A_190 : vector<16xi1>, vector<16xi32>
      %select_n3A_215 = arith.select %gt3A_204, %broadcast_in_dim3A_202, %select_n3A_192 : vector<16xi1>, vector<16xi32>
      %select_n3A_216 = arith.select %gt3A_203, %select_n3A_190, %select_n3A_215 : vector<16xi1>, vector<16xi32>
      %select_n3A_217 = arith.select %gt3A_205, %broadcast_in_dim3A_202, %select_n3A_194 : vector<16xi1>, vector<16xi32>
      %select_n3A_218 = arith.select %gt3A_204, %select_n3A_192, %select_n3A_217 : vector<16xi1>, vector<16xi32>
      %select_n3A_219 = arith.select %gt3A_206, %broadcast_in_dim3A_202, %select_n3A_196 : vector<16xi1>, vector<16xi32>
      %select_n3A_220 = arith.select %gt3A_205, %select_n3A_194, %select_n3A_219 : vector<16xi1>, vector<16xi32>
      %add3A_221 = arith.constant 1152 : i32
      %add3A_222 = arith.addi %add3A_221, %mul3A_25 : i32
      %get3A_223 = arith.index_cast %add3A_222 : i32 to index
      %get3A_224 = tpu.vector_load %arg7[%get3A_223] {strides = array<i32>} : memref<4096xf32, #tpu.memory_space<vmem>>, vector<16xf32>,
      %broadcast_in_dim3A_225 = arith.constant 9 : i32
      %broadcast_in_dim3A_226 = vector.broadcast %broadcast_in_dim3A_225 : i32 to vector<16xi32>
      %gt3A_227 = arith.cmpf ogt, %get3A_224, %select_n3A_207 : vector<16xf32>
      %gt3A_228 = arith.cmpf ogt, %get3A_224, %select_n3A_209 : vector<16xf32>
      %gt3A_229 = arith.cmpf ogt, %get3A_224, %select_n3A_211 : vector<16xf32>
      %gt3A_230 = arith.cmpf ogt, %get3A_224, %select_n3A_213 : vector<16xf32>
      %select_n3A_231 = arith.select %gt3A_227, %get3A_224, %select_n3A_207 : vector<16xi1>, vector<16xf32>
      %select_n3A_232 = arith.select %gt3A_228, %get3A_224, %select_n3A_209 : vector<16xi1>, vector<16xf32>
      %select_n3A_233 = arith.select %gt3A_227, %select_n3A_207, %select_n3A_232 : vector<16xi1>, vector<16xf32>
      %select_n3A_234 = arith.select %gt3A_229, %get3A_224, %select_n3A_211 : vector<16xi1>, vector<16xf32>
      %select_n3A_235 = arith.select %gt3A_228, %select_n3A_209, %select_n3A_234 : vector<16xi1>, vector<16xf32>
      %select_n3A_236 = arith.select %gt3A_230, %get3A_224, %select_n3A_213 : vector<16xi1>, vector<16xf32>
      %select_n3A_237 = arith.select %gt3A_229, %select_n3A_211, %select_n3A_236 : vector<16xi1>, vector<16xf32>
      %select_n3A_238 = arith.select %gt3A_227, %broadcast_in_dim3A_226, %select_n3A_214 : vector<16xi1>, vector<16xi32>
      %select_n3A_239 = arith.select %gt3A_228, %broadcast_in_dim3A_226, %select_n3A_216 : vector<16xi1>, vector<16xi32>
      %select_n3A_240 = arith.select %gt3A_227, %select_n3A_214, %select_n3A_239 : vector<16xi1>, vector<16xi32>
      %select_n3A_241 = arith.select %gt3A_229, %broadcast_in_dim3A_226, %select_n3A_218 : vector<16xi1>, vector<16xi32>
      %select_n3A_242 = arith.select %gt3A_228, %select_n3A_216, %select_n3A_241 : vector<16xi1>, vector<16xi32>
      %select_n3A_243 = arith.select %gt3A_230, %broadcast_in_dim3A_226, %select_n3A_220 : vector<16xi1>, vector<16xi32>
      %select_n3A_244 = arith.select %gt3A_229, %select_n3A_218, %select_n3A_243 : vector<16xi1>, vector<16xi32>
      %add3A_245 = arith.constant 1280 : i32
      %add3A_246 = arith.addi %add3A_245, %mul3A_25 : i32
      %get3A_247 = arith.index_cast %add3A_246 : i32 to index
      %get3A_248 = tpu.vector_load %arg7[%get3A_247] {strides = array<i32>} : memref<4096xf32, #tpu.memory_space<vmem>>, vector<16xf32>,
      %broadcast_in_dim3A_249 = arith.constant 10 : i32
      %broadcast_in_dim3A_250 = vector.broadcast %broadcast_in_dim3A_249 : i32 to vector<16xi32>
      %gt3A_251 = arith.cmpf ogt, %get3A_248, %select_n3A_231 : vector<16xf32>
      %gt3A_252 = arith.cmpf ogt, %get3A_248, %select_n3A_233 : vector<16xf32>
      %gt3A_253 = arith.cmpf ogt, %get3A_248, %select_n3A_235 : vector<16xf32>
      %gt3A_254 = arith.cmpf ogt, %get3A_248, %select_n3A_237 : vector<16xf32>
      %select_n3A_255 = arith.select %gt3A_251, %get3A_248, %select_n3A_231 : vector<16xi1>, vector<16xf32>
      %select_n3A_256 = arith.select %gt3A_252, %get3A_248, %select_n3A_233 : vector<16xi1>, vector<16xf32>
      %select_n3A_257 = arith.select %gt3A_251, %select_n3A_231, %select_n3A_256 : vector<16xi1>, vector<16xf32>
      %select_n3A_258 = arith.select %gt3A_253, %get3A_248, %select_n3A_235 : vector<16xi1>, vector<16xf32>
      %select_n3A_259 = arith.select %gt3A_252, %select_n3A_233, %select_n3A_258 : vector<16xi1>, vector<16xf32>
      %select_n3A_260 = arith.select %gt3A_254, %get3A_248, %select_n3A_237 : vector<16xi1>, vector<16xf32>
      %select_n3A_261 = arith.select %gt3A_253, %select_n3A_235, %select_n3A_260 : vector<16xi1>, vector<16xf32>
      %select_n3A_262 = arith.select %gt3A_251, %broadcast_in_dim3A_250, %select_n3A_238 : vector<16xi1>, vector<16xi32>
      %select_n3A_263 = arith.select %gt3A_252, %broadcast_in_dim3A_250, %select_n3A_240 : vector<16xi1>, vector<16xi32>
      %select_n3A_264 = arith.select %gt3A_251, %select_n3A_238, %select_n3A_263 : vector<16xi1>, vector<16xi32>
      %select_n3A_265 = arith.select %gt3A_253, %broadcast_in_dim3A_250, %select_n3A_242 : vector<16xi1>, vector<16xi32>
      %select_n3A_266 = arith.select %gt3A_252, %select_n3A_240, %select_n3A_265 : vector<16xi1>, vector<16xi32>
      %select_n3A_267 = arith.select %gt3A_254, %broadcast_in_dim3A_250, %select_n3A_244 : vector<16xi1>, vector<16xi32>
      %select_n3A_268 = arith.select %gt3A_253, %select_n3A_242, %select_n3A_267 : vector<16xi1>, vector<16xi32>
      %add3A_269 = arith.constant 1408 : i32
      %add3A_270 = arith.addi %add3A_269, %mul3A_25 : i32
      %get3A_271 = arith.index_cast %add3A_270 : i32 to index
      %get3A_272 = tpu.vector_load %arg7[%get3A_271] {strides = array<i32>} : memref<4096xf32, #tpu.memory_space<vmem>>, vector<16xf32>,
      %broadcast_in_dim3A_273 = arith.constant 11 : i32
      %broadcast_in_dim3A_274 = vector.broadcast %broadcast_in_dim3A_273 : i32 to vector<16xi32>
      %gt3A_275 = arith.cmpf ogt, %get3A_272, %select_n3A_255 : vector<16xf32>
      %gt3A_276 = arith.cmpf ogt, %get3A_272, %select_n3A_257 : vector<16xf32>
      %gt3A_277 = arith.cmpf ogt, %get3A_272, %select_n3A_259 : vector<16xf32>
      %gt3A_278 = arith.cmpf ogt, %get3A_272, %select_n3A_261 : vector<16xf32>
      %select_n3A_279 = arith.select %gt3A_275, %get3A_272, %select_n3A_255 : vector<16xi1>, vector<16xf32>
      %select_n3A_280 = arith.select %gt3A_276, %get3A_272, %select_n3A_257 : vector<16xi1>, vector<16xf32>
      %select_n3A_281 = arith.select %gt3A_275, %select_n3A_255, %select_n3A_280 : vector<16xi1>, vector<16xf32>
      %select_n3A_282 = arith.select %gt3A_277, %get3A_272, %select_n3A_259 : vector<16xi1>, vector<16xf32>
      %select_n3A_283 = arith.select %gt3A_276, %select_n3A_257, %select_n3A_282 : vector<16xi1>, vector<16xf32>
      %select_n3A_284 = arith.select %gt3A_278, %get3A_272, %select_n3A_261 : vector<16xi1>, vector<16xf32>
      %select_n3A_285 = arith.select %gt3A_277, %select_n3A_259, %select_n3A_284 : vector<16xi1>, vector<16xf32>
      %select_n3A_286 = arith.select %gt3A_275, %broadcast_in_dim3A_274, %select_n3A_262 : vector<16xi1>, vector<16xi32>
      %select_n3A_287 = arith.select %gt3A_276, %broadcast_in_dim3A_274, %select_n3A_264 : vector<16xi1>, vector<16xi32>
      %select_n3A_288 = arith.select %gt3A_275, %select_n3A_262, %select_n3A_287 : vector<16xi1>, vector<16xi32>
      %select_n3A_289 = arith.select %gt3A_277, %broadcast_in_dim3A_274, %select_n3A_266 : vector<16xi1>, vector<16xi32>
      %select_n3A_290 = arith.select %gt3A_276, %select_n3A_264, %select_n3A_289 : vector<16xi1>, vector<16xi32>
      %select_n3A_291 = arith.select %gt3A_278, %broadcast_in_dim3A_274, %select_n3A_268 : vector<16xi1>, vector<16xi32>
      %select_n3A_292 = arith.select %gt3A_277, %select_n3A_266, %select_n3A_291 : vector<16xi1>, vector<16xi32>
      %add3A_293 = arith.constant 1536 : i32
      %add3A_294 = arith.addi %add3A_293, %mul3A_25 : i32
      %get3A_295 = arith.index_cast %add3A_294 : i32 to index
      %get3A_296 = tpu.vector_load %arg7[%get3A_295] {strides = array<i32>} : memref<4096xf32, #tpu.memory_space<vmem>>, vector<16xf32>,
      %broadcast_in_dim3A_297 = arith.constant 12 : i32
      %broadcast_in_dim3A_298 = vector.broadcast %broadcast_in_dim3A_297 : i32 to vector<16xi32>
      %gt3A_299 = arith.cmpf ogt, %get3A_296, %select_n3A_279 : vector<16xf32>
      %gt3A_300 = arith.cmpf ogt, %get3A_296, %select_n3A_281 : vector<16xf32>
      %gt3A_301 = arith.cmpf ogt, %get3A_296, %select_n3A_283 : vector<16xf32>
      %gt3A_302 = arith.cmpf ogt, %get3A_296, %select_n3A_285 : vector<16xf32>
      %select_n3A_303 = arith.select %gt3A_299, %get3A_296, %select_n3A_279 : vector<16xi1>, vector<16xf32>
      %select_n3A_304 = arith.select %gt3A_300, %get3A_296, %select_n3A_281 : vector<16xi1>, vector<16xf32>
      %select_n3A_305 = arith.select %gt3A_299, %select_n3A_279, %select_n3A_304 : vector<16xi1>, vector<16xf32>
      %select_n3A_306 = arith.select %gt3A_301, %get3A_296, %select_n3A_283 : vector<16xi1>, vector<16xf32>
      %select_n3A_307 = arith.select %gt3A_300, %select_n3A_281, %select_n3A_306 : vector<16xi1>, vector<16xf32>
      %select_n3A_308 = arith.select %gt3A_302, %get3A_296, %select_n3A_285 : vector<16xi1>, vector<16xf32>
      %select_n3A_309 = arith.select %gt3A_301, %select_n3A_283, %select_n3A_308 : vector<16xi1>, vector<16xf32>
      %select_n3A_310 = arith.select %gt3A_299, %broadcast_in_dim3A_298, %select_n3A_286 : vector<16xi1>, vector<16xi32>
      %select_n3A_311 = arith.select %gt3A_300, %broadcast_in_dim3A_298, %select_n3A_288 : vector<16xi1>, vector<16xi32>
      %select_n3A_312 = arith.select %gt3A_299, %select_n3A_286, %select_n3A_311 : vector<16xi1>, vector<16xi32>
      %select_n3A_313 = arith.select %gt3A_301, %broadcast_in_dim3A_298, %select_n3A_290 : vector<16xi1>, vector<16xi32>
      %select_n3A_314 = arith.select %gt3A_300, %select_n3A_288, %select_n3A_313 : vector<16xi1>, vector<16xi32>
      %select_n3A_315 = arith.select %gt3A_302, %broadcast_in_dim3A_298, %select_n3A_292 : vector<16xi1>, vector<16xi32>
      %select_n3A_316 = arith.select %gt3A_301, %select_n3A_290, %select_n3A_315 : vector<16xi1>, vector<16xi32>
      %add3A_317 = arith.constant 1664 : i32
      %add3A_318 = arith.addi %add3A_317, %mul3A_25 : i32
      %get3A_319 = arith.index_cast %add3A_318 : i32 to index
      %get3A_320 = tpu.vector_load %arg7[%get3A_319] {strides = array<i32>} : memref<4096xf32, #tpu.memory_space<vmem>>, vector<16xf32>,
      %broadcast_in_dim3A_321 = arith.constant 13 : i32
      %broadcast_in_dim3A_322 = vector.broadcast %broadcast_in_dim3A_321 : i32 to vector<16xi32>
      %gt3A_323 = arith.cmpf ogt, %get3A_320, %select_n3A_303 : vector<16xf32>
      %gt3A_324 = arith.cmpf ogt, %get3A_320, %select_n3A_305 : vector<16xf32>
      %gt3A_325 = arith.cmpf ogt, %get3A_320, %select_n3A_307 : vector<16xf32>
      %gt3A_326 = arith.cmpf ogt, %get3A_320, %select_n3A_309 : vector<16xf32>
      %select_n3A_327 = arith.select %gt3A_323, %get3A_320, %select_n3A_303 : vector<16xi1>, vector<16xf32>
      %select_n3A_328 = arith.select %gt3A_324, %get3A_320, %select_n3A_305 : vector<16xi1>, vector<16xf32>
      %select_n3A_329 = arith.select %gt3A_323, %select_n3A_303, %select_n3A_328 : vector<16xi1>, vector<16xf32>
      %select_n3A_330 = arith.select %gt3A_325, %get3A_320, %select_n3A_307 : vector<16xi1>, vector<16xf32>
      %select_n3A_331 = arith.select %gt3A_324, %select_n3A_305, %select_n3A_330 : vector<16xi1>, vector<16xf32>
      %select_n3A_332 = arith.select %gt3A_326, %get3A_320, %select_n3A_309 : vector<16xi1>, vector<16xf32>
      %select_n3A_333 = arith.select %gt3A_325, %select_n3A_307, %select_n3A_332 : vector<16xi1>, vector<16xf32>
      %select_n3A_334 = arith.select %gt3A_323, %broadcast_in_dim3A_322, %select_n3A_310 : vector<16xi1>, vector<16xi32>
      %select_n3A_335 = arith.select %gt3A_324, %broadcast_in_dim3A_322, %select_n3A_312 : vector<16xi1>, vector<16xi32>
      %select_n3A_336 = arith.select %gt3A_323, %select_n3A_310, %select_n3A_335 : vector<16xi1>, vector<16xi32>
      %select_n3A_337 = arith.select %gt3A_325, %broadcast_in_dim3A_322, %select_n3A_314 : vector<16xi1>, vector<16xi32>
      %select_n3A_338 = arith.select %gt3A_324, %select_n3A_312, %select_n3A_337 : vector<16xi1>, vector<16xi32>
      %select_n3A_339 = arith.select %gt3A_326, %broadcast_in_dim3A_322, %select_n3A_316 : vector<16xi1>, vector<16xi32>
      %select_n3A_340 = arith.select %gt3A_325, %select_n3A_314, %select_n3A_339 : vector<16xi1>, vector<16xi32>
      %add3A_341 = arith.constant 1792 : i32
      %add3A_342 = arith.addi %add3A_341, %mul3A_25 : i32
      %get3A_343 = arith.index_cast %add3A_342 : i32 to index
      %get3A_344 = tpu.vector_load %arg7[%get3A_343] {strides = array<i32>} : memref<4096xf32, #tpu.memory_space<vmem>>, vector<16xf32>,
      %broadcast_in_dim3A_345 = arith.constant 14 : i32
      %broadcast_in_dim3A_346 = vector.broadcast %broadcast_in_dim3A_345 : i32 to vector<16xi32>
      %gt3A_347 = arith.cmpf ogt, %get3A_344, %select_n3A_327 : vector<16xf32>
      %gt3A_348 = arith.cmpf ogt, %get3A_344, %select_n3A_329 : vector<16xf32>
      %gt3A_349 = arith.cmpf ogt, %get3A_344, %select_n3A_331 : vector<16xf32>
      %gt3A_350 = arith.cmpf ogt, %get3A_344, %select_n3A_333 : vector<16xf32>
      %select_n3A_351 = arith.select %gt3A_347, %get3A_344, %select_n3A_327 : vector<16xi1>, vector<16xf32>
      %select_n3A_352 = arith.select %gt3A_348, %get3A_344, %select_n3A_329 : vector<16xi1>, vector<16xf32>
      %select_n3A_353 = arith.select %gt3A_347, %select_n3A_327, %select_n3A_352 : vector<16xi1>, vector<16xf32>
      %select_n3A_354 = arith.select %gt3A_349, %get3A_344, %select_n3A_331 : vector<16xi1>, vector<16xf32>
      %select_n3A_355 = arith.select %gt3A_348, %select_n3A_329, %select_n3A_354 : vector<16xi1>, vector<16xf32>
      %select_n3A_356 = arith.select %gt3A_350, %get3A_344, %select_n3A_333 : vector<16xi1>, vector<16xf32>
      %select_n3A_357 = arith.select %gt3A_349, %select_n3A_331, %select_n3A_356 : vector<16xi1>, vector<16xf32>
      %select_n3A_358 = arith.select %gt3A_347, %broadcast_in_dim3A_346, %select_n3A_334 : vector<16xi1>, vector<16xi32>
      %select_n3A_359 = arith.select %gt3A_348, %broadcast_in_dim3A_346, %select_n3A_336 : vector<16xi1>, vector<16xi32>
      %select_n3A_360 = arith.select %gt3A_347, %select_n3A_334, %select_n3A_359 : vector<16xi1>, vector<16xi32>
      %select_n3A_361 = arith.select %gt3A_349, %broadcast_in_dim3A_346, %select_n3A_338 : vector<16xi1>, vector<16xi32>
      %select_n3A_362 = arith.select %gt3A_348, %select_n3A_336, %select_n3A_361 : vector<16xi1>, vector<16xi32>
      %select_n3A_363 = arith.select %gt3A_350, %broadcast_in_dim3A_346, %select_n3A_340 : vector<16xi1>, vector<16xi32>
      %select_n3A_364 = arith.select %gt3A_349, %select_n3A_338, %select_n3A_363 : vector<16xi1>, vector<16xi32>
      %add3A_365 = arith.constant 1920 : i32
      %add3A_366 = arith.addi %add3A_365, %mul3A_25 : i32
      %get3A_367 = arith.index_cast %add3A_366 : i32 to index
      %get3A_368 = tpu.vector_load %arg7[%get3A_367] {strides = array<i32>} : memref<4096xf32, #tpu.memory_space<vmem>>, vector<16xf32>,
      %broadcast_in_dim3A_369 = arith.constant 15 : i32
      %broadcast_in_dim3A_370 = vector.broadcast %broadcast_in_dim3A_369 : i32 to vector<16xi32>
      %gt3A_371 = arith.cmpf ogt, %get3A_368, %select_n3A_351 : vector<16xf32>
      %gt3A_372 = arith.cmpf ogt, %get3A_368, %select_n3A_353 : vector<16xf32>
      %gt3A_373 = arith.cmpf ogt, %get3A_368, %select_n3A_355 : vector<16xf32>
      %gt3A_374 = arith.cmpf ogt, %get3A_368, %select_n3A_357 : vector<16xf32>
      %select_n3A_375 = arith.select %gt3A_371, %get3A_368, %select_n3A_351 : vector<16xi1>, vector<16xf32>
      %select_n3A_376 = arith.select %gt3A_372, %get3A_368, %select_n3A_353 : vector<16xi1>, vector<16xf32>
      %select_n3A_377 = arith.select %gt3A_371, %select_n3A_351, %select_n3A_376 : vector<16xi1>, vector<16xf32>
      %select_n3A_378 = arith.select %gt3A_373, %get3A_368, %select_n3A_355 : vector<16xi1>, vector<16xf32>
      %select_n3A_379 = arith.select %gt3A_372, %select_n3A_353, %select_n3A_378 : vector<16xi1>, vector<16xf32>
      %select_n3A_380 = arith.select %gt3A_374, %get3A_368, %select_n3A_357 : vector<16xi1>, vector<16xf32>
      %select_n3A_381 = arith.select %gt3A_373, %select_n3A_355, %select_n3A_380 : vector<16xi1>, vector<16xf32>
      %select_n3A_382 = arith.select %gt3A_371, %broadcast_in_dim3A_370, %select_n3A_358 : vector<16xi1>, vector<16xi32>
      %select_n3A_383 = arith.select %gt3A_372, %broadcast_in_dim3A_370, %select_n3A_360 : vector<16xi1>, vector<16xi32>
      %select_n3A_384 = arith.select %gt3A_371, %select_n3A_358, %select_n3A_383 : vector<16xi1>, vector<16xi32>
      %select_n3A_385 = arith.select %gt3A_373, %broadcast_in_dim3A_370, %select_n3A_362 : vector<16xi1>, vector<16xi32>
      %select_n3A_386 = arith.select %gt3A_372, %select_n3A_360, %select_n3A_385 : vector<16xi1>, vector<16xi32>
      %select_n3A_387 = arith.select %gt3A_374, %broadcast_in_dim3A_370, %select_n3A_364 : vector<16xi1>, vector<16xi32>
      %select_n3A_388 = arith.select %gt3A_373, %select_n3A_362, %select_n3A_387 : vector<16xi1>, vector<16xi32>
      %add3A_389 = arith.constant 2048 : i32
      %add3A_390 = arith.addi %add3A_389, %mul3A_25 : i32
      %get3A_391 = arith.index_cast %add3A_390 : i32 to index
      %get3A_392 = tpu.vector_load %arg7[%get3A_391] {strides = array<i32>} : memref<4096xf32, #tpu.memory_space<vmem>>, vector<16xf32>,
      %broadcast_in_dim3A_393 = arith.constant 16 : i32
      %broadcast_in_dim3A_394 = vector.broadcast %broadcast_in_dim3A_393 : i32 to vector<16xi32>
      %gt3A_395 = arith.cmpf ogt, %get3A_392, %select_n3A_375 : vector<16xf32>
      %gt3A_396 = arith.cmpf ogt, %get3A_392, %select_n3A_377 : vector<16xf32>
      %gt3A_397 = arith.cmpf ogt, %get3A_392, %select_n3A_379 : vector<16xf32>
      %gt3A_398 = arith.cmpf ogt, %get3A_392, %select_n3A_381 : vector<16xf32>
      %select_n3A_399 = arith.select %gt3A_395, %get3A_392, %select_n3A_375 : vector<16xi1>, vector<16xf32>
      %select_n3A_400 = arith.select %gt3A_396, %get3A_392, %select_n3A_377 : vector<16xi1>, vector<16xf32>
      %select_n3A_401 = arith.select %gt3A_395, %select_n3A_375, %select_n3A_400 : vector<16xi1>, vector<16xf32>
      %select_n3A_402 = arith.select %gt3A_397, %get3A_392, %select_n3A_379 : vector<16xi1>, vector<16xf32>
      %select_n3A_403 = arith.select %gt3A_396, %select_n3A_377, %select_n3A_402 : vector<16xi1>, vector<16xf32>
      %select_n3A_404 = arith.select %gt3A_398, %get3A_392, %select_n3A_381 : vector<16xi1>, vector<16xf32>
      %select_n3A_405 = arith.select %gt3A_397, %select_n3A_379, %select_n3A_404 : vector<16xi1>, vector<16xf32>
      %select_n3A_406 = arith.select %gt3A_395, %broadcast_in_dim3A_394, %select_n3A_382 : vector<16xi1>, vector<16xi32>
      %select_n3A_407 = arith.select %gt3A_396, %broadcast_in_dim3A_394, %select_n3A_384 : vector<16xi1>, vector<16xi32>
      %select_n3A_408 = arith.select %gt3A_395, %select_n3A_382, %select_n3A_407 : vector<16xi1>, vector<16xi32>
      %select_n3A_409 = arith.select %gt3A_397, %broadcast_in_dim3A_394, %select_n3A_386 : vector<16xi1>, vector<16xi32>
      %select_n3A_410 = arith.select %gt3A_396, %select_n3A_384, %select_n3A_409 : vector<16xi1>, vector<16xi32>
      %select_n3A_411 = arith.select %gt3A_398, %broadcast_in_dim3A_394, %select_n3A_388 : vector<16xi1>, vector<16xi32>
      %select_n3A_412 = arith.select %gt3A_397, %select_n3A_386, %select_n3A_411 : vector<16xi1>, vector<16xi32>
      %add3A_413 = arith.constant 2176 : i32
      %add3A_414 = arith.addi %add3A_413, %mul3A_25 : i32
      %get3A_415 = arith.index_cast %add3A_414 : i32 to index
      %get3A_416 = tpu.vector_load %arg7[%get3A_415] {strides = array<i32>} : memref<4096xf32, #tpu.memory_space<vmem>>, vector<16xf32>,
      %broadcast_in_dim3A_417 = arith.constant 17 : i32
      %broadcast_in_dim3A_418 = vector.broadcast %broadcast_in_dim3A_417 : i32 to vector<16xi32>
      %gt3A_419 = arith.cmpf ogt, %get3A_416, %select_n3A_399 : vector<16xf32>
      %gt3A_420 = arith.cmpf ogt, %get3A_416, %select_n3A_401 : vector<16xf32>
      %gt3A_421 = arith.cmpf ogt, %get3A_416, %select_n3A_403 : vector<16xf32>
      %gt3A_422 = arith.cmpf ogt, %get3A_416, %select_n3A_405 : vector<16xf32>
      %select_n3A_423 = arith.select %gt3A_419, %get3A_416, %select_n3A_399 : vector<16xi1>, vector<16xf32>
      %select_n3A_424 = arith.select %gt3A_420, %get3A_416, %select_n3A_401 : vector<16xi1>, vector<16xf32>
      %select_n3A_425 = arith.select %gt3A_419, %select_n3A_399, %select_n3A_424 : vector<16xi1>, vector<16xf32>
      %select_n3A_426 = arith.select %gt3A_421, %get3A_416, %select_n3A_403 : vector<16xi1>, vector<16xf32>
      %select_n3A_427 = arith.select %gt3A_420, %select_n3A_401, %select_n3A_426 : vector<16xi1>, vector<16xf32>
      %select_n3A_428 = arith.select %gt3A_422, %get3A_416, %select_n3A_405 : vector<16xi1>, vector<16xf32>
      %select_n3A_429 = arith.select %gt3A_421, %select_n3A_403, %select_n3A_428 : vector<16xi1>, vector<16xf32>
      %select_n3A_430 = arith.select %gt3A_419, %broadcast_in_dim3A_418, %select_n3A_406 : vector<16xi1>, vector<16xi32>
      %select_n3A_431 = arith.select %gt3A_420, %broadcast_in_dim3A_418, %select_n3A_408 : vector<16xi1>, vector<16xi32>
      %select_n3A_432 = arith.select %gt3A_419, %select_n3A_406, %select_n3A_431 : vector<16xi1>, vector<16xi32>
      %select_n3A_433 = arith.select %gt3A_421, %broadcast_in_dim3A_418, %select_n3A_410 : vector<16xi1>, vector<16xi32>
      %select_n3A_434 = arith.select %gt3A_420, %select_n3A_408, %select_n3A_433 : vector<16xi1>, vector<16xi32>
      %select_n3A_435 = arith.select %gt3A_422, %broadcast_in_dim3A_418, %select_n3A_412 : vector<16xi1>, vector<16xi32>
      %select_n3A_436 = arith.select %gt3A_421, %select_n3A_410, %select_n3A_435 : vector<16xi1>, vector<16xi32>
      %add3A_437 = arith.constant 2304 : i32
      %add3A_438 = arith.addi %add3A_437, %mul3A_25 : i32
      %get3A_439 = arith.index_cast %add3A_438 : i32 to index
      %get3A_440 = tpu.vector_load %arg7[%get3A_439] {strides = array<i32>} : memref<4096xf32, #tpu.memory_space<vmem>>, vector<16xf32>,
      %broadcast_in_dim3A_441 = arith.constant 18 : i32
      %broadcast_in_dim3A_442 = vector.broadcast %broadcast_in_dim3A_441 : i32 to vector<16xi32>
      %gt3A_443 = arith.cmpf ogt, %get3A_440, %select_n3A_423 : vector<16xf32>
      %gt3A_444 = arith.cmpf ogt, %get3A_440, %select_n3A_425 : vector<16xf32>
      %gt3A_445 = arith.cmpf ogt, %get3A_440, %select_n3A_427 : vector<16xf32>
      %gt3A_446 = arith.cmpf ogt, %get3A_440, %select_n3A_429 : vector<16xf32>
      %select_n3A_447 = arith.select %gt3A_443, %get3A_440, %select_n3A_423 : vector<16xi1>, vector<16xf32>
      %select_n3A_448 = arith.select %gt3A_444, %get3A_440, %select_n3A_425 : vector<16xi1>, vector<16xf32>
      %select_n3A_449 = arith.select %gt3A_443, %select_n3A_423, %select_n3A_448 : vector<16xi1>, vector<16xf32>
      %select_n3A_450 = arith.select %gt3A_445, %get3A_440, %select_n3A_427 : vector<16xi1>, vector<16xf32>
      %select_n3A_451 = arith.select %gt3A_444, %select_n3A_425, %select_n3A_450 : vector<16xi1>, vector<16xf32>
      %select_n3A_452 = arith.select %gt3A_446, %get3A_440, %select_n3A_429 : vector<16xi1>, vector<16xf32>
      %select_n3A_453 = arith.select %gt3A_445, %select_n3A_427, %select_n3A_452 : vector<16xi1>, vector<16xf32>
      %select_n3A_454 = arith.select %gt3A_443, %broadcast_in_dim3A_442, %select_n3A_430 : vector<16xi1>, vector<16xi32>
      %select_n3A_455 = arith.select %gt3A_444, %broadcast_in_dim3A_442, %select_n3A_432 : vector<16xi1>, vector<16xi32>
      %select_n3A_456 = arith.select %gt3A_443, %select_n3A_430, %select_n3A_455 : vector<16xi1>, vector<16xi32>
      %select_n3A_457 = arith.select %gt3A_445, %broadcast_in_dim3A_442, %select_n3A_434 : vector<16xi1>, vector<16xi32>
      %select_n3A_458 = arith.select %gt3A_444, %select_n3A_432, %select_n3A_457 : vector<16xi1>, vector<16xi32>
      %select_n3A_459 = arith.select %gt3A_446, %broadcast_in_dim3A_442, %select_n3A_436 : vector<16xi1>, vector<16xi32>
      %select_n3A_460 = arith.select %gt3A_445, %select_n3A_434, %select_n3A_459 : vector<16xi1>, vector<16xi32>
      %add3A_461 = arith.constant 2432 : i32
      %add3A_462 = arith.addi %add3A_461, %mul3A_25 : i32
      %get3A_463 = arith.index_cast %add3A_462 : i32 to index
      %get3A_464 = tpu.vector_load %arg7[%get3A_463] {strides = array<i32>} : memref<4096xf32, #tpu.memory_space<vmem>>, vector<16xf32>,
      %broadcast_in_dim3A_465 = arith.constant 19 : i32
      %broadcast_in_dim3A_466 = vector.broadcast %broadcast_in_dim3A_465 : i32 to vector<16xi32>
      %gt3A_467 = arith.cmpf ogt, %get3A_464, %select_n3A_447 : vector<16xf32>
      %gt3A_468 = arith.cmpf ogt, %get3A_464, %select_n3A_449 : vector<16xf32>
      %gt3A_469 = arith.cmpf ogt, %get3A_464, %select_n3A_451 : vector<16xf32>
      %gt3A_470 = arith.cmpf ogt, %get3A_464, %select_n3A_453 : vector<16xf32>
      %select_n3A_471 = arith.select %gt3A_467, %get3A_464, %select_n3A_447 : vector<16xi1>, vector<16xf32>
      %select_n3A_472 = arith.select %gt3A_468, %get3A_464, %select_n3A_449 : vector<16xi1>, vector<16xf32>
      %select_n3A_473 = arith.select %gt3A_467, %select_n3A_447, %select_n3A_472 : vector<16xi1>, vector<16xf32>
      %select_n3A_474 = arith.select %gt3A_469, %get3A_464, %select_n3A_451 : vector<16xi1>, vector<16xf32>
      %select_n3A_475 = arith.select %gt3A_468, %select_n3A_449, %select_n3A_474 : vector<16xi1>, vector<16xf32>
      %select_n3A_476 = arith.select %gt3A_470, %get3A_464, %select_n3A_453 : vector<16xi1>, vector<16xf32>
      %select_n3A_477 = arith.select %gt3A_469, %select_n3A_451, %select_n3A_476 : vector<16xi1>, vector<16xf32>
      %select_n3A_478 = arith.select %gt3A_467, %broadcast_in_dim3A_466, %select_n3A_454 : vector<16xi1>, vector<16xi32>
      %select_n3A_479 = arith.select %gt3A_468, %broadcast_in_dim3A_466, %select_n3A_456 : vector<16xi1>, vector<16xi32>
      %select_n3A_480 = arith.select %gt3A_467, %select_n3A_454, %select_n3A_479 : vector<16xi1>, vector<16xi32>
      %select_n3A_481 = arith.select %gt3A_469, %broadcast_in_dim3A_466, %select_n3A_458 : vector<16xi1>, vector<16xi32>
      %select_n3A_482 = arith.select %gt3A_468, %select_n3A_456, %select_n3A_481 : vector<16xi1>, vector<16xi32>
      %select_n3A_483 = arith.select %gt3A_470, %broadcast_in_dim3A_466, %select_n3A_460 : vector<16xi1>, vector<16xi32>
      %select_n3A_484 = arith.select %gt3A_469, %select_n3A_458, %select_n3A_483 : vector<16xi1>, vector<16xi32>
      %add3A_485 = arith.constant 2560 : i32
      %add3A_486 = arith.addi %add3A_485, %mul3A_25 : i32
      %get3A_487 = arith.index_cast %add3A_486 : i32 to index
      %get3A_488 = tpu.vector_load %arg7[%get3A_487] {strides = array<i32>} : memref<4096xf32, #tpu.memory_space<vmem>>, vector<16xf32>,
      %broadcast_in_dim3A_489 = arith.constant 20 : i32
      %broadcast_in_dim3A_490 = vector.broadcast %broadcast_in_dim3A_489 : i32 to vector<16xi32>
      %gt3A_491 = arith.cmpf ogt, %get3A_488, %select_n3A_471 : vector<16xf32>
      %gt3A_492 = arith.cmpf ogt, %get3A_488, %select_n3A_473 : vector<16xf32>
      %gt3A_493 = arith.cmpf ogt, %get3A_488, %select_n3A_475 : vector<16xf32>
      %gt3A_494 = arith.cmpf ogt, %get3A_488, %select_n3A_477 : vector<16xf32>
      %select_n3A_495 = arith.select %gt3A_491, %get3A_488, %select_n3A_471 : vector<16xi1>, vector<16xf32>
      %select_n3A_496 = arith.select %gt3A_492, %get3A_488, %select_n3A_473 : vector<16xi1>, vector<16xf32>
      %select_n3A_497 = arith.select %gt3A_491, %select_n3A_471, %select_n3A_496 : vector<16xi1>, vector<16xf32>
      %select_n3A_498 = arith.select %gt3A_493, %get3A_488, %select_n3A_475 : vector<16xi1>, vector<16xf32>
      %select_n3A_499 = arith.select %gt3A_492, %select_n3A_473, %select_n3A_498 : vector<16xi1>, vector<16xf32>
      %select_n3A_500 = arith.select %gt3A_494, %get3A_488, %select_n3A_477 : vector<16xi1>, vector<16xf32>
      %select_n3A_501 = arith.select %gt3A_493, %select_n3A_475, %select_n3A_500 : vector<16xi1>, vector<16xf32>
      %select_n3A_502 = arith.select %gt3A_491, %broadcast_in_dim3A_490, %select_n3A_478 : vector<16xi1>, vector<16xi32>
      %select_n3A_503 = arith.select %gt3A_492, %broadcast_in_dim3A_490, %select_n3A_480 : vector<16xi1>, vector<16xi32>
      %select_n3A_504 = arith.select %gt3A_491, %select_n3A_478, %select_n3A_503 : vector<16xi1>, vector<16xi32>
      %select_n3A_505 = arith.select %gt3A_493, %broadcast_in_dim3A_490, %select_n3A_482 : vector<16xi1>, vector<16xi32>
      %select_n3A_506 = arith.select %gt3A_492, %select_n3A_480, %select_n3A_505 : vector<16xi1>, vector<16xi32>
      %select_n3A_507 = arith.select %gt3A_494, %broadcast_in_dim3A_490, %select_n3A_484 : vector<16xi1>, vector<16xi32>
      %select_n3A_508 = arith.select %gt3A_493, %select_n3A_482, %select_n3A_507 : vector<16xi1>, vector<16xi32>
      %add3A_509 = arith.constant 2688 : i32
      %add3A_510 = arith.addi %add3A_509, %mul3A_25 : i32
      %get3A_511 = arith.index_cast %add3A_510 : i32 to index
      %get3A_512 = tpu.vector_load %arg7[%get3A_511] {strides = array<i32>} : memref<4096xf32, #tpu.memory_space<vmem>>, vector<16xf32>,
      %broadcast_in_dim3A_513 = arith.constant 21 : i32
      %broadcast_in_dim3A_514 = vector.broadcast %broadcast_in_dim3A_513 : i32 to vector<16xi32>
      %gt3A_515 = arith.cmpf ogt, %get3A_512, %select_n3A_495 : vector<16xf32>
      %gt3A_516 = arith.cmpf ogt, %get3A_512, %select_n3A_497 : vector<16xf32>
      %gt3A_517 = arith.cmpf ogt, %get3A_512, %select_n3A_499 : vector<16xf32>
      %gt3A_518 = arith.cmpf ogt, %get3A_512, %select_n3A_501 : vector<16xf32>
      %select_n3A_519 = arith.select %gt3A_515, %get3A_512, %select_n3A_495 : vector<16xi1>, vector<16xf32>
      %select_n3A_520 = arith.select %gt3A_516, %get3A_512, %select_n3A_497 : vector<16xi1>, vector<16xf32>
      %select_n3A_521 = arith.select %gt3A_515, %select_n3A_495, %select_n3A_520 : vector<16xi1>, vector<16xf32>
      %select_n3A_522 = arith.select %gt3A_517, %get3A_512, %select_n3A_499 : vector<16xi1>, vector<16xf32>
      %select_n3A_523 = arith.select %gt3A_516, %select_n3A_497, %select_n3A_522 : vector<16xi1>, vector<16xf32>
      %select_n3A_524 = arith.select %gt3A_518, %get3A_512, %select_n3A_501 : vector<16xi1>, vector<16xf32>
      %select_n3A_525 = arith.select %gt3A_517, %select_n3A_499, %select_n3A_524 : vector<16xi1>, vector<16xf32>
      %select_n3A_526 = arith.select %gt3A_515, %broadcast_in_dim3A_514, %select_n3A_502 : vector<16xi1>, vector<16xi32>
      %select_n3A_527 = arith.select %gt3A_516, %broadcast_in_dim3A_514, %select_n3A_504 : vector<16xi1>, vector<16xi32>
      %select_n3A_528 = arith.select %gt3A_515, %select_n3A_502, %select_n3A_527 : vector<16xi1>, vector<16xi32>
      %select_n3A_529 = arith.select %gt3A_517, %broadcast_in_dim3A_514, %select_n3A_506 : vector<16xi1>, vector<16xi32>
      %select_n3A_530 = arith.select %gt3A_516, %select_n3A_504, %select_n3A_529 : vector<16xi1>, vector<16xi32>
      %select_n3A_531 = arith.select %gt3A_518, %broadcast_in_dim3A_514, %select_n3A_508 : vector<16xi1>, vector<16xi32>
      %select_n3A_532 = arith.select %gt3A_517, %select_n3A_506, %select_n3A_531 : vector<16xi1>, vector<16xi32>
      %add3A_533 = arith.constant 2816 : i32
      %add3A_534 = arith.addi %add3A_533, %mul3A_25 : i32
      %get3A_535 = arith.index_cast %add3A_534 : i32 to index
      %get3A_536 = tpu.vector_load %arg7[%get3A_535] {strides = array<i32>} : memref<4096xf32, #tpu.memory_space<vmem>>, vector<16xf32>,
      %broadcast_in_dim3A_537 = arith.constant 22 : i32
      %broadcast_in_dim3A_538 = vector.broadcast %broadcast_in_dim3A_537 : i32 to vector<16xi32>
      %gt3A_539 = arith.cmpf ogt, %get3A_536, %select_n3A_519 : vector<16xf32>
      %gt3A_540 = arith.cmpf ogt, %get3A_536, %select_n3A_521 : vector<16xf32>
      %gt3A_541 = arith.cmpf ogt, %get3A_536, %select_n3A_523 : vector<16xf32>
      %gt3A_542 = arith.cmpf ogt, %get3A_536, %select_n3A_525 : vector<16xf32>
      %select_n3A_543 = arith.select %gt3A_539, %get3A_536, %select_n3A_519 : vector<16xi1>, vector<16xf32>
      %select_n3A_544 = arith.select %gt3A_540, %get3A_536, %select_n3A_521 : vector<16xi1>, vector<16xf32>
      %select_n3A_545 = arith.select %gt3A_539, %select_n3A_519, %select_n3A_544 : vector<16xi1>, vector<16xf32>
      %select_n3A_546 = arith.select %gt3A_541, %get3A_536, %select_n3A_523 : vector<16xi1>, vector<16xf32>
      %select_n3A_547 = arith.select %gt3A_540, %select_n3A_521, %select_n3A_546 : vector<16xi1>, vector<16xf32>
      %select_n3A_548 = arith.select %gt3A_542, %get3A_536, %select_n3A_525 : vector<16xi1>, vector<16xf32>
      %select_n3A_549 = arith.select %gt3A_541, %select_n3A_523, %select_n3A_548 : vector<16xi1>, vector<16xf32>
      %select_n3A_550 = arith.select %gt3A_539, %broadcast_in_dim3A_538, %select_n3A_526 : vector<16xi1>, vector<16xi32>
      %select_n3A_551 = arith.select %gt3A_540, %broadcast_in_dim3A_538, %select_n3A_528 : vector<16xi1>, vector<16xi32>
      %select_n3A_552 = arith.select %gt3A_539, %select_n3A_526, %select_n3A_551 : vector<16xi1>, vector<16xi32>
      %select_n3A_553 = arith.select %gt3A_541, %broadcast_in_dim3A_538, %select_n3A_530 : vector<16xi1>, vector<16xi32>
      %select_n3A_554 = arith.select %gt3A_540, %select_n3A_528, %select_n3A_553 : vector<16xi1>, vector<16xi32>
      %select_n3A_555 = arith.select %gt3A_542, %broadcast_in_dim3A_538, %select_n3A_532 : vector<16xi1>, vector<16xi32>
      %select_n3A_556 = arith.select %gt3A_541, %select_n3A_530, %select_n3A_555 : vector<16xi1>, vector<16xi32>
      %add3A_557 = arith.constant 2944 : i32
      %add3A_558 = arith.addi %add3A_557, %mul3A_25 : i32
      %get3A_559 = arith.index_cast %add3A_558 : i32 to index
      %get3A_560 = tpu.vector_load %arg7[%get3A_559] {strides = array<i32>} : memref<4096xf32, #tpu.memory_space<vmem>>, vector<16xf32>,
      %broadcast_in_dim3A_561 = arith.constant 23 : i32
      %broadcast_in_dim3A_562 = vector.broadcast %broadcast_in_dim3A_561 : i32 to vector<16xi32>
      %gt3A_563 = arith.cmpf ogt, %get3A_560, %select_n3A_543 : vector<16xf32>
      %gt3A_564 = arith.cmpf ogt, %get3A_560, %select_n3A_545 : vector<16xf32>
      %gt3A_565 = arith.cmpf ogt, %get3A_560, %select_n3A_547 : vector<16xf32>
      %gt3A_566 = arith.cmpf ogt, %get3A_560, %select_n3A_549 : vector<16xf32>
      %select_n3A_567 = arith.select %gt3A_563, %get3A_560, %select_n3A_543 : vector<16xi1>, vector<16xf32>
      %select_n3A_568 = arith.select %gt3A_564, %get3A_560, %select_n3A_545 : vector<16xi1>, vector<16xf32>
      %select_n3A_569 = arith.select %gt3A_563, %select_n3A_543, %select_n3A_568 : vector<16xi1>, vector<16xf32>
      %select_n3A_570 = arith.select %gt3A_565, %get3A_560, %select_n3A_547 : vector<16xi1>, vector<16xf32>
      %select_n3A_571 = arith.select %gt3A_564, %select_n3A_545, %select_n3A_570 : vector<16xi1>, vector<16xf32>
      %select_n3A_572 = arith.select %gt3A_566, %get3A_560, %select_n3A_549 : vector<16xi1>, vector<16xf32>
      %select_n3A_573 = arith.select %gt3A_565, %select_n3A_547, %select_n3A_572 : vector<16xi1>, vector<16xf32>
      %select_n3A_574 = arith.select %gt3A_563, %broadcast_in_dim3A_562, %select_n3A_550 : vector<16xi1>, vector<16xi32>
      %select_n3A_575 = arith.select %gt3A_564, %broadcast_in_dim3A_562, %select_n3A_552 : vector<16xi1>, vector<16xi32>
      %select_n3A_576 = arith.select %gt3A_563, %select_n3A_550, %select_n3A_575 : vector<16xi1>, vector<16xi32>
      %select_n3A_577 = arith.select %gt3A_565, %broadcast_in_dim3A_562, %select_n3A_554 : vector<16xi1>, vector<16xi32>
      %select_n3A_578 = arith.select %gt3A_564, %select_n3A_552, %select_n3A_577 : vector<16xi1>, vector<16xi32>
      %select_n3A_579 = arith.select %gt3A_566, %broadcast_in_dim3A_562, %select_n3A_556 : vector<16xi1>, vector<16xi32>
      %select_n3A_580 = arith.select %gt3A_565, %select_n3A_554, %select_n3A_579 : vector<16xi1>, vector<16xi32>
      %add3A_581 = arith.constant 3072 : i32
      %add3A_582 = arith.addi %add3A_581, %mul3A_25 : i32
      %get3A_583 = arith.index_cast %add3A_582 : i32 to index
      %get3A_584 = tpu.vector_load %arg7[%get3A_583] {strides = array<i32>} : memref<4096xf32, #tpu.memory_space<vmem>>, vector<16xf32>,
      %broadcast_in_dim3A_585 = arith.constant 24 : i32
      %broadcast_in_dim3A_586 = vector.broadcast %broadcast_in_dim3A_585 : i32 to vector<16xi32>
      %gt3A_587 = arith.cmpf ogt, %get3A_584, %select_n3A_567 : vector<16xf32>
      %gt3A_588 = arith.cmpf ogt, %get3A_584, %select_n3A_569 : vector<16xf32>
      %gt3A_589 = arith.cmpf ogt, %get3A_584, %select_n3A_571 : vector<16xf32>
      %gt3A_590 = arith.cmpf ogt, %get3A_584, %select_n3A_573 : vector<16xf32>
      %select_n3A_591 = arith.select %gt3A_587, %get3A_584, %select_n3A_567 : vector<16xi1>, vector<16xf32>
      %select_n3A_592 = arith.select %gt3A_588, %get3A_584, %select_n3A_569 : vector<16xi1>, vector<16xf32>
      %select_n3A_593 = arith.select %gt3A_587, %select_n3A_567, %select_n3A_592 : vector<16xi1>, vector<16xf32>
      %select_n3A_594 = arith.select %gt3A_589, %get3A_584, %select_n3A_571 : vector<16xi1>, vector<16xf32>
      %select_n3A_595 = arith.select %gt3A_588, %select_n3A_569, %select_n3A_594 : vector<16xi1>, vector<16xf32>
      %select_n3A_596 = arith.select %gt3A_590, %get3A_584, %select_n3A_573 : vector<16xi1>, vector<16xf32>
      %select_n3A_597 = arith.select %gt3A_589, %select_n3A_571, %select_n3A_596 : vector<16xi1>, vector<16xf32>
      %select_n3A_598 = arith.select %gt3A_587, %broadcast_in_dim3A_586, %select_n3A_574 : vector<16xi1>, vector<16xi32>
      %select_n3A_599 = arith.select %gt3A_588, %broadcast_in_dim3A_586, %select_n3A_576 : vector<16xi1>, vector<16xi32>
      %select_n3A_600 = arith.select %gt3A_587, %select_n3A_574, %select_n3A_599 : vector<16xi1>, vector<16xi32>
      %select_n3A_601 = arith.select %gt3A_589, %broadcast_in_dim3A_586, %select_n3A_578 : vector<16xi1>, vector<16xi32>
      %select_n3A_602 = arith.select %gt3A_588, %select_n3A_576, %select_n3A_601 : vector<16xi1>, vector<16xi32>
      %select_n3A_603 = arith.select %gt3A_590, %broadcast_in_dim3A_586, %select_n3A_580 : vector<16xi1>, vector<16xi32>
      %select_n3A_604 = arith.select %gt3A_589, %select_n3A_578, %select_n3A_603 : vector<16xi1>, vector<16xi32>
      %add3A_605 = arith.constant 3200 : i32
      %add3A_606 = arith.addi %add3A_605, %mul3A_25 : i32
      %get3A_607 = arith.index_cast %add3A_606 : i32 to index
      %get3A_608 = tpu.vector_load %arg7[%get3A_607] {strides = array<i32>} : memref<4096xf32, #tpu.memory_space<vmem>>, vector<16xf32>,
      %broadcast_in_dim3A_609 = arith.constant 25 : i32
      %broadcast_in_dim3A_610 = vector.broadcast %broadcast_in_dim3A_609 : i32 to vector<16xi32>
      %gt3A_611 = arith.cmpf ogt, %get3A_608, %select_n3A_591 : vector<16xf32>
      %gt3A_612 = arith.cmpf ogt, %get3A_608, %select_n3A_593 : vector<16xf32>
      %gt3A_613 = arith.cmpf ogt, %get3A_608, %select_n3A_595 : vector<16xf32>
      %gt3A_614 = arith.cmpf ogt, %get3A_608, %select_n3A_597 : vector<16xf32>
      %select_n3A_615 = arith.select %gt3A_611, %get3A_608, %select_n3A_591 : vector<16xi1>, vector<16xf32>
      %select_n3A_616 = arith.select %gt3A_612, %get3A_608, %select_n3A_593 : vector<16xi1>, vector<16xf32>
      %select_n3A_617 = arith.select %gt3A_611, %select_n3A_591, %select_n3A_616 : vector<16xi1>, vector<16xf32>
      %select_n3A_618 = arith.select %gt3A_613, %get3A_608, %select_n3A_595 : vector<16xi1>, vector<16xf32>
      %select_n3A_619 = arith.select %gt3A_612, %select_n3A_593, %select_n3A_618 : vector<16xi1>, vector<16xf32>
      %select_n3A_620 = arith.select %gt3A_614, %get3A_608, %select_n3A_597 : vector<16xi1>, vector<16xf32>
      %select_n3A_621 = arith.select %gt3A_613, %select_n3A_595, %select_n3A_620 : vector<16xi1>, vector<16xf32>
      %select_n3A_622 = arith.select %gt3A_611, %broadcast_in_dim3A_610, %select_n3A_598 : vector<16xi1>, vector<16xi32>
      %select_n3A_623 = arith.select %gt3A_612, %broadcast_in_dim3A_610, %select_n3A_600 : vector<16xi1>, vector<16xi32>
      %select_n3A_624 = arith.select %gt3A_611, %select_n3A_598, %select_n3A_623 : vector<16xi1>, vector<16xi32>
      %select_n3A_625 = arith.select %gt3A_613, %broadcast_in_dim3A_610, %select_n3A_602 : vector<16xi1>, vector<16xi32>
      %select_n3A_626 = arith.select %gt3A_612, %select_n3A_600, %select_n3A_625 : vector<16xi1>, vector<16xi32>
      %select_n3A_627 = arith.select %gt3A_614, %broadcast_in_dim3A_610, %select_n3A_604 : vector<16xi1>, vector<16xi32>
      %select_n3A_628 = arith.select %gt3A_613, %select_n3A_602, %select_n3A_627 : vector<16xi1>, vector<16xi32>
      %add3A_629 = arith.constant 3328 : i32
      %add3A_630 = arith.addi %add3A_629, %mul3A_25 : i32
      %get3A_631 = arith.index_cast %add3A_630 : i32 to index
      %get3A_632 = tpu.vector_load %arg7[%get3A_631] {strides = array<i32>} : memref<4096xf32, #tpu.memory_space<vmem>>, vector<16xf32>,
      %broadcast_in_dim3A_633 = arith.constant 26 : i32
      %broadcast_in_dim3A_634 = vector.broadcast %broadcast_in_dim3A_633 : i32 to vector<16xi32>
      %gt3A_635 = arith.cmpf ogt, %get3A_632, %select_n3A_615 : vector<16xf32>
      %gt3A_636 = arith.cmpf ogt, %get3A_632, %select_n3A_617 : vector<16xf32>
      %gt3A_637 = arith.cmpf ogt, %get3A_632, %select_n3A_619 : vector<16xf32>
      %gt3A_638 = arith.cmpf ogt, %get3A_632, %select_n3A_621 : vector<16xf32>
      %select_n3A_639 = arith.select %gt3A_635, %get3A_632, %select_n3A_615 : vector<16xi1>, vector<16xf32>
      %select_n3A_640 = arith.select %gt3A_636, %get3A_632, %select_n3A_617 : vector<16xi1>, vector<16xf32>
      %select_n3A_641 = arith.select %gt3A_635, %select_n3A_615, %select_n3A_640 : vector<16xi1>, vector<16xf32>
      %select_n3A_642 = arith.select %gt3A_637, %get3A_632, %select_n3A_619 : vector<16xi1>, vector<16xf32>
      %select_n3A_643 = arith.select %gt3A_636, %select_n3A_617, %select_n3A_642 : vector<16xi1>, vector<16xf32>
      %select_n3A_644 = arith.select %gt3A_638, %get3A_632, %select_n3A_621 : vector<16xi1>, vector<16xf32>
      %select_n3A_645 = arith.select %gt3A_637, %select_n3A_619, %select_n3A_644 : vector<16xi1>, vector<16xf32>
      %select_n3A_646 = arith.select %gt3A_635, %broadcast_in_dim3A_634, %select_n3A_622 : vector<16xi1>, vector<16xi32>
      %select_n3A_647 = arith.select %gt3A_636, %broadcast_in_dim3A_634, %select_n3A_624 : vector<16xi1>, vector<16xi32>
      %select_n3A_648 = arith.select %gt3A_635, %select_n3A_622, %select_n3A_647 : vector<16xi1>, vector<16xi32>
      %select_n3A_649 = arith.select %gt3A_637, %broadcast_in_dim3A_634, %select_n3A_626 : vector<16xi1>, vector<16xi32>
      %select_n3A_650 = arith.select %gt3A_636, %select_n3A_624, %select_n3A_649 : vector<16xi1>, vector<16xi32>
      %select_n3A_651 = arith.select %gt3A_638, %broadcast_in_dim3A_634, %select_n3A_628 : vector<16xi1>, vector<16xi32>
      %select_n3A_652 = arith.select %gt3A_637, %select_n3A_626, %select_n3A_651 : vector<16xi1>, vector<16xi32>
      %add3A_653 = arith.constant 3456 : i32
      %add3A_654 = arith.addi %add3A_653, %mul3A_25 : i32
      %get3A_655 = arith.index_cast %add3A_654 : i32 to index
      %get3A_656 = tpu.vector_load %arg7[%get3A_655] {strides = array<i32>} : memref<4096xf32, #tpu.memory_space<vmem>>, vector<16xf32>,
      %broadcast_in_dim3A_657 = arith.constant 27 : i32
      %broadcast_in_dim3A_658 = vector.broadcast %broadcast_in_dim3A_657 : i32 to vector<16xi32>
      %gt3A_659 = arith.cmpf ogt, %get3A_656, %select_n3A_639 : vector<16xf32>
      %gt3A_660 = arith.cmpf ogt, %get3A_656, %select_n3A_641 : vector<16xf32>
      %gt3A_661 = arith.cmpf ogt, %get3A_656, %select_n3A_643 : vector<16xf32>
      %gt3A_662 = arith.cmpf ogt, %get3A_656, %select_n3A_645 : vector<16xf32>
      %select_n3A_663 = arith.select %gt3A_659, %get3A_656, %select_n3A_639 : vector<16xi1>, vector<16xf32>
      %select_n3A_664 = arith.select %gt3A_660, %get3A_656, %select_n3A_641 : vector<16xi1>, vector<16xf32>
      %select_n3A_665 = arith.select %gt3A_659, %select_n3A_639, %select_n3A_664 : vector<16xi1>, vector<16xf32>
      %select_n3A_666 = arith.select %gt3A_661, %get3A_656, %select_n3A_643 : vector<16xi1>, vector<16xf32>
      %select_n3A_667 = arith.select %gt3A_660, %select_n3A_641, %select_n3A_666 : vector<16xi1>, vector<16xf32>
      %select_n3A_668 = arith.select %gt3A_662, %get3A_656, %select_n3A_645 : vector<16xi1>, vector<16xf32>
      %select_n3A_669 = arith.select %gt3A_661, %select_n3A_643, %select_n3A_668 : vector<16xi1>, vector<16xf32>
      %select_n3A_670 = arith.select %gt3A_659, %broadcast_in_dim3A_658, %select_n3A_646 : vector<16xi1>, vector<16xi32>
      %select_n3A_671 = arith.select %gt3A_660, %broadcast_in_dim3A_658, %select_n3A_648 : vector<16xi1>, vector<16xi32>
      %select_n3A_672 = arith.select %gt3A_659, %select_n3A_646, %select_n3A_671 : vector<16xi1>, vector<16xi32>
      %select_n3A_673 = arith.select %gt3A_661, %broadcast_in_dim3A_658, %select_n3A_650 : vector<16xi1>, vector<16xi32>
      %select_n3A_674 = arith.select %gt3A_660, %select_n3A_648, %select_n3A_673 : vector<16xi1>, vector<16xi32>
      %select_n3A_675 = arith.select %gt3A_662, %broadcast_in_dim3A_658, %select_n3A_652 : vector<16xi1>, vector<16xi32>
      %select_n3A_676 = arith.select %gt3A_661, %select_n3A_650, %select_n3A_675 : vector<16xi1>, vector<16xi32>
      %add3A_677 = arith.constant 3584 : i32
      %add3A_678 = arith.addi %add3A_677, %mul3A_25 : i32
      %get3A_679 = arith.index_cast %add3A_678 : i32 to index
      %get3A_680 = tpu.vector_load %arg7[%get3A_679] {strides = array<i32>} : memref<4096xf32, #tpu.memory_space<vmem>>, vector<16xf32>,
      %broadcast_in_dim3A_681 = arith.constant 28 : i32
      %broadcast_in_dim3A_682 = vector.broadcast %broadcast_in_dim3A_681 : i32 to vector<16xi32>
      %gt3A_683 = arith.cmpf ogt, %get3A_680, %select_n3A_663 : vector<16xf32>
      %gt3A_684 = arith.cmpf ogt, %get3A_680, %select_n3A_665 : vector<16xf32>
      %gt3A_685 = arith.cmpf ogt, %get3A_680, %select_n3A_667 : vector<16xf32>
      %gt3A_686 = arith.cmpf ogt, %get3A_680, %select_n3A_669 : vector<16xf32>
      %select_n3A_687 = arith.select %gt3A_683, %get3A_680, %select_n3A_663 : vector<16xi1>, vector<16xf32>
      %select_n3A_688 = arith.select %gt3A_684, %get3A_680, %select_n3A_665 : vector<16xi1>, vector<16xf32>
      %select_n3A_689 = arith.select %gt3A_683, %select_n3A_663, %select_n3A_688 : vector<16xi1>, vector<16xf32>
      %select_n3A_690 = arith.select %gt3A_685, %get3A_680, %select_n3A_667 : vector<16xi1>, vector<16xf32>
      %select_n3A_691 = arith.select %gt3A_684, %select_n3A_665, %select_n3A_690 : vector<16xi1>, vector<16xf32>
      %select_n3A_692 = arith.select %gt3A_686, %get3A_680, %select_n3A_669 : vector<16xi1>, vector<16xf32>
      %select_n3A_693 = arith.select %gt3A_685, %select_n3A_667, %select_n3A_692 : vector<16xi1>, vector<16xf32>
      %select_n3A_694 = arith.select %gt3A_683, %broadcast_in_dim3A_682, %select_n3A_670 : vector<16xi1>, vector<16xi32>
      %select_n3A_695 = arith.select %gt3A_684, %broadcast_in_dim3A_682, %select_n3A_672 : vector<16xi1>, vector<16xi32>
      %select_n3A_696 = arith.select %gt3A_683, %select_n3A_670, %select_n3A_695 : vector<16xi1>, vector<16xi32>
      %select_n3A_697 = arith.select %gt3A_685, %broadcast_in_dim3A_682, %select_n3A_674 : vector<16xi1>, vector<16xi32>
      %select_n3A_698 = arith.select %gt3A_684, %select_n3A_672, %select_n3A_697 : vector<16xi1>, vector<16xi32>
      %select_n3A_699 = arith.select %gt3A_686, %broadcast_in_dim3A_682, %select_n3A_676 : vector<16xi1>, vector<16xi32>
      %select_n3A_700 = arith.select %gt3A_685, %select_n3A_674, %select_n3A_699 : vector<16xi1>, vector<16xi32>
      %add3A_701 = arith.constant 3712 : i32
      %add3A_702 = arith.addi %add3A_701, %mul3A_25 : i32
      %get3A_703 = arith.index_cast %add3A_702 : i32 to index
      %get3A_704 = tpu.vector_load %arg7[%get3A_703] {strides = array<i32>} : memref<4096xf32, #tpu.memory_space<vmem>>, vector<16xf32>,
      %broadcast_in_dim3A_705 = arith.constant 29 : i32
      %broadcast_in_dim3A_706 = vector.broadcast %broadcast_in_dim3A_705 : i32 to vector<16xi32>
      %gt3A_707 = arith.cmpf ogt, %get3A_704, %select_n3A_687 : vector<16xf32>
      %gt3A_708 = arith.cmpf ogt, %get3A_704, %select_n3A_689 : vector<16xf32>
      %gt3A_709 = arith.cmpf ogt, %get3A_704, %select_n3A_691 : vector<16xf32>
      %gt3A_710 = arith.cmpf ogt, %get3A_704, %select_n3A_693 : vector<16xf32>
      %select_n3A_711 = arith.select %gt3A_707, %get3A_704, %select_n3A_687 : vector<16xi1>, vector<16xf32>
      %select_n3A_712 = arith.select %gt3A_708, %get3A_704, %select_n3A_689 : vector<16xi1>, vector<16xf32>
      %select_n3A_713 = arith.select %gt3A_707, %select_n3A_687, %select_n3A_712 : vector<16xi1>, vector<16xf32>
      %select_n3A_714 = arith.select %gt3A_709, %get3A_704, %select_n3A_691 : vector<16xi1>, vector<16xf32>
      %select_n3A_715 = arith.select %gt3A_708, %select_n3A_689, %select_n3A_714 : vector<16xi1>, vector<16xf32>
      %select_n3A_716 = arith.select %gt3A_710, %get3A_704, %select_n3A_693 : vector<16xi1>, vector<16xf32>
      %select_n3A_717 = arith.select %gt3A_709, %select_n3A_691, %select_n3A_716 : vector<16xi1>, vector<16xf32>
      %select_n3A_718 = arith.select %gt3A_707, %broadcast_in_dim3A_706, %select_n3A_694 : vector<16xi1>, vector<16xi32>
      %select_n3A_719 = arith.select %gt3A_708, %broadcast_in_dim3A_706, %select_n3A_696 : vector<16xi1>, vector<16xi32>
      %select_n3A_720 = arith.select %gt3A_707, %select_n3A_694, %select_n3A_719 : vector<16xi1>, vector<16xi32>
      %select_n3A_721 = arith.select %gt3A_709, %broadcast_in_dim3A_706, %select_n3A_698 : vector<16xi1>, vector<16xi32>
      %select_n3A_722 = arith.select %gt3A_708, %select_n3A_696, %select_n3A_721 : vector<16xi1>, vector<16xi32>
      %select_n3A_723 = arith.select %gt3A_710, %broadcast_in_dim3A_706, %select_n3A_700 : vector<16xi1>, vector<16xi32>
      %select_n3A_724 = arith.select %gt3A_709, %select_n3A_698, %select_n3A_723 : vector<16xi1>, vector<16xi32>
      %add3A_725 = arith.constant 3840 : i32
      %add3A_726 = arith.addi %add3A_725, %mul3A_25 : i32
      %get3A_727 = arith.index_cast %add3A_726 : i32 to index
      %get3A_728 = tpu.vector_load %arg7[%get3A_727] {strides = array<i32>} : memref<4096xf32, #tpu.memory_space<vmem>>, vector<16xf32>,
      %broadcast_in_dim3A_729 = arith.constant 30 : i32
      %broadcast_in_dim3A_730 = vector.broadcast %broadcast_in_dim3A_729 : i32 to vector<16xi32>
      %gt3A_731 = arith.cmpf ogt, %get3A_728, %select_n3A_711 : vector<16xf32>
      %gt3A_732 = arith.cmpf ogt, %get3A_728, %select_n3A_713 : vector<16xf32>
      %gt3A_733 = arith.cmpf ogt, %get3A_728, %select_n3A_715 : vector<16xf32>
      %gt3A_734 = arith.cmpf ogt, %get3A_728, %select_n3A_717 : vector<16xf32>
      %select_n3A_735 = arith.select %gt3A_731, %get3A_728, %select_n3A_711 : vector<16xi1>, vector<16xf32>
      %select_n3A_736 = arith.select %gt3A_732, %get3A_728, %select_n3A_713 : vector<16xi1>, vector<16xf32>
      %select_n3A_737 = arith.select %gt3A_731, %select_n3A_711, %select_n3A_736 : vector<16xi1>, vector<16xf32>
      %select_n3A_738 = arith.select %gt3A_733, %get3A_728, %select_n3A_715 : vector<16xi1>, vector<16xf32>
      %select_n3A_739 = arith.select %gt3A_732, %select_n3A_713, %select_n3A_738 : vector<16xi1>, vector<16xf32>
      %select_n3A_740 = arith.select %gt3A_734, %get3A_728, %select_n3A_717 : vector<16xi1>, vector<16xf32>
      %select_n3A_741 = arith.select %gt3A_733, %select_n3A_715, %select_n3A_740 : vector<16xi1>, vector<16xf32>
      %select_n3A_742 = arith.select %gt3A_731, %broadcast_in_dim3A_730, %select_n3A_718 : vector<16xi1>, vector<16xi32>
      %select_n3A_743 = arith.select %gt3A_732, %broadcast_in_dim3A_730, %select_n3A_720 : vector<16xi1>, vector<16xi32>
      %select_n3A_744 = arith.select %gt3A_731, %select_n3A_718, %select_n3A_743 : vector<16xi1>, vector<16xi32>
      %select_n3A_745 = arith.select %gt3A_733, %broadcast_in_dim3A_730, %select_n3A_722 : vector<16xi1>, vector<16xi32>
      %select_n3A_746 = arith.select %gt3A_732, %select_n3A_720, %select_n3A_745 : vector<16xi1>, vector<16xi32>
      %select_n3A_747 = arith.select %gt3A_734, %broadcast_in_dim3A_730, %select_n3A_724 : vector<16xi1>, vector<16xi32>
      %select_n3A_748 = arith.select %gt3A_733, %select_n3A_722, %select_n3A_747 : vector<16xi1>, vector<16xi32>
      %add3A_749 = arith.constant 3968 : i32
      %add3A_750 = arith.addi %add3A_749, %mul3A_25 : i32
      %get3A_751 = arith.index_cast %add3A_750 : i32 to index
      %get3A_752 = tpu.vector_load %arg7[%get3A_751] {strides = array<i32>} : memref<4096xf32, #tpu.memory_space<vmem>>, vector<16xf32>,
      %broadcast_in_dim3A_753 = arith.constant 31 : i32
      %broadcast_in_dim3A_754 = vector.broadcast %broadcast_in_dim3A_753 : i32 to vector<16xi32>
      %gt3A_755 = arith.cmpf ogt, %get3A_752, %select_n3A_735 : vector<16xf32>
      %gt3A_756 = arith.cmpf ogt, %get3A_752, %select_n3A_737 : vector<16xf32>
      %gt3A_757 = arith.cmpf ogt, %get3A_752, %select_n3A_739 : vector<16xf32>
      %gt3A_758 = arith.cmpf ogt, %get3A_752, %select_n3A_741 : vector<16xf32>
      %select_n3A_759 = arith.select %gt3A_755, %get3A_752, %select_n3A_735 : vector<16xi1>, vector<16xf32>
      %select_n3A_760 = arith.select %gt3A_756, %get3A_752, %select_n3A_737 : vector<16xi1>, vector<16xf32>
      %select_n3A_761 = arith.select %gt3A_755, %select_n3A_735, %select_n3A_760 : vector<16xi1>, vector<16xf32>
      %select_n3A_762 = arith.select %gt3A_757, %get3A_752, %select_n3A_739 : vector<16xi1>, vector<16xf32>
      %select_n3A_763 = arith.select %gt3A_756, %select_n3A_737, %select_n3A_762 : vector<16xi1>, vector<16xf32>
      %select_n3A_764 = arith.select %gt3A_758, %get3A_752, %select_n3A_741 : vector<16xi1>, vector<16xf32>
      %select_n3A_765 = arith.select %gt3A_757, %select_n3A_739, %select_n3A_764 : vector<16xi1>, vector<16xf32>
      %select_n3A_766 = arith.select %gt3A_755, %broadcast_in_dim3A_754, %select_n3A_742 : vector<16xi1>, vector<16xi32>
      %select_n3A_767 = arith.select %gt3A_756, %broadcast_in_dim3A_754, %select_n3A_744 : vector<16xi1>, vector<16xi32>
      %select_n3A_768 = arith.select %gt3A_755, %select_n3A_742, %select_n3A_767 : vector<16xi1>, vector<16xi32>
      %select_n3A_769 = arith.select %gt3A_757, %broadcast_in_dim3A_754, %select_n3A_746 : vector<16xi1>, vector<16xi32>
      %select_n3A_770 = arith.select %gt3A_756, %select_n3A_744, %select_n3A_769 : vector<16xi1>, vector<16xi32>
      %select_n3A_771 = arith.select %gt3A_758, %broadcast_in_dim3A_754, %select_n3A_748 : vector<16xi1>, vector<16xi32>
      %select_n3A_772 = arith.select %gt3A_757, %select_n3A_746, %select_n3A_771 : vector<16xi1>, vector<16xi32>
      %sub3A = arith.subf %select_n3A_761, %select_n3A_759 : vector<16xf32>
      %exp3A = math.exp %sub3A : vector<16xf32>
      %sub3A_773 = arith.subf %select_n3A_763, %select_n3A_759 : vector<16xf32>
      %exp3A_774 = math.exp %sub3A_773 : vector<16xf32>
      %sub3A_775 = arith.subf %select_n3A_765, %select_n3A_759 : vector<16xf32>
      %exp3A_776 = math.exp %sub3A_775 : vector<16xf32>
      %add3A_777 = arith.constant 1.000000e+00 : f32
      %add3A_778 = vector.broadcast %add3A_777 : f32 to vector<16xf32>
      %add3A_779 = arith.addf %add3A_778, %exp3A : vector<16xf32>
      %add3A_780 = arith.addf %add3A_779, %exp3A_774 : vector<16xf32>
      %add3A_781 = arith.addf %add3A_780, %exp3A_776 : vector<16xf32>
      %div3A = arith.constant 1.000000e+00 : f32
      %div3A_782 = vector.broadcast %div3A : f32 to vector<16xf32>
      %div3A_783 = arith.divf %div3A_782, %add3A_781 : vector<16xf32>
      %add3A_784 = vector.broadcast %mul3A_25 : i32 to vector<16xi32>
      %add3A_785 = arith.addi %add3A_784, %iota3A : vector<16xi32>
      tpu.vector_store_idx %arg8[%add3A_785, %select_n3A_766], %div3A_783 : memref<128x32xf32, #tpu.memory_space<vmem>>[vector<16xi32>, vector<16xi32>], vector<16xf32>,
      %mul3A_786 = arith.mulf %exp3A, %div3A_783 : vector<16xf32>
      tpu.vector_store_idx %arg8[%add3A_785, %select_n3A_768], %mul3A_786 : memref<128x32xf32, #tpu.memory_space<vmem>>[vector<16xi32>, vector<16xi32>], vector<16xf32>,
      %mul3A_787 = arith.mulf %exp3A_774, %div3A_783 : vector<16xf32>
      tpu.vector_store_idx %arg8[%add3A_785, %select_n3A_770], %mul3A_787 : memref<128x32xf32, #tpu.memory_space<vmem>>[vector<16xi32>, vector<16xi32>], vector<16xf32>,
      %mul3A_788 = arith.mulf %exp3A_776, %div3A_783 : vector<16xf32>
      tpu.vector_store_idx %arg8[%add3A_785, %select_n3A_772], %mul3A_788 : memref<128x32xf32, #tpu.memory_space<vmem>>[vector<16xi32>, vector<16xi32>], vector<16xf32>,
      tpu.vector_store_idx %arg9[%add3A_785, %broadcast_in_dim3A_29], %select_n3A_766 : memref<128x4xi32, #tpu.memory_space<vmem>>[vector<16xi32>, vector<16xi32>], vector<16xi32>,
      %add3A_789 = arith.constant 1 : i32
      %add3A_790 = vector.broadcast %add3A_789 : i32 to vector<16xi32>
      %add3A_791 = arith.addi %broadcast_in_dim3A_29, %add3A_790 : vector<16xi32>
      tpu.vector_store_idx %arg9[%add3A_785, %add3A_791], %select_n3A_768 : memref<128x4xi32, #tpu.memory_space<vmem>>[vector<16xi32>, vector<16xi32>], vector<16xi32>,
      %add3A_792 = arith.constant 2 : i32
      %add3A_793 = vector.broadcast %add3A_792 : i32 to vector<16xi32>
      %add3A_794 = arith.addi %broadcast_in_dim3A_29, %add3A_793 : vector<16xi32>
      tpu.vector_store_idx %arg9[%add3A_785, %add3A_794], %select_n3A_770 : memref<128x4xi32, #tpu.memory_space<vmem>>[vector<16xi32>, vector<16xi32>], vector<16xi32>,
      %add3A_795 = arith.constant 3 : i32
      %add3A_796 = vector.broadcast %add3A_795 : i32 to vector<16xi32>
      %add3A_797 = arith.addi %broadcast_in_dim3A_29, %add3A_796 : vector<16xi32>
      tpu.vector_store_idx %arg9[%add3A_785, %add3A_797], %select_n3A_772 : memref<128x4xi32, #tpu.memory_space<vmem>>[vector<16xi32>, vector<16xi32>], vector<16xi32>,
    }
    %scan3A_22 = arith.constant 8 : i32
    "tpu.region"() ({
      %run_scoped3A = tpu.sem_alloc : memref<!tpu.dma_semaphore, #tpu.memory_space<semaphore_mem>>
      %dma_start3A_23 = arith.constant 0 : i32
      %dma_start3A_24 = tpu.memref_slice %arg3[%add3A_4, %dma_start3A_23] : memref<8192x32xf32, #tpu.memory_space<hbm>> -> memref<128x32xf32, #tpu.memory_space<hbm>>
      %dma_start3A_25 = arith.constant 0 : i32
      %dma_start3A_26 = tpu.memref_slice %arg3[%add3A_4, %dma_start3A_25] : memref<8192x32xf32, #tpu.memory_space<hbm>> -> memref<128x32xf32, #tpu.memory_space<hbm>>
      tpu.enqueue_dma source(%arg8 : memref<128x32xf32, #tpu.memory_space<vmem>>) target(%dma_start3A_26 : memref<128x32xf32, #tpu.memory_space<hbm>>) target_semaphore(%run_scoped3A : memref<!tpu.dma_semaphore, #tpu.memory_space<semaphore_mem>>)
      %dma_wait3A_27 = arith.constant 0 : i32
      %dma_wait3A_28 = tpu.memref_slice %arg3[%add3A_4, %dma_wait3A_27] : memref<8192x32xf32, #tpu.memory_space<hbm>> -> memref<128x32xf32, #tpu.memory_space<hbm>>
      %dma_wait3A_29 = arith.constant 0 : i32
      %dma_wait3A_30 = tpu.memref_slice %arg3[%add3A_4, %dma_wait3A_29] : memref<8192x32xf32, #tpu.memory_space<hbm>> -> memref<128x32xf32, #tpu.memory_space<hbm>>
      tpu.wait_dma2 semaphore(%run_scoped3A : memref<!tpu.dma_semaphore, #tpu.memory_space<semaphore_mem>>) src(%arg8 : memref<128x32xf32, #tpu.memory_space<vmem>>) dst(%dma_wait3A_30 : memref<128x32xf32, #tpu.memory_space<hbm>>)
      tpu.yield
    }) : () -> ()
    "tpu.region"() ({
      %run_scoped3A = tpu.sem_alloc : memref<!tpu.dma_semaphore, #tpu.memory_space<semaphore_mem>>
      %dma_start3A_23 = arith.constant 0 : i32
      %dma_start3A_24 = tpu.memref_slice %arg4[%add3A_4, %dma_start3A_23] : memref<8192x4xi32, #tpu.memory_space<hbm>> -> memref<128x4xi32, #tpu.memory_space<hbm>>
      %dma_start3A_25 = arith.constant 0 : i32
      %dma_start3A_26 = tpu.memref_slice %arg4[%add3A_4, %dma_start3A_25] : memref<8192x4xi32, #tpu.memory_space<hbm>> -> memref<128x4xi32, #tpu.memory_space<hbm>>
      tpu.enqueue_dma source(%arg9 : memref<128x4xi32, #tpu.memory_space<vmem>>) target(%dma_start3A_26 : memref<128x4xi32, #tpu.memory_space<hbm>>) target_semaphore(%run_scoped3A : memref<!tpu.dma_semaphore, #tpu.memory_space<semaphore_mem>>)
      %dma_wait3A_27 = arith.constant 0 : i32
      %dma_wait3A_28 = tpu.memref_slice %arg4[%add3A_4, %dma_wait3A_27] : memref<8192x4xi32, #tpu.memory_space<hbm>> -> memref<128x4xi32, #tpu.memory_space<hbm>>
      %dma_wait3A_29 = arith.constant 0 : i32
      %dma_wait3A_30 = tpu.memref_slice %arg4[%add3A_4, %dma_wait3A_29] : memref<8192x4xi32, #tpu.memory_space<hbm>> -> memref<128x4xi32, #tpu.memory_space<hbm>>
      tpu.wait_dma2 semaphore(%run_scoped3A : memref<!tpu.dma_semaphore, #tpu.memory_space<semaphore_mem>>) src(%arg9 : memref<128x4xi32, #tpu.memory_space<vmem>>) dst(%dma_wait3A_30 : memref<128x4xi32, #tpu.memory_space<hbm>>)
      tpu.yield
    }) : () -> ()
    return
  }
}

#map = affine_map<(d0, d1) -> (0)>
#map1 = affine_map<(d0, d1) -> (0, 0)>
module attributes {stable_mosaic.version = 14 : i64} {
  func.func @new_body(%arg0: i32, %arg1: i32, %arg2: memref<131072xf32, #tpu.memory_space<hbm>>, %arg3: memref<8192x32xf32, #tpu.memory_space<hbm>>, %arg4: memref<8192x4xi32, #tpu.memory_space<hbm>>, %arg5: memref<8192x32xf32, #tpu.memory_space<hbm>>, %arg6: memref<8192x4xi32, #tpu.memory_space<hbm>>, %arg7: memref<4096xf32, #tpu.memory_space<vmem>>, %arg8: memref<128x32xf32, #tpu.memory_space<vmem>>, %arg9: memref<128x4xi32, #tpu.memory_space<vmem>>, %arg10: memref<!tpu.dma_semaphore, #tpu.memory_space<semaphore_mem>>) attributes {dimension_semantics = [#tpu.dimension_semantics<core_parallel>, #tpu.dimension_semantics<subcore_parallel>], iteration_bounds = array<i64: 2, 16>, scalar_prefetch = 0 : i64, scratch_operands = 4 : i64, tpu.core_type = #tpu.core_type<sc_vector_subcore>, window_params = [{transform_indices = #map}, {transform_indices = #map1}, {transform_indices = #map1}, {transform_indices = #map1}, {transform_indices = #map1}]} {
    %mul3A = arith.constant 2 : i32
    %mul3A_0 = arith.muli %arg1, %mul3A : i32
    %add3A = arith.addi %mul3A_0, %arg0 : i32
    %mul3A_1 = arith.constant 128 : i32
    %mul3A_2 = arith.muli %add3A, %mul3A_1 : i32
    %add3A_3 = arith.constant 0 : i32
    %add3A_4 = arith.addi %add3A_3, %mul3A_2 : i32
    %mul3A_5 = arith.constant 32 : i32
    %mul3A_6 = arith.muli %add3A, %mul3A_5 : i32
    %mul3A_7 = arith.constant 128 : i32
    %mul3A_8 = arith.muli %mul3A_6, %mul3A_7 : i32
    %dma_start3A = tpu.memref_slice %arg2[%mul3A_8] : memref<131072xf32, #tpu.memory_space<hbm>> -> memref<4096xf32, #tpu.memory_space<hbm>>
    %dma_start3A_9 = tpu.memref_slice %arg2[%mul3A_8] : memref<131072xf32, #tpu.memory_space<hbm>> -> memref<4096xf32, #tpu.memory_space<hbm>>
    tpu.enqueue_dma source(%dma_start3A_9 : memref<4096xf32, #tpu.memory_space<hbm>>) target(%arg7 : memref<4096xf32, #tpu.memory_space<vmem>>) target_semaphore(%arg10 : memref<!tpu.dma_semaphore, #tpu.memory_space<semaphore_mem>>)
    %iota3A = tpu.iota {dimensions = array<i32: 0>} : vector<16xi32>
    %broadcast_in_dim3A = arith.constant 0.000000e+00 : f32
    %broadcast_in_dim3A_10 = vector.broadcast %broadcast_in_dim3A : f32 to vector<16xf32>
    %scan3A = arith.constant 0 : i32
    %scan3A_11 = arith.constant 0 : i32
    %scan3A_12 = arith.constant 128 : i32
    %scan3A_13 = arith.addi %scan3A_11, %scan3A_12 : i32
    %scan3A_14 = arith.constant 1 : i32
    scf.for %scan3A_23 = %scan3A_11 to %scan3A_13 step %scan3A_14  : i32 {
      %swap3A = arith.index_cast %scan3A_23 : i32 to index
      %swap3A_24 = arith.constant 0 : index
      %swap3A_25 = tpu.vector_load %arg8[%swap3A, %swap3A_24] {strides = array<i32>} : memref<128x32xf32, #tpu.memory_space<vmem>>, vector<16xf32>,
      tpu.vector_store %arg8[%swap3A, %swap3A_24], %broadcast_in_dim3A_10 {strides = array<i32>} : memref<128x32xf32, #tpu.memory_space<vmem>>, vector<16xf32>,
      %swap3A_26 = arith.index_cast %scan3A_23 : i32 to index
      %swap3A_27 = arith.constant 16 : index
      %swap3A_28 = tpu.vector_load %arg8[%swap3A_26, %swap3A_27] {strides = array<i32>} : memref<128x32xf32, #tpu.memory_space<vmem>>, vector<16xf32>,
      tpu.vector_store %arg8[%swap3A_26, %swap3A_27], %broadcast_in_dim3A_10 {strides = array<i32>} : memref<128x32xf32, #tpu.memory_space<vmem>>, vector<16xf32>,
    }
    %scan3A_15 = arith.constant 128 : i32
    %dma_wait3A = tpu.memref_slice %arg2[%mul3A_8] : memref<131072xf32, #tpu.memory_space<hbm>> -> memref<4096xf32, #tpu.memory_space<hbm>>
    %dma_wait3A_16 = tpu.memref_slice %arg2[%mul3A_8] : memref<131072xf32, #tpu.memory_space<hbm>> -> memref<4096xf32, #tpu.memory_space<hbm>>
    tpu.wait_dma2 semaphore(%arg10 : memref<!tpu.dma_semaphore, #tpu.memory_space<semaphore_mem>>) src(%dma_wait3A_16 : memref<4096xf32, #tpu.memory_space<hbm>>) dst(%arg7 : memref<4096xf32, #tpu.memory_space<vmem>>)
    %scan3A_17 = arith.constant 0 : i32
    %scan3A_18 = arith.constant 0 : i32
    %scan3A_19 = arith.constant 8 : i32
    %scan3A_20 = arith.addi %scan3A_18, %scan3A_19 : i32
    %scan3A_21 = arith.constant 1 : i32
    scf.for %scan3A_23 = %scan3A_18 to %scan3A_20 step %scan3A_21  : i32 {
      %mul3A_24 = arith.constant 16 : i32
      %mul3A_25 = arith.muli %scan3A_23, %mul3A_24 : i32
      %broadcast_in_dim3A_26 = arith.constant 0xFF800000 : f32
      %broadcast_in_dim3A_27 = vector.broadcast %broadcast_in_dim3A_26 : f32 to vector<16xf32>
      %broadcast_in_dim3A_28 = arith.constant 0 : i32
      %broadcast_in_dim3A_29 = vector.broadcast %broadcast_in_dim3A_28 : i32 to vector<16xi32>
      %get3A = arith.index_cast %mul3A_25 : i32 to index
      %get3A_30 = tpu.vector_load %arg7[%get3A] {strides = array<i32>} : memref<4096xf32, #tpu.memory_space<vmem>>, vector<16xf32>,
      %add3A_31 = arith.constant 128 : i32
      %add3A_32 = arith.addi %add3A_31, %mul3A_25 : i32
      %get3A_33 = arith.index_cast %add3A_32 : i32 to index
      %get3A_34 = tpu.vector_load %arg7[%get3A_33] {strides = array<i32>} : memref<4096xf32, #tpu.memory_space<vmem>>, vector<16xf32>,
      %broadcast_in_dim3A_35 = arith.constant 1 : i32
      %broadcast_in_dim3A_36 = vector.broadcast %broadcast_in_dim3A_35 : i32 to vector<16xi32>
      %gt3A = arith.cmpf ogt, %get3A_34, %get3A_30 : vector<16xf32>
      %gt3A_37 = arith.cmpf ogt, %get3A_34, %broadcast_in_dim3A_27 : vector<16xf32>
      %gt3A_38 = arith.cmpf ogt, %get3A_34, %broadcast_in_dim3A_27 : vector<16xf32>
      %gt3A_39 = arith.cmpf ogt, %get3A_34, %broadcast_in_dim3A_27 : vector<16xf32>
      %select_n3A = arith.select %gt3A, %get3A_34, %get3A_30 : vector<16xi1>, vector<16xf32>
      %select_n3A_40 = arith.select %gt3A_37, %get3A_34, %broadcast_in_dim3A_27 : vector<16xi1>, vector<16xf32>
      %select_n3A_41 = arith.select %gt3A, %get3A_30, %select_n3A_40 : vector<16xi1>, vector<16xf32>
      %select_n3A_42 = arith.select %gt3A_38, %get3A_34, %broadcast_in_dim3A_27 : vector<16xi1>, vector<16xf32>
      %select_n3A_43 = arith.select %gt3A_37, %broadcast_in_dim3A_27, %select_n3A_42 : vector<16xi1>, vector<16xf32>
      %select_n3A_44 = arith.select %gt3A_39, %get3A_34, %broadcast_in_dim3A_27 : vector<16xi1>, vector<16xf32>
      %select_n3A_45 = arith.select %gt3A_38, %broadcast_in_dim3A_27, %select_n3A_44 : vector<16xi1>, vector<16xf32>
      %select_n3A_46 = arith.select %gt3A, %broadcast_in_dim3A_36, %broadcast_in_dim3A_29 : vector<16xi1>, vector<16xi32>
      %select_n3A_47 = arith.select %gt3A_37, %broadcast_in_dim3A_36, %broadcast_in_dim3A_29 : vector<16xi1>, vector<16xi32>
      %select_n3A_48 = arith.select %gt3A, %broadcast_in_dim3A_29, %select_n3A_47 : vector<16xi1>, vector<16xi32>
      %select_n3A_49 = arith.select %gt3A_38, %broadcast_in_dim3A_36, %broadcast_in_dim3A_29 : vector<16xi1>, vector<16xi32>
      %select_n3A_50 = arith.select %gt3A_37, %broadcast_in_dim3A_29, %select_n3A_49 : vector<16xi1>, vector<16xi32>
      %select_n3A_51 = arith.select %gt3A_39, %broadcast_in_dim3A_36, %broadcast_in_dim3A_29 : vector<16xi1>, vector<16xi32>
      %select_n3A_52 = arith.select %gt3A_38, %broadcast_in_dim3A_29, %select_n3A_51 : vector<16xi1>, vector<16xi32>
      %add3A_53 = arith.constant 256 : i32
      %add3A_54 = arith.addi %add3A_53, %mul3A_25 : i32
      %get3A_55 = arith.index_cast %add3A_54 : i32 to index
      %get3A_56 = tpu.vector_load %arg7[%get3A_55] {strides = array<i32>} : memref<4096xf32, #tpu.memory_space<vmem>>, vector<16xf32>,
      %broadcast_in_dim3A_57 = arith.constant 2 : i32
      %broadcast_in_dim3A_58 = vector.broadcast %broadcast_in_dim3A_57 : i32 to vector<16xi32>
      %gt3A_59 = arith.cmpf ogt, %get3A_56, %select_n3A : vector<16xf32>
      %gt3A_60 = arith.cmpf ogt, %get3A_56, %select_n3A_41 : vector<16xf32>
      %gt3A_61 = arith.cmpf ogt, %get3A_56, %select_n3A_43 : vector<16xf32>
      %gt3A_62 = arith.cmpf ogt, %get3A_56, %select_n3A_45 : vector<16xf32>
      %select_n3A_63 = arith.select %gt3A_59, %get3A_56, %select_n3A : vector<16xi1>, vector<16xf32>
      %select_n3A_64 = arith.select %gt3A_60, %get3A_56, %select_n3A_41 : vector<16xi1>, vector<16xf32>
      %select_n3A_65 = arith.select %gt3A_59, %select_n3A, %select_n3A_64 : vector<16xi1>, vector<16xf32>
      %select_n3A_66 = arith.select %gt3A_61, %get3A_56, %select_n3A_43 : vector<16xi1>, vector<16xf32>
      %select_n3A_67 = arith.select %gt3A_60, %select_n3A_41, %select_n3A_66 : vector<16xi1>, vector<16xf32>
      %select_n3A_68 = arith.select %gt3A_62, %get3A_56, %select_n3A_45 : vector<16xi1>, vector<16xf32>
      %select_n3A_69 = arith.select %gt3A_61, %select_n3A_43, %select_n3A_68 : vector<16xi1>, vector<16xf32>
      %select_n3A_70 = arith.select %gt3A_59, %broadcast_in_dim3A_58, %select_n3A_46 : vector<16xi1>, vector<16xi32>
      %select_n3A_71 = arith.select %gt3A_60, %broadcast_in_dim3A_58, %select_n3A_48 : vector<16xi1>, vector<16xi32>
      %select_n3A_72 = arith.select %gt3A_59, %select_n3A_46, %select_n3A_71 : vector<16xi1>, vector<16xi32>
      %select_n3A_73 = arith.select %gt3A_61, %broadcast_in_dim3A_58, %select_n3A_50 : vector<16xi1>, vector<16xi32>
      %select_n3A_74 = arith.select %gt3A_60, %select_n3A_48, %select_n3A_73 : vector<16xi1>, vector<16xi32>
      %select_n3A_75 = arith.select %gt3A_62, %broadcast_in_dim3A_58, %select_n3A_52 : vector<16xi1>, vector<16xi32>
      %select_n3A_76 = arith.select %gt3A_61, %select_n3A_50, %select_n3A_75 : vector<16xi1>, vector<16xi32>
      %add3A_77 = arith.constant 384 : i32
      %add3A_78 = arith.addi %add3A_77, %mul3A_25 : i32
      %get3A_79 = arith.index_cast %add3A_78 : i32 to index
      %get3A_80 = tpu.vector_load %arg7[%get3A_79] {strides = array<i32>} : memref<4096xf32, #tpu.memory_space<vmem>>, vector<16xf32>,
      %broadcast_in_dim3A_81 = arith.constant 3 : i32
      %broadcast_in_dim3A_82 = vector.broadcast %broadcast_in_dim3A_81 : i32 to vector<16xi32>
      %gt3A_83 = arith.cmpf ogt, %get3A_80, %select_n3A_63 : vector<16xf32>
      %gt3A_84 = arith.cmpf ogt, %get3A_80, %select_n3A_65 : vector<16xf32>
      %gt3A_85 = arith.cmpf ogt, %get3A_80, %select_n3A_67 : vector<16xf32>
      %gt3A_86 = arith.cmpf ogt, %get3A_80, %select_n3A_69 : vector<16xf32>
      %select_n3A_87 = arith.select %gt3A_83, %get3A_80, %select_n3A_63 : vector<16xi1>, vector<16xf32>
      %select_n3A_88 = arith.select %gt3A_84, %get3A_80, %select_n3A_65 : vector<16xi1>, vector<16xf32>
      %select_n3A_89 = arith.select %gt3A_83, %select_n3A_63, %select_n3A_88 : vector<16xi1>, vector<16xf32>
      %select_n3A_90 = arith.select %gt3A_85, %get3A_80, %select_n3A_67 : vector<16xi1>, vector<16xf32>
      %select_n3A_91 = arith.select %gt3A_84, %select_n3A_65, %select_n3A_90 : vector<16xi1>, vector<16xf32>
      %select_n3A_92 = arith.select %gt3A_86, %get3A_80, %select_n3A_69 : vector<16xi1>, vector<16xf32>
      %select_n3A_93 = arith.select %gt3A_85, %select_n3A_67, %select_n3A_92 : vector<16xi1>, vector<16xf32>
      %select_n3A_94 = arith.select %gt3A_83, %broadcast_in_dim3A_82, %select_n3A_70 : vector<16xi1>, vector<16xi32>
      %select_n3A_95 = arith.select %gt3A_84, %broadcast_in_dim3A_82, %select_n3A_72 : vector<16xi1>, vector<16xi32>
      %select_n3A_96 = arith.select %gt3A_83, %select_n3A_70, %select_n3A_95 : vector<16xi1>, vector<16xi32>
      %select_n3A_97 = arith.select %gt3A_85, %broadcast_in_dim3A_82, %select_n3A_74 : vector<16xi1>, vector<16xi32>
      %select_n3A_98 = arith.select %gt3A_84, %select_n3A_72, %select_n3A_97 : vector<16xi1>, vector<16xi32>
      %select_n3A_99 = arith.select %gt3A_86, %broadcast_in_dim3A_82, %select_n3A_76 : vector<16xi1>, vector<16xi32>
      %select_n3A_100 = arith.select %gt3A_85, %select_n3A_74, %select_n3A_99 : vector<16xi1>, vector<16xi32>
      %add3A_101 = arith.constant 512 : i32
      %add3A_102 = arith.addi %add3A_101, %mul3A_25 : i32
      %get3A_103 = arith.index_cast %add3A_102 : i32 to index
      %get3A_104 = tpu.vector_load %arg7[%get3A_103] {strides = array<i32>} : memref<4096xf32, #tpu.memory_space<vmem>>, vector<16xf32>,
      %broadcast_in_dim3A_105 = arith.constant 4 : i32
      %broadcast_in_dim3A_106 = vector.broadcast %broadcast_in_dim3A_105 : i32 to vector<16xi32>
      %gt3A_107 = arith.cmpf ogt, %get3A_104, %select_n3A_87 : vector<16xf32>
      %gt3A_108 = arith.cmpf ogt, %get3A_104, %select_n3A_89 : vector<16xf32>
      %gt3A_109 = arith.cmpf ogt, %get3A_104, %select_n3A_91 : vector<16xf32>
      %gt3A_110 = arith.cmpf ogt, %get3A_104, %select_n3A_93 : vector<16xf32>
      %select_n3A_111 = arith.select %gt3A_107, %get3A_104, %select_n3A_87 : vector<16xi1>, vector<16xf32>
      %select_n3A_112 = arith.select %gt3A_108, %get3A_104, %select_n3A_89 : vector<16xi1>, vector<16xf32>
      %select_n3A_113 = arith.select %gt3A_107, %select_n3A_87, %select_n3A_112 : vector<16xi1>, vector<16xf32>
      %select_n3A_114 = arith.select %gt3A_109, %get3A_104, %select_n3A_91 : vector<16xi1>, vector<16xf32>
      %select_n3A_115 = arith.select %gt3A_108, %select_n3A_89, %select_n3A_114 : vector<16xi1>, vector<16xf32>
      %select_n3A_116 = arith.select %gt3A_110, %get3A_104, %select_n3A_93 : vector<16xi1>, vector<16xf32>
      %select_n3A_117 = arith.select %gt3A_109, %select_n3A_91, %select_n3A_116 : vector<16xi1>, vector<16xf32>
      %select_n3A_118 = arith.select %gt3A_107, %broadcast_in_dim3A_106, %select_n3A_94 : vector<16xi1>, vector<16xi32>
      %select_n3A_119 = arith.select %gt3A_108, %broadcast_in_dim3A_106, %select_n3A_96 : vector<16xi1>, vector<16xi32>
      %select_n3A_120 = arith.select %gt3A_107, %select_n3A_94, %select_n3A_119 : vector<16xi1>, vector<16xi32>
      %select_n3A_121 = arith.select %gt3A_109, %broadcast_in_dim3A_106, %select_n3A_98 : vector<16xi1>, vector<16xi32>
      %select_n3A_122 = arith.select %gt3A_108, %select_n3A_96, %select_n3A_121 : vector<16xi1>, vector<16xi32>
      %select_n3A_123 = arith.select %gt3A_110, %broadcast_in_dim3A_106, %select_n3A_100 : vector<16xi1>, vector<16xi32>
      %select_n3A_124 = arith.select %gt3A_109, %select_n3A_98, %select_n3A_123 : vector<16xi1>, vector<16xi32>
      %add3A_125 = arith.constant 640 : i32
      %add3A_126 = arith.addi %add3A_125, %mul3A_25 : i32
      %get3A_127 = arith.index_cast %add3A_126 : i32 to index
      %get3A_128 = tpu.vector_load %arg7[%get3A_127] {strides = array<i32>} : memref<4096xf32, #tpu.memory_space<vmem>>, vector<16xf32>,
      %broadcast_in_dim3A_129 = arith.constant 5 : i32
      %broadcast_in_dim3A_130 = vector.broadcast %broadcast_in_dim3A_129 : i32 to vector<16xi32>
      %gt3A_131 = arith.cmpf ogt, %get3A_128, %select_n3A_111 : vector<16xf32>
      %gt3A_132 = arith.cmpf ogt, %get3A_128, %select_n3A_113 : vector<16xf32>
      %gt3A_133 = arith.cmpf ogt, %get3A_128, %select_n3A_115 : vector<16xf32>
      %gt3A_134 = arith.cmpf ogt, %get3A_128, %select_n3A_117 : vector<16xf32>
      %select_n3A_135 = arith.select %gt3A_131, %get3A_128, %select_n3A_111 : vector<16xi1>, vector<16xf32>
      %select_n3A_136 = arith.select %gt3A_132, %get3A_128, %select_n3A_113 : vector<16xi1>, vector<16xf32>
      %select_n3A_137 = arith.select %gt3A_131, %select_n3A_111, %select_n3A_136 : vector<16xi1>, vector<16xf32>
      %select_n3A_138 = arith.select %gt3A_133, %get3A_128, %select_n3A_115 : vector<16xi1>, vector<16xf32>
      %select_n3A_139 = arith.select %gt3A_132, %select_n3A_113, %select_n3A_138 : vector<16xi1>, vector<16xf32>
      %select_n3A_140 = arith.select %gt3A_134, %get3A_128, %select_n3A_117 : vector<16xi1>, vector<16xf32>
      %select_n3A_141 = arith.select %gt3A_133, %select_n3A_115, %select_n3A_140 : vector<16xi1>, vector<16xf32>
      %select_n3A_142 = arith.select %gt3A_131, %broadcast_in_dim3A_130, %select_n3A_118 : vector<16xi1>, vector<16xi32>
      %select_n3A_143 = arith.select %gt3A_132, %broadcast_in_dim3A_130, %select_n3A_120 : vector<16xi1>, vector<16xi32>
      %select_n3A_144 = arith.select %gt3A_131, %select_n3A_118, %select_n3A_143 : vector<16xi1>, vector<16xi32>
      %select_n3A_145 = arith.select %gt3A_133, %broadcast_in_dim3A_130, %select_n3A_122 : vector<16xi1>, vector<16xi32>
      %select_n3A_146 = arith.select %gt3A_132, %select_n3A_120, %select_n3A_145 : vector<16xi1>, vector<16xi32>
      %select_n3A_147 = arith.select %gt3A_134, %broadcast_in_dim3A_130, %select_n3A_124 : vector<16xi1>, vector<16xi32>
      %select_n3A_148 = arith.select %gt3A_133, %select_n3A_122, %select_n3A_147 : vector<16xi1>, vector<16xi32>
      %add3A_149 = arith.constant 768 : i32
      %add3A_150 = arith.addi %add3A_149, %mul3A_25 : i32
      %get3A_151 = arith.index_cast %add3A_150 : i32 to index
      %get3A_152 = tpu.vector_load %arg7[%get3A_151] {strides = array<i32>} : memref<4096xf32, #tpu.memory_space<vmem>>, vector<16xf32>,
      %broadcast_in_dim3A_153 = arith.constant 6 : i32
      %broadcast_in_dim3A_154 = vector.broadcast %broadcast_in_dim3A_153 : i32 to vector<16xi32>
      %gt3A_155 = arith.cmpf ogt, %get3A_152, %select_n3A_135 : vector<16xf32>
      %gt3A_156 = arith.cmpf ogt, %get3A_152, %select_n3A_137 : vector<16xf32>
      %gt3A_157 = arith.cmpf ogt, %get3A_152, %select_n3A_139 : vector<16xf32>
      %gt3A_158 = arith.cmpf ogt, %get3A_152, %select_n3A_141 : vector<16xf32>
      %select_n3A_159 = arith.select %gt3A_155, %get3A_152, %select_n3A_135 : vector<16xi1>, vector<16xf32>
      %select_n3A_160 = arith.select %gt3A_156, %get3A_152, %select_n3A_137 : vector<16xi1>, vector<16xf32>
      %select_n3A_161 = arith.select %gt3A_155, %select_n3A_135, %select_n3A_160 : vector<16xi1>, vector<16xf32>
      %select_n3A_162 = arith.select %gt3A_157, %get3A_152, %select_n3A_139 : vector<16xi1>, vector<16xf32>
      %select_n3A_163 = arith.select %gt3A_156, %select_n3A_137, %select_n3A_162 : vector<16xi1>, vector<16xf32>
      %select_n3A_164 = arith.select %gt3A_158, %get3A_152, %select_n3A_141 : vector<16xi1>, vector<16xf32>
      %select_n3A_165 = arith.select %gt3A_157, %select_n3A_139, %select_n3A_164 : vector<16xi1>, vector<16xf32>
      %select_n3A_166 = arith.select %gt3A_155, %broadcast_in_dim3A_154, %select_n3A_142 : vector<16xi1>, vector<16xi32>
      %select_n3A_167 = arith.select %gt3A_156, %broadcast_in_dim3A_154, %select_n3A_144 : vector<16xi1>, vector<16xi32>
      %select_n3A_168 = arith.select %gt3A_155, %select_n3A_142, %select_n3A_167 : vector<16xi1>, vector<16xi32>
      %select_n3A_169 = arith.select %gt3A_157, %broadcast_in_dim3A_154, %select_n3A_146 : vector<16xi1>, vector<16xi32>
      %select_n3A_170 = arith.select %gt3A_156, %select_n3A_144, %select_n3A_169 : vector<16xi1>, vector<16xi32>
      %select_n3A_171 = arith.select %gt3A_158, %broadcast_in_dim3A_154, %select_n3A_148 : vector<16xi1>, vector<16xi32>
      %select_n3A_172 = arith.select %gt3A_157, %select_n3A_146, %select_n3A_171 : vector<16xi1>, vector<16xi32>
      %add3A_173 = arith.constant 896 : i32
      %add3A_174 = arith.addi %add3A_173, %mul3A_25 : i32
      %get3A_175 = arith.index_cast %add3A_174 : i32 to index
      %get3A_176 = tpu.vector_load %arg7[%get3A_175] {strides = array<i32>} : memref<4096xf32, #tpu.memory_space<vmem>>, vector<16xf32>,
      %broadcast_in_dim3A_177 = arith.constant 7 : i32
      %broadcast_in_dim3A_178 = vector.broadcast %broadcast_in_dim3A_177 : i32 to vector<16xi32>
      %gt3A_179 = arith.cmpf ogt, %get3A_176, %select_n3A_159 : vector<16xf32>
      %gt3A_180 = arith.cmpf ogt, %get3A_176, %select_n3A_161 : vector<16xf32>
      %gt3A_181 = arith.cmpf ogt, %get3A_176, %select_n3A_163 : vector<16xf32>
      %gt3A_182 = arith.cmpf ogt, %get3A_176, %select_n3A_165 : vector<16xf32>
      %select_n3A_183 = arith.select %gt3A_179, %get3A_176, %select_n3A_159 : vector<16xi1>, vector<16xf32>
      %select_n3A_184 = arith.select %gt3A_180, %get3A_176, %select_n3A_161 : vector<16xi1>, vector<16xf32>
      %select_n3A_185 = arith.select %gt3A_179, %select_n3A_159, %select_n3A_184 : vector<16xi1>, vector<16xf32>
      %select_n3A_186 = arith.select %gt3A_181, %get3A_176, %select_n3A_163 : vector<16xi1>, vector<16xf32>
      %select_n3A_187 = arith.select %gt3A_180, %select_n3A_161, %select_n3A_186 : vector<16xi1>, vector<16xf32>
      %select_n3A_188 = arith.select %gt3A_182, %get3A_176, %select_n3A_165 : vector<16xi1>, vector<16xf32>
      %select_n3A_189 = arith.select %gt3A_181, %select_n3A_163, %select_n3A_188 : vector<16xi1>, vector<16xf32>
      %select_n3A_190 = arith.select %gt3A_179, %broadcast_in_dim3A_178, %select_n3A_166 : vector<16xi1>, vector<16xi32>
      %select_n3A_191 = arith.select %gt3A_180, %broadcast_in_dim3A_178, %select_n3A_168 : vector<16xi1>, vector<16xi32>
      %select_n3A_192 = arith.select %gt3A_179, %select_n3A_166, %select_n3A_191 : vector<16xi1>, vector<16xi32>
      %select_n3A_193 = arith.select %gt3A_181, %broadcast_in_dim3A_178, %select_n3A_170 : vector<16xi1>, vector<16xi32>
      %select_n3A_194 = arith.select %gt3A_180, %select_n3A_168, %select_n3A_193 : vector<16xi1>, vector<16xi32>
      %select_n3A_195 = arith.select %gt3A_182, %broadcast_in_dim3A_178, %select_n3A_172 : vector<16xi1>, vector<16xi32>
      %select_n3A_196 = arith.select %gt3A_181, %select_n3A_170, %select_n3A_195 : vector<16xi1>, vector<16xi32>
      %add3A_197 = arith.constant 1024 : i32
      %add3A_198 = arith.addi %add3A_197, %mul3A_25 : i32
      %get3A_199 = arith.index_cast %add3A_198 : i32 to index
      %get3A_200 = tpu.vector_load %arg7[%get3A_199] {strides = array<i32>} : memref<4096xf32, #tpu.memory_space<vmem>>, vector<16xf32>,
      %broadcast_in_dim3A_201 = arith.constant 8 : i32
      %broadcast_in_dim3A_202 = vector.broadcast %broadcast_in_dim3A_201 : i32 to vector<16xi32>
      %gt3A_203 = arith.cmpf ogt, %get3A_200, %select_n3A_183 : vector<16xf32>
      %gt3A_204 = arith.cmpf ogt, %get3A_200, %select_n3A_185 : vector<16xf32>
      %gt3A_205 = arith.cmpf ogt, %get3A_200, %select_n3A_187 : vector<16xf32>
      %gt3A_206 = arith.cmpf ogt, %get3A_200, %select_n3A_189 : vector<16xf32>
      %select_n3A_207 = arith.select %gt3A_203, %get3A_200, %select_n3A_183 : vector<16xi1>, vector<16xf32>
      %select_n3A_208 = arith.select %gt3A_204, %get3A_200, %select_n3A_185 : vector<16xi1>, vector<16xf32>
      %select_n3A_209 = arith.select %gt3A_203, %select_n3A_183, %select_n3A_208 : vector<16xi1>, vector<16xf32>
      %select_n3A_210 = arith.select %gt3A_205, %get3A_200, %select_n3A_187 : vector<16xi1>, vector<16xf32>
      %select_n3A_211 = arith.select %gt3A_204, %select_n3A_185, %select_n3A_210 : vector<16xi1>, vector<16xf32>
      %select_n3A_212 = arith.select %gt3A_206, %get3A_200, %select_n3A_189 : vector<16xi1>, vector<16xf32>
      %select_n3A_213 = arith.select %gt3A_205, %select_n3A_187, %select_n3A_212 : vector<16xi1>, vector<16xf32>
      %select_n3A_214 = arith.select %gt3A_203, %broadcast_in_dim3A_202, %select_n3A_190 : vector<16xi1>, vector<16xi32>
      %select_n3A_215 = arith.select %gt3A_204, %broadcast_in_dim3A_202, %select_n3A_192 : vector<16xi1>, vector<16xi32>
      %select_n3A_216 = arith.select %gt3A_203, %select_n3A_190, %select_n3A_215 : vector<16xi1>, vector<16xi32>
      %select_n3A_217 = arith.select %gt3A_205, %broadcast_in_dim3A_202, %select_n3A_194 : vector<16xi1>, vector<16xi32>
      %select_n3A_218 = arith.select %gt3A_204, %select_n3A_192, %select_n3A_217 : vector<16xi1>, vector<16xi32>
      %select_n3A_219 = arith.select %gt3A_206, %broadcast_in_dim3A_202, %select_n3A_196 : vector<16xi1>, vector<16xi32>
      %select_n3A_220 = arith.select %gt3A_205, %select_n3A_194, %select_n3A_219 : vector<16xi1>, vector<16xi32>
      %add3A_221 = arith.constant 1152 : i32
      %add3A_222 = arith.addi %add3A_221, %mul3A_25 : i32
      %get3A_223 = arith.index_cast %add3A_222 : i32 to index
      %get3A_224 = tpu.vector_load %arg7[%get3A_223] {strides = array<i32>} : memref<4096xf32, #tpu.memory_space<vmem>>, vector<16xf32>,
      %broadcast_in_dim3A_225 = arith.constant 9 : i32
      %broadcast_in_dim3A_226 = vector.broadcast %broadcast_in_dim3A_225 : i32 to vector<16xi32>
      %gt3A_227 = arith.cmpf ogt, %get3A_224, %select_n3A_207 : vector<16xf32>
      %gt3A_228 = arith.cmpf ogt, %get3A_224, %select_n3A_209 : vector<16xf32>
      %gt3A_229 = arith.cmpf ogt, %get3A_224, %select_n3A_211 : vector<16xf32>
      %gt3A_230 = arith.cmpf ogt, %get3A_224, %select_n3A_213 : vector<16xf32>
      %select_n3A_231 = arith.select %gt3A_227, %get3A_224, %select_n3A_207 : vector<16xi1>, vector<16xf32>
      %select_n3A_232 = arith.select %gt3A_228, %get3A_224, %select_n3A_209 : vector<16xi1>, vector<16xf32>
      %select_n3A_233 = arith.select %gt3A_227, %select_n3A_207, %select_n3A_232 : vector<16xi1>, vector<16xf32>
      %select_n3A_234 = arith.select %gt3A_229, %get3A_224, %select_n3A_211 : vector<16xi1>, vector<16xf32>
      %select_n3A_235 = arith.select %gt3A_228, %select_n3A_209, %select_n3A_234 : vector<16xi1>, vector<16xf32>
      %select_n3A_236 = arith.select %gt3A_230, %get3A_224, %select_n3A_213 : vector<16xi1>, vector<16xf32>
      %select_n3A_237 = arith.select %gt3A_229, %select_n3A_211, %select_n3A_236 : vector<16xi1>, vector<16xf32>
      %select_n3A_238 = arith.select %gt3A_227, %broadcast_in_dim3A_226, %select_n3A_214 : vector<16xi1>, vector<16xi32>
      %select_n3A_239 = arith.select %gt3A_228, %broadcast_in_dim3A_226, %select_n3A_216 : vector<16xi1>, vector<16xi32>
      %select_n3A_240 = arith.select %gt3A_227, %select_n3A_214, %select_n3A_239 : vector<16xi1>, vector<16xi32>
      %select_n3A_241 = arith.select %gt3A_229, %broadcast_in_dim3A_226, %select_n3A_218 : vector<16xi1>, vector<16xi32>
      %select_n3A_242 = arith.select %gt3A_228, %select_n3A_216, %select_n3A_241 : vector<16xi1>, vector<16xi32>
      %select_n3A_243 = arith.select %gt3A_230, %broadcast_in_dim3A_226, %select_n3A_220 : vector<16xi1>, vector<16xi32>
      %select_n3A_244 = arith.select %gt3A_229, %select_n3A_218, %select_n3A_243 : vector<16xi1>, vector<16xi32>
      %add3A_245 = arith.constant 1280 : i32
      %add3A_246 = arith.addi %add3A_245, %mul3A_25 : i32
      %get3A_247 = arith.index_cast %add3A_246 : i32 to index
      %get3A_248 = tpu.vector_load %arg7[%get3A_247] {strides = array<i32>} : memref<4096xf32, #tpu.memory_space<vmem>>, vector<16xf32>,
      %broadcast_in_dim3A_249 = arith.constant 10 : i32
      %broadcast_in_dim3A_250 = vector.broadcast %broadcast_in_dim3A_249 : i32 to vector<16xi32>
      %gt3A_251 = arith.cmpf ogt, %get3A_248, %select_n3A_231 : vector<16xf32>
      %gt3A_252 = arith.cmpf ogt, %get3A_248, %select_n3A_233 : vector<16xf32>
      %gt3A_253 = arith.cmpf ogt, %get3A_248, %select_n3A_235 : vector<16xf32>
      %gt3A_254 = arith.cmpf ogt, %get3A_248, %select_n3A_237 : vector<16xf32>
      %select_n3A_255 = arith.select %gt3A_251, %get3A_248, %select_n3A_231 : vector<16xi1>, vector<16xf32>
      %select_n3A_256 = arith.select %gt3A_252, %get3A_248, %select_n3A_233 : vector<16xi1>, vector<16xf32>
      %select_n3A_257 = arith.select %gt3A_251, %select_n3A_231, %select_n3A_256 : vector<16xi1>, vector<16xf32>
      %select_n3A_258 = arith.select %gt3A_253, %get3A_248, %select_n3A_235 : vector<16xi1>, vector<16xf32>
      %select_n3A_259 = arith.select %gt3A_252, %select_n3A_233, %select_n3A_258 : vector<16xi1>, vector<16xf32>
      %select_n3A_260 = arith.select %gt3A_254, %get3A_248, %select_n3A_237 : vector<16xi1>, vector<16xf32>
      %select_n3A_261 = arith.select %gt3A_253, %select_n3A_235, %select_n3A_260 : vector<16xi1>, vector<16xf32>
      %select_n3A_262 = arith.select %gt3A_251, %broadcast_in_dim3A_250, %select_n3A_238 : vector<16xi1>, vector<16xi32>
      %select_n3A_263 = arith.select %gt3A_252, %broadcast_in_dim3A_250, %select_n3A_240 : vector<16xi1>, vector<16xi32>
      %select_n3A_264 = arith.select %gt3A_251, %select_n3A_238, %select_n3A_263 : vector<16xi1>, vector<16xi32>
      %select_n3A_265 = arith.select %gt3A_253, %broadcast_in_dim3A_250, %select_n3A_242 : vector<16xi1>, vector<16xi32>
      %select_n3A_266 = arith.select %gt3A_252, %select_n3A_240, %select_n3A_265 : vector<16xi1>, vector<16xi32>
      %select_n3A_267 = arith.select %gt3A_254, %broadcast_in_dim3A_250, %select_n3A_244 : vector<16xi1>, vector<16xi32>
      %select_n3A_268 = arith.select %gt3A_253, %select_n3A_242, %select_n3A_267 : vector<16xi1>, vector<16xi32>
      %add3A_269 = arith.constant 1408 : i32
      %add3A_270 = arith.addi %add3A_269, %mul3A_25 : i32
      %get3A_271 = arith.index_cast %add3A_270 : i32 to index
      %get3A_272 = tpu.vector_load %arg7[%get3A_271] {strides = array<i32>} : memref<4096xf32, #tpu.memory_space<vmem>>, vector<16xf32>,
      %broadcast_in_dim3A_273 = arith.constant 11 : i32
      %broadcast_in_dim3A_274 = vector.broadcast %broadcast_in_dim3A_273 : i32 to vector<16xi32>
      %gt3A_275 = arith.cmpf ogt, %get3A_272, %select_n3A_255 : vector<16xf32>
      %gt3A_276 = arith.cmpf ogt, %get3A_272, %select_n3A_257 : vector<16xf32>
      %gt3A_277 = arith.cmpf ogt, %get3A_272, %select_n3A_259 : vector<16xf32>
      %gt3A_278 = arith.cmpf ogt, %get3A_272, %select_n3A_261 : vector<16xf32>
      %select_n3A_279 = arith.select %gt3A_275, %get3A_272, %select_n3A_255 : vector<16xi1>, vector<16xf32>
      %select_n3A_280 = arith.select %gt3A_276, %get3A_272, %select_n3A_257 : vector<16xi1>, vector<16xf32>
      %select_n3A_281 = arith.select %gt3A_275, %select_n3A_255, %select_n3A_280 : vector<16xi1>, vector<16xf32>
      %select_n3A_282 = arith.select %gt3A_277, %get3A_272, %select_n3A_259 : vector<16xi1>, vector<16xf32>
      %select_n3A_283 = arith.select %gt3A_276, %select_n3A_257, %select_n3A_282 : vector<16xi1>, vector<16xf32>
      %select_n3A_284 = arith.select %gt3A_278, %get3A_272, %select_n3A_261 : vector<16xi1>, vector<16xf32>
      %select_n3A_285 = arith.select %gt3A_277, %select_n3A_259, %select_n3A_284 : vector<16xi1>, vector<16xf32>
      %select_n3A_286 = arith.select %gt3A_275, %broadcast_in_dim3A_274, %select_n3A_262 : vector<16xi1>, vector<16xi32>
      %select_n3A_287 = arith.select %gt3A_276, %broadcast_in_dim3A_274, %select_n3A_264 : vector<16xi1>, vector<16xi32>
      %select_n3A_288 = arith.select %gt3A_275, %select_n3A_262, %select_n3A_287 : vector<16xi1>, vector<16xi32>
      %select_n3A_289 = arith.select %gt3A_277, %broadcast_in_dim3A_274, %select_n3A_266 : vector<16xi1>, vector<16xi32>
      %select_n3A_290 = arith.select %gt3A_276, %select_n3A_264, %select_n3A_289 : vector<16xi1>, vector<16xi32>
      %select_n3A_291 = arith.select %gt3A_278, %broadcast_in_dim3A_274, %select_n3A_268 : vector<16xi1>, vector<16xi32>
      %select_n3A_292 = arith.select %gt3A_277, %select_n3A_266, %select_n3A_291 : vector<16xi1>, vector<16xi32>
      %add3A_293 = arith.constant 1536 : i32
      %add3A_294 = arith.addi %add3A_293, %mul3A_25 : i32
      %get3A_295 = arith.index_cast %add3A_294 : i32 to index
      %get3A_296 = tpu.vector_load %arg7[%get3A_295] {strides = array<i32>} : memref<4096xf32, #tpu.memory_space<vmem>>, vector<16xf32>,
      %broadcast_in_dim3A_297 = arith.constant 12 : i32
      %broadcast_in_dim3A_298 = vector.broadcast %broadcast_in_dim3A_297 : i32 to vector<16xi32>
      %gt3A_299 = arith.cmpf ogt, %get3A_296, %select_n3A_279 : vector<16xf32>
      %gt3A_300 = arith.cmpf ogt, %get3A_296, %select_n3A_281 : vector<16xf32>
      %gt3A_301 = arith.cmpf ogt, %get3A_296, %select_n3A_283 : vector<16xf32>
      %gt3A_302 = arith.cmpf ogt, %get3A_296, %select_n3A_285 : vector<16xf32>
      %select_n3A_303 = arith.select %gt3A_299, %get3A_296, %select_n3A_279 : vector<16xi1>, vector<16xf32>
      %select_n3A_304 = arith.select %gt3A_300, %get3A_296, %select_n3A_281 : vector<16xi1>, vector<16xf32>
      %select_n3A_305 = arith.select %gt3A_299, %select_n3A_279, %select_n3A_304 : vector<16xi1>, vector<16xf32>
      %select_n3A_306 = arith.select %gt3A_301, %get3A_296, %select_n3A_283 : vector<16xi1>, vector<16xf32>
      %select_n3A_307 = arith.select %gt3A_300, %select_n3A_281, %select_n3A_306 : vector<16xi1>, vector<16xf32>
      %select_n3A_308 = arith.select %gt3A_302, %get3A_296, %select_n3A_285 : vector<16xi1>, vector<16xf32>
      %select_n3A_309 = arith.select %gt3A_301, %select_n3A_283, %select_n3A_308 : vector<16xi1>, vector<16xf32>
      %select_n3A_310 = arith.select %gt3A_299, %broadcast_in_dim3A_298, %select_n3A_286 : vector<16xi1>, vector<16xi32>
      %select_n3A_311 = arith.select %gt3A_300, %broadcast_in_dim3A_298, %select_n3A_288 : vector<16xi1>, vector<16xi32>
      %select_n3A_312 = arith.select %gt3A_299, %select_n3A_286, %select_n3A_311 : vector<16xi1>, vector<16xi32>
      %select_n3A_313 = arith.select %gt3A_301, %broadcast_in_dim3A_298, %select_n3A_290 : vector<16xi1>, vector<16xi32>
      %select_n3A_314 = arith.select %gt3A_300, %select_n3A_288, %select_n3A_313 : vector<16xi1>, vector<16xi32>
      %select_n3A_315 = arith.select %gt3A_302, %broadcast_in_dim3A_298, %select_n3A_292 : vector<16xi1>, vector<16xi32>
      %select_n3A_316 = arith.select %gt3A_301, %select_n3A_290, %select_n3A_315 : vector<16xi1>, vector<16xi32>
      %add3A_317 = arith.constant 1664 : i32
      %add3A_318 = arith.addi %add3A_317, %mul3A_25 : i32
      %get3A_319 = arith.index_cast %add3A_318 : i32 to index
      %get3A_320 = tpu.vector_load %arg7[%get3A_319] {strides = array<i32>} : memref<4096xf32, #tpu.memory_space<vmem>>, vector<16xf32>,
      %broadcast_in_dim3A_321 = arith.constant 13 : i32
      %broadcast_in_dim3A_322 = vector.broadcast %broadcast_in_dim3A_321 : i32 to vector<16xi32>
      %gt3A_323 = arith.cmpf ogt, %get3A_320, %select_n3A_303 : vector<16xf32>
      %gt3A_324 = arith.cmpf ogt, %get3A_320, %select_n3A_305 : vector<16xf32>
      %gt3A_325 = arith.cmpf ogt, %get3A_320, %select_n3A_307 : vector<16xf32>
      %gt3A_326 = arith.cmpf ogt, %get3A_320, %select_n3A_309 : vector<16xf32>
      %select_n3A_327 = arith.select %gt3A_323, %get3A_320, %select_n3A_303 : vector<16xi1>, vector<16xf32>
      %select_n3A_328 = arith.select %gt3A_324, %get3A_320, %select_n3A_305 : vector<16xi1>, vector<16xf32>
      %select_n3A_329 = arith.select %gt3A_323, %select_n3A_303, %select_n3A_328 : vector<16xi1>, vector<16xf32>
      %select_n3A_330 = arith.select %gt3A_325, %get3A_320, %select_n3A_307 : vector<16xi1>, vector<16xf32>
      %select_n3A_331 = arith.select %gt3A_324, %select_n3A_305, %select_n3A_330 : vector<16xi1>, vector<16xf32>
      %select_n3A_332 = arith.select %gt3A_326, %get3A_320, %select_n3A_309 : vector<16xi1>, vector<16xf32>
      %select_n3A_333 = arith.select %gt3A_325, %select_n3A_307, %select_n3A_332 : vector<16xi1>, vector<16xf32>
      %select_n3A_334 = arith.select %gt3A_323, %broadcast_in_dim3A_322, %select_n3A_310 : vector<16xi1>, vector<16xi32>
      %select_n3A_335 = arith.select %gt3A_324, %broadcast_in_dim3A_322, %select_n3A_312 : vector<16xi1>, vector<16xi32>
      %select_n3A_336 = arith.select %gt3A_323, %select_n3A_310, %select_n3A_335 : vector<16xi1>, vector<16xi32>
      %select_n3A_337 = arith.select %gt3A_325, %broadcast_in_dim3A_322, %select_n3A_314 : vector<16xi1>, vector<16xi32>
      %select_n3A_338 = arith.select %gt3A_324, %select_n3A_312, %select_n3A_337 : vector<16xi1>, vector<16xi32>
      %select_n3A_339 = arith.select %gt3A_326, %broadcast_in_dim3A_322, %select_n3A_316 : vector<16xi1>, vector<16xi32>
      %select_n3A_340 = arith.select %gt3A_325, %select_n3A_314, %select_n3A_339 : vector<16xi1>, vector<16xi32>
      %add3A_341 = arith.constant 1792 : i32
      %add3A_342 = arith.addi %add3A_341, %mul3A_25 : i32
      %get3A_343 = arith.index_cast %add3A_342 : i32 to index
      %get3A_344 = tpu.vector_load %arg7[%get3A_343] {strides = array<i32>} : memref<4096xf32, #tpu.memory_space<vmem>>, vector<16xf32>,
      %broadcast_in_dim3A_345 = arith.constant 14 : i32
      %broadcast_in_dim3A_346 = vector.broadcast %broadcast_in_dim3A_345 : i32 to vector<16xi32>
      %gt3A_347 = arith.cmpf ogt, %get3A_344, %select_n3A_327 : vector<16xf32>
      %gt3A_348 = arith.cmpf ogt, %get3A_344, %select_n3A_329 : vector<16xf32>
      %gt3A_349 = arith.cmpf ogt, %get3A_344, %select_n3A_331 : vector<16xf32>
      %gt3A_350 = arith.cmpf ogt, %get3A_344, %select_n3A_333 : vector<16xf32>
      %select_n3A_351 = arith.select %gt3A_347, %get3A_344, %select_n3A_327 : vector<16xi1>, vector<16xf32>
      %select_n3A_352 = arith.select %gt3A_348, %get3A_344, %select_n3A_329 : vector<16xi1>, vector<16xf32>
      %select_n3A_353 = arith.select %gt3A_347, %select_n3A_327, %select_n3A_352 : vector<16xi1>, vector<16xf32>
      %select_n3A_354 = arith.select %gt3A_349, %get3A_344, %select_n3A_331 : vector<16xi1>, vector<16xf32>
      %select_n3A_355 = arith.select %gt3A_348, %select_n3A_329, %select_n3A_354 : vector<16xi1>, vector<16xf32>
      %select_n3A_356 = arith.select %gt3A_350, %get3A_344, %select_n3A_333 : vector<16xi1>, vector<16xf32>
      %select_n3A_357 = arith.select %gt3A_349, %select_n3A_331, %select_n3A_356 : vector<16xi1>, vector<16xf32>
      %select_n3A_358 = arith.select %gt3A_347, %broadcast_in_dim3A_346, %select_n3A_334 : vector<16xi1>, vector<16xi32>
      %select_n3A_359 = arith.select %gt3A_348, %broadcast_in_dim3A_346, %select_n3A_336 : vector<16xi1>, vector<16xi32>
      %select_n3A_360 = arith.select %gt3A_347, %select_n3A_334, %select_n3A_359 : vector<16xi1>, vector<16xi32>
      %select_n3A_361 = arith.select %gt3A_349, %broadcast_in_dim3A_346, %select_n3A_338 : vector<16xi1>, vector<16xi32>
      %select_n3A_362 = arith.select %gt3A_348, %select_n3A_336, %select_n3A_361 : vector<16xi1>, vector<16xi32>
      %select_n3A_363 = arith.select %gt3A_350, %broadcast_in_dim3A_346, %select_n3A_340 : vector<16xi1>, vector<16xi32>
      %select_n3A_364 = arith.select %gt3A_349, %select_n3A_338, %select_n3A_363 : vector<16xi1>, vector<16xi32>
      %add3A_365 = arith.constant 1920 : i32
      %add3A_366 = arith.addi %add3A_365, %mul3A_25 : i32
      %get3A_367 = arith.index_cast %add3A_366 : i32 to index
      %get3A_368 = tpu.vector_load %arg7[%get3A_367] {strides = array<i32>} : memref<4096xf32, #tpu.memory_space<vmem>>, vector<16xf32>,
      %broadcast_in_dim3A_369 = arith.constant 15 : i32
      %broadcast_in_dim3A_370 = vector.broadcast %broadcast_in_dim3A_369 : i32 to vector<16xi32>
      %gt3A_371 = arith.cmpf ogt, %get3A_368, %select_n3A_351 : vector<16xf32>
      %gt3A_372 = arith.cmpf ogt, %get3A_368, %select_n3A_353 : vector<16xf32>
      %gt3A_373 = arith.cmpf ogt, %get3A_368, %select_n3A_355 : vector<16xf32>
      %gt3A_374 = arith.cmpf ogt, %get3A_368, %select_n3A_357 : vector<16xf32>
      %select_n3A_375 = arith.select %gt3A_371, %get3A_368, %select_n3A_351 : vector<16xi1>, vector<16xf32>
      %select_n3A_376 = arith.select %gt3A_372, %get3A_368, %select_n3A_353 : vector<16xi1>, vector<16xf32>
      %select_n3A_377 = arith.select %gt3A_371, %select_n3A_351, %select_n3A_376 : vector<16xi1>, vector<16xf32>
      %select_n3A_378 = arith.select %gt3A_373, %get3A_368, %select_n3A_355 : vector<16xi1>, vector<16xf32>
      %select_n3A_379 = arith.select %gt3A_372, %select_n3A_353, %select_n3A_378 : vector<16xi1>, vector<16xf32>
      %select_n3A_380 = arith.select %gt3A_374, %get3A_368, %select_n3A_357 : vector<16xi1>, vector<16xf32>
      %select_n3A_381 = arith.select %gt3A_373, %select_n3A_355, %select_n3A_380 : vector<16xi1>, vector<16xf32>
      %select_n3A_382 = arith.select %gt3A_371, %broadcast_in_dim3A_370, %select_n3A_358 : vector<16xi1>, vector<16xi32>
      %select_n3A_383 = arith.select %gt3A_372, %broadcast_in_dim3A_370, %select_n3A_360 : vector<16xi1>, vector<16xi32>
      %select_n3A_384 = arith.select %gt3A_371, %select_n3A_358, %select_n3A_383 : vector<16xi1>, vector<16xi32>
      %select_n3A_385 = arith.select %gt3A_373, %broadcast_in_dim3A_370, %select_n3A_362 : vector<16xi1>, vector<16xi32>
      %select_n3A_386 = arith.select %gt3A_372, %select_n3A_360, %select_n3A_385 : vector<16xi1>, vector<16xi32>
      %select_n3A_387 = arith.select %gt3A_374, %broadcast_in_dim3A_370, %select_n3A_364 : vector<16xi1>, vector<16xi32>
      %select_n3A_388 = arith.select %gt3A_373, %select_n3A_362, %select_n3A_387 : vector<16xi1>, vector<16xi32>
      %add3A_389 = arith.constant 2048 : i32
      %add3A_390 = arith.addi %add3A_389, %mul3A_25 : i32
      %get3A_391 = arith.index_cast %add3A_390 : i32 to index
      %get3A_392 = tpu.vector_load %arg7[%get3A_391] {strides = array<i32>} : memref<4096xf32, #tpu.memory_space<vmem>>, vector<16xf32>,
      %broadcast_in_dim3A_393 = arith.constant 16 : i32
      %broadcast_in_dim3A_394 = vector.broadcast %broadcast_in_dim3A_393 : i32 to vector<16xi32>
      %gt3A_395 = arith.cmpf ogt, %get3A_392, %select_n3A_375 : vector<16xf32>
      %gt3A_396 = arith.cmpf ogt, %get3A_392, %select_n3A_377 : vector<16xf32>
      %gt3A_397 = arith.cmpf ogt, %get3A_392, %select_n3A_379 : vector<16xf32>
      %gt3A_398 = arith.cmpf ogt, %get3A_392, %select_n3A_381 : vector<16xf32>
      %select_n3A_399 = arith.select %gt3A_395, %get3A_392, %select_n3A_375 : vector<16xi1>, vector<16xf32>
      %select_n3A_400 = arith.select %gt3A_396, %get3A_392, %select_n3A_377 : vector<16xi1>, vector<16xf32>
      %select_n3A_401 = arith.select %gt3A_395, %select_n3A_375, %select_n3A_400 : vector<16xi1>, vector<16xf32>
      %select_n3A_402 = arith.select %gt3A_397, %get3A_392, %select_n3A_379 : vector<16xi1>, vector<16xf32>
      %select_n3A_403 = arith.select %gt3A_396, %select_n3A_377, %select_n3A_402 : vector<16xi1>, vector<16xf32>
      %select_n3A_404 = arith.select %gt3A_398, %get3A_392, %select_n3A_381 : vector<16xi1>, vector<16xf32>
      %select_n3A_405 = arith.select %gt3A_397, %select_n3A_379, %select_n3A_404 : vector<16xi1>, vector<16xf32>
      %select_n3A_406 = arith.select %gt3A_395, %broadcast_in_dim3A_394, %select_n3A_382 : vector<16xi1>, vector<16xi32>
      %select_n3A_407 = arith.select %gt3A_396, %broadcast_in_dim3A_394, %select_n3A_384 : vector<16xi1>, vector<16xi32>
      %select_n3A_408 = arith.select %gt3A_395, %select_n3A_382, %select_n3A_407 : vector<16xi1>, vector<16xi32>
      %select_n3A_409 = arith.select %gt3A_397, %broadcast_in_dim3A_394, %select_n3A_386 : vector<16xi1>, vector<16xi32>
      %select_n3A_410 = arith.select %gt3A_396, %select_n3A_384, %select_n3A_409 : vector<16xi1>, vector<16xi32>
      %select_n3A_411 = arith.select %gt3A_398, %broadcast_in_dim3A_394, %select_n3A_388 : vector<16xi1>, vector<16xi32>
      %select_n3A_412 = arith.select %gt3A_397, %select_n3A_386, %select_n3A_411 : vector<16xi1>, vector<16xi32>
      %add3A_413 = arith.constant 2176 : i32
      %add3A_414 = arith.addi %add3A_413, %mul3A_25 : i32
      %get3A_415 = arith.index_cast %add3A_414 : i32 to index
      %get3A_416 = tpu.vector_load %arg7[%get3A_415] {strides = array<i32>} : memref<4096xf32, #tpu.memory_space<vmem>>, vector<16xf32>,
      %broadcast_in_dim3A_417 = arith.constant 17 : i32
      %broadcast_in_dim3A_418 = vector.broadcast %broadcast_in_dim3A_417 : i32 to vector<16xi32>
      %gt3A_419 = arith.cmpf ogt, %get3A_416, %select_n3A_399 : vector<16xf32>
      %gt3A_420 = arith.cmpf ogt, %get3A_416, %select_n3A_401 : vector<16xf32>
      %gt3A_421 = arith.cmpf ogt, %get3A_416, %select_n3A_403 : vector<16xf32>
      %gt3A_422 = arith.cmpf ogt, %get3A_416, %select_n3A_405 : vector<16xf32>
      %select_n3A_423 = arith.select %gt3A_419, %get3A_416, %select_n3A_399 : vector<16xi1>, vector<16xf32>
      %select_n3A_424 = arith.select %gt3A_420, %get3A_416, %select_n3A_401 : vector<16xi1>, vector<16xf32>
      %select_n3A_425 = arith.select %gt3A_419, %select_n3A_399, %select_n3A_424 : vector<16xi1>, vector<16xf32>
      %select_n3A_426 = arith.select %gt3A_421, %get3A_416, %select_n3A_403 : vector<16xi1>, vector<16xf32>
      %select_n3A_427 = arith.select %gt3A_420, %select_n3A_401, %select_n3A_426 : vector<16xi1>, vector<16xf32>
      %select_n3A_428 = arith.select %gt3A_422, %get3A_416, %select_n3A_405 : vector<16xi1>, vector<16xf32>
      %select_n3A_429 = arith.select %gt3A_421, %select_n3A_403, %select_n3A_428 : vector<16xi1>, vector<16xf32>
      %select_n3A_430 = arith.select %gt3A_419, %broadcast_in_dim3A_418, %select_n3A_406 : vector<16xi1>, vector<16xi32>
      %select_n3A_431 = arith.select %gt3A_420, %broadcast_in_dim3A_418, %select_n3A_408 : vector<16xi1>, vector<16xi32>
      %select_n3A_432 = arith.select %gt3A_419, %select_n3A_406, %select_n3A_431 : vector<16xi1>, vector<16xi32>
      %select_n3A_433 = arith.select %gt3A_421, %broadcast_in_dim3A_418, %select_n3A_410 : vector<16xi1>, vector<16xi32>
      %select_n3A_434 = arith.select %gt3A_420, %select_n3A_408, %select_n3A_433 : vector<16xi1>, vector<16xi32>
      %select_n3A_435 = arith.select %gt3A_422, %broadcast_in_dim3A_418, %select_n3A_412 : vector<16xi1>, vector<16xi32>
      %select_n3A_436 = arith.select %gt3A_421, %select_n3A_410, %select_n3A_435 : vector<16xi1>, vector<16xi32>
      %add3A_437 = arith.constant 2304 : i32
      %add3A_438 = arith.addi %add3A_437, %mul3A_25 : i32
      %get3A_439 = arith.index_cast %add3A_438 : i32 to index
      %get3A_440 = tpu.vector_load %arg7[%get3A_439] {strides = array<i32>} : memref<4096xf32, #tpu.memory_space<vmem>>, vector<16xf32>,
      %broadcast_in_dim3A_441 = arith.constant 18 : i32
      %broadcast_in_dim3A_442 = vector.broadcast %broadcast_in_dim3A_441 : i32 to vector<16xi32>
      %gt3A_443 = arith.cmpf ogt, %get3A_440, %select_n3A_423 : vector<16xf32>
      %gt3A_444 = arith.cmpf ogt, %get3A_440, %select_n3A_425 : vector<16xf32>
      %gt3A_445 = arith.cmpf ogt, %get3A_440, %select_n3A_427 : vector<16xf32>
      %gt3A_446 = arith.cmpf ogt, %get3A_440, %select_n3A_429 : vector<16xf32>
      %select_n3A_447 = arith.select %gt3A_443, %get3A_440, %select_n3A_423 : vector<16xi1>, vector<16xf32>
      %select_n3A_448 = arith.select %gt3A_444, %get3A_440, %select_n3A_425 : vector<16xi1>, vector<16xf32>
      %select_n3A_449 = arith.select %gt3A_443, %select_n3A_423, %select_n3A_448 : vector<16xi1>, vector<16xf32>
      %select_n3A_450 = arith.select %gt3A_445, %get3A_440, %select_n3A_427 : vector<16xi1>, vector<16xf32>
      %select_n3A_451 = arith.select %gt3A_444, %select_n3A_425, %select_n3A_450 : vector<16xi1>, vector<16xf32>
      %select_n3A_452 = arith.select %gt3A_446, %get3A_440, %select_n3A_429 : vector<16xi1>, vector<16xf32>
      %select_n3A_453 = arith.select %gt3A_445, %select_n3A_427, %select_n3A_452 : vector<16xi1>, vector<16xf32>
      %select_n3A_454 = arith.select %gt3A_443, %broadcast_in_dim3A_442, %select_n3A_430 : vector<16xi1>, vector<16xi32>
      %select_n3A_455 = arith.select %gt3A_444, %broadcast_in_dim3A_442, %select_n3A_432 : vector<16xi1>, vector<16xi32>
      %select_n3A_456 = arith.select %gt3A_443, %select_n3A_430, %select_n3A_455 : vector<16xi1>, vector<16xi32>
      %select_n3A_457 = arith.select %gt3A_445, %broadcast_in_dim3A_442, %select_n3A_434 : vector<16xi1>, vector<16xi32>
      %select_n3A_458 = arith.select %gt3A_444, %select_n3A_432, %select_n3A_457 : vector<16xi1>, vector<16xi32>
      %select_n3A_459 = arith.select %gt3A_446, %broadcast_in_dim3A_442, %select_n3A_436 : vector<16xi1>, vector<16xi32>
      %select_n3A_460 = arith.select %gt3A_445, %select_n3A_434, %select_n3A_459 : vector<16xi1>, vector<16xi32>
      %add3A_461 = arith.constant 2432 : i32
      %add3A_462 = arith.addi %add3A_461, %mul3A_25 : i32
      %get3A_463 = arith.index_cast %add3A_462 : i32 to index
      %get3A_464 = tpu.vector_load %arg7[%get3A_463] {strides = array<i32>} : memref<4096xf32, #tpu.memory_space<vmem>>, vector<16xf32>,
      %broadcast_in_dim3A_465 = arith.constant 19 : i32
      %broadcast_in_dim3A_466 = vector.broadcast %broadcast_in_dim3A_465 : i32 to vector<16xi32>
      %gt3A_467 = arith.cmpf ogt, %get3A_464, %select_n3A_447 : vector<16xf32>
      %gt3A_468 = arith.cmpf ogt, %get3A_464, %select_n3A_449 : vector<16xf32>
      %gt3A_469 = arith.cmpf ogt, %get3A_464, %select_n3A_451 : vector<16xf32>
      %gt3A_470 = arith.cmpf ogt, %get3A_464, %select_n3A_453 : vector<16xf32>
      %select_n3A_471 = arith.select %gt3A_467, %get3A_464, %select_n3A_447 : vector<16xi1>, vector<16xf32>
      %select_n3A_472 = arith.select %gt3A_468, %get3A_464, %select_n3A_449 : vector<16xi1>, vector<16xf32>
      %select_n3A_473 = arith.select %gt3A_467, %select_n3A_447, %select_n3A_472 : vector<16xi1>, vector<16xf32>
      %select_n3A_474 = arith.select %gt3A_469, %get3A_464, %select_n3A_451 : vector<16xi1>, vector<16xf32>
      %select_n3A_475 = arith.select %gt3A_468, %select_n3A_449, %select_n3A_474 : vector<16xi1>, vector<16xf32>
      %select_n3A_476 = arith.select %gt3A_470, %get3A_464, %select_n3A_453 : vector<16xi1>, vector<16xf32>
      %select_n3A_477 = arith.select %gt3A_469, %select_n3A_451, %select_n3A_476 : vector<16xi1>, vector<16xf32>
      %select_n3A_478 = arith.select %gt3A_467, %broadcast_in_dim3A_466, %select_n3A_454 : vector<16xi1>, vector<16xi32>
      %select_n3A_479 = arith.select %gt3A_468, %broadcast_in_dim3A_466, %select_n3A_456 : vector<16xi1>, vector<16xi32>
      %select_n3A_480 = arith.select %gt3A_467, %select_n3A_454, %select_n3A_479 : vector<16xi1>, vector<16xi32>
      %select_n3A_481 = arith.select %gt3A_469, %broadcast_in_dim3A_466, %select_n3A_458 : vector<16xi1>, vector<16xi32>
      %select_n3A_482 = arith.select %gt3A_468, %select_n3A_456, %select_n3A_481 : vector<16xi1>, vector<16xi32>
      %select_n3A_483 = arith.select %gt3A_470, %broadcast_in_dim3A_466, %select_n3A_460 : vector<16xi1>, vector<16xi32>
      %select_n3A_484 = arith.select %gt3A_469, %select_n3A_458, %select_n3A_483 : vector<16xi1>, vector<16xi32>
      %add3A_485 = arith.constant 2560 : i32
      %add3A_486 = arith.addi %add3A_485, %mul3A_25 : i32
      %get3A_487 = arith.index_cast %add3A_486 : i32 to index
      %get3A_488 = tpu.vector_load %arg7[%get3A_487] {strides = array<i32>} : memref<4096xf32, #tpu.memory_space<vmem>>, vector<16xf32>,
      %broadcast_in_dim3A_489 = arith.constant 20 : i32
      %broadcast_in_dim3A_490 = vector.broadcast %broadcast_in_dim3A_489 : i32 to vector<16xi32>
      %gt3A_491 = arith.cmpf ogt, %get3A_488, %select_n3A_471 : vector<16xf32>
      %gt3A_492 = arith.cmpf ogt, %get3A_488, %select_n3A_473 : vector<16xf32>
      %gt3A_493 = arith.cmpf ogt, %get3A_488, %select_n3A_475 : vector<16xf32>
      %gt3A_494 = arith.cmpf ogt, %get3A_488, %select_n3A_477 : vector<16xf32>
      %select_n3A_495 = arith.select %gt3A_491, %get3A_488, %select_n3A_471 : vector<16xi1>, vector<16xf32>
      %select_n3A_496 = arith.select %gt3A_492, %get3A_488, %select_n3A_473 : vector<16xi1>, vector<16xf32>
      %select_n3A_497 = arith.select %gt3A_491, %select_n3A_471, %select_n3A_496 : vector<16xi1>, vector<16xf32>
      %select_n3A_498 = arith.select %gt3A_493, %get3A_488, %select_n3A_475 : vector<16xi1>, vector<16xf32>
      %select_n3A_499 = arith.select %gt3A_492, %select_n3A_473, %select_n3A_498 : vector<16xi1>, vector<16xf32>
      %select_n3A_500 = arith.select %gt3A_494, %get3A_488, %select_n3A_477 : vector<16xi1>, vector<16xf32>
      %select_n3A_501 = arith.select %gt3A_493, %select_n3A_475, %select_n3A_500 : vector<16xi1>, vector<16xf32>
      %select_n3A_502 = arith.select %gt3A_491, %broadcast_in_dim3A_490, %select_n3A_478 : vector<16xi1>, vector<16xi32>
      %select_n3A_503 = arith.select %gt3A_492, %broadcast_in_dim3A_490, %select_n3A_480 : vector<16xi1>, vector<16xi32>
      %select_n3A_504 = arith.select %gt3A_491, %select_n3A_478, %select_n3A_503 : vector<16xi1>, vector<16xi32>
      %select_n3A_505 = arith.select %gt3A_493, %broadcast_in_dim3A_490, %select_n3A_482 : vector<16xi1>, vector<16xi32>
      %select_n3A_506 = arith.select %gt3A_492, %select_n3A_480, %select_n3A_505 : vector<16xi1>, vector<16xi32>
      %select_n3A_507 = arith.select %gt3A_494, %broadcast_in_dim3A_490, %select_n3A_484 : vector<16xi1>, vector<16xi32>
      %select_n3A_508 = arith.select %gt3A_493, %select_n3A_482, %select_n3A_507 : vector<16xi1>, vector<16xi32>
      %add3A_509 = arith.constant 2688 : i32
      %add3A_510 = arith.addi %add3A_509, %mul3A_25 : i32
      %get3A_511 = arith.index_cast %add3A_510 : i32 to index
      %get3A_512 = tpu.vector_load %arg7[%get3A_511] {strides = array<i32>} : memref<4096xf32, #tpu.memory_space<vmem>>, vector<16xf32>,
      %broadcast_in_dim3A_513 = arith.constant 21 : i32
      %broadcast_in_dim3A_514 = vector.broadcast %broadcast_in_dim3A_513 : i32 to vector<16xi32>
      %gt3A_515 = arith.cmpf ogt, %get3A_512, %select_n3A_495 : vector<16xf32>
      %gt3A_516 = arith.cmpf ogt, %get3A_512, %select_n3A_497 : vector<16xf32>
      %gt3A_517 = arith.cmpf ogt, %get3A_512, %select_n3A_499 : vector<16xf32>
      %gt3A_518 = arith.cmpf ogt, %get3A_512, %select_n3A_501 : vector<16xf32>
      %select_n3A_519 = arith.select %gt3A_515, %get3A_512, %select_n3A_495 : vector<16xi1>, vector<16xf32>
      %select_n3A_520 = arith.select %gt3A_516, %get3A_512, %select_n3A_497 : vector<16xi1>, vector<16xf32>
      %select_n3A_521 = arith.select %gt3A_515, %select_n3A_495, %select_n3A_520 : vector<16xi1>, vector<16xf32>
      %select_n3A_522 = arith.select %gt3A_517, %get3A_512, %select_n3A_499 : vector<16xi1>, vector<16xf32>
      %select_n3A_523 = arith.select %gt3A_516, %select_n3A_497, %select_n3A_522 : vector<16xi1>, vector<16xf32>
      %select_n3A_524 = arith.select %gt3A_518, %get3A_512, %select_n3A_501 : vector<16xi1>, vector<16xf32>
      %select_n3A_525 = arith.select %gt3A_517, %select_n3A_499, %select_n3A_524 : vector<16xi1>, vector<16xf32>
      %select_n3A_526 = arith.select %gt3A_515, %broadcast_in_dim3A_514, %select_n3A_502 : vector<16xi1>, vector<16xi32>
      %select_n3A_527 = arith.select %gt3A_516, %broadcast_in_dim3A_514, %select_n3A_504 : vector<16xi1>, vector<16xi32>
      %select_n3A_528 = arith.select %gt3A_515, %select_n3A_502, %select_n3A_527 : vector<16xi1>, vector<16xi32>
      %select_n3A_529 = arith.select %gt3A_517, %broadcast_in_dim3A_514, %select_n3A_506 : vector<16xi1>, vector<16xi32>
      %select_n3A_530 = arith.select %gt3A_516, %select_n3A_504, %select_n3A_529 : vector<16xi1>, vector<16xi32>
      %select_n3A_531 = arith.select %gt3A_518, %broadcast_in_dim3A_514, %select_n3A_508 : vector<16xi1>, vector<16xi32>
      %select_n3A_532 = arith.select %gt3A_517, %select_n3A_506, %select_n3A_531 : vector<16xi1>, vector<16xi32>
      %add3A_533 = arith.constant 2816 : i32
      %add3A_534 = arith.addi %add3A_533, %mul3A_25 : i32
      %get3A_535 = arith.index_cast %add3A_534 : i32 to index
      %get3A_536 = tpu.vector_load %arg7[%get3A_535] {strides = array<i32>} : memref<4096xf32, #tpu.memory_space<vmem>>, vector<16xf32>,
      %broadcast_in_dim3A_537 = arith.constant 22 : i32
      %broadcast_in_dim3A_538 = vector.broadcast %broadcast_in_dim3A_537 : i32 to vector<16xi32>
      %gt3A_539 = arith.cmpf ogt, %get3A_536, %select_n3A_519 : vector<16xf32>
      %gt3A_540 = arith.cmpf ogt, %get3A_536, %select_n3A_521 : vector<16xf32>
      %gt3A_541 = arith.cmpf ogt, %get3A_536, %select_n3A_523 : vector<16xf32>
      %gt3A_542 = arith.cmpf ogt, %get3A_536, %select_n3A_525 : vector<16xf32>
      %select_n3A_543 = arith.select %gt3A_539, %get3A_536, %select_n3A_519 : vector<16xi1>, vector<16xf32>
      %select_n3A_544 = arith.select %gt3A_540, %get3A_536, %select_n3A_521 : vector<16xi1>, vector<16xf32>
      %select_n3A_545 = arith.select %gt3A_539, %select_n3A_519, %select_n3A_544 : vector<16xi1>, vector<16xf32>
      %select_n3A_546 = arith.select %gt3A_541, %get3A_536, %select_n3A_523 : vector<16xi1>, vector<16xf32>
      %select_n3A_547 = arith.select %gt3A_540, %select_n3A_521, %select_n3A_546 : vector<16xi1>, vector<16xf32>
      %select_n3A_548 = arith.select %gt3A_542, %get3A_536, %select_n3A_525 : vector<16xi1>, vector<16xf32>
      %select_n3A_549 = arith.select %gt3A_541, %select_n3A_523, %select_n3A_548 : vector<16xi1>, vector<16xf32>
      %select_n3A_550 = arith.select %gt3A_539, %broadcast_in_dim3A_538, %select_n3A_526 : vector<16xi1>, vector<16xi32>
      %select_n3A_551 = arith.select %gt3A_540, %broadcast_in_dim3A_538, %select_n3A_528 : vector<16xi1>, vector<16xi32>
      %select_n3A_552 = arith.select %gt3A_539, %select_n3A_526, %select_n3A_551 : vector<16xi1>, vector<16xi32>
      %select_n3A_553 = arith.select %gt3A_541, %broadcast_in_dim3A_538, %select_n3A_530 : vector<16xi1>, vector<16xi32>
      %select_n3A_554 = arith.select %gt3A_540, %select_n3A_528, %select_n3A_553 : vector<16xi1>, vector<16xi32>
      %select_n3A_555 = arith.select %gt3A_542, %broadcast_in_dim3A_538, %select_n3A_532 : vector<16xi1>, vector<16xi32>
      %select_n3A_556 = arith.select %gt3A_541, %select_n3A_530, %select_n3A_555 : vector<16xi1>, vector<16xi32>
      %add3A_557 = arith.constant 2944 : i32
      %add3A_558 = arith.addi %add3A_557, %mul3A_25 : i32
      %get3A_559 = arith.index_cast %add3A_558 : i32 to index
      %get3A_560 = tpu.vector_load %arg7[%get3A_559] {strides = array<i32>} : memref<4096xf32, #tpu.memory_space<vmem>>, vector<16xf32>,
      %broadcast_in_dim3A_561 = arith.constant 23 : i32
      %broadcast_in_dim3A_562 = vector.broadcast %broadcast_in_dim3A_561 : i32 to vector<16xi32>
      %gt3A_563 = arith.cmpf ogt, %get3A_560, %select_n3A_543 : vector<16xf32>
      %gt3A_564 = arith.cmpf ogt, %get3A_560, %select_n3A_545 : vector<16xf32>
      %gt3A_565 = arith.cmpf ogt, %get3A_560, %select_n3A_547 : vector<16xf32>
      %gt3A_566 = arith.cmpf ogt, %get3A_560, %select_n3A_549 : vector<16xf32>
      %select_n3A_567 = arith.select %gt3A_563, %get3A_560, %select_n3A_543 : vector<16xi1>, vector<16xf32>
      %select_n3A_568 = arith.select %gt3A_564, %get3A_560, %select_n3A_545 : vector<16xi1>, vector<16xf32>
      %select_n3A_569 = arith.select %gt3A_563, %select_n3A_543, %select_n3A_568 : vector<16xi1>, vector<16xf32>
      %select_n3A_570 = arith.select %gt3A_565, %get3A_560, %select_n3A_547 : vector<16xi1>, vector<16xf32>
      %select_n3A_571 = arith.select %gt3A_564, %select_n3A_545, %select_n3A_570 : vector<16xi1>, vector<16xf32>
      %select_n3A_572 = arith.select %gt3A_566, %get3A_560, %select_n3A_549 : vector<16xi1>, vector<16xf32>
      %select_n3A_573 = arith.select %gt3A_565, %select_n3A_547, %select_n3A_572 : vector<16xi1>, vector<16xf32>
      %select_n3A_574 = arith.select %gt3A_563, %broadcast_in_dim3A_562, %select_n3A_550 : vector<16xi1>, vector<16xi32>
      %select_n3A_575 = arith.select %gt3A_564, %broadcast_in_dim3A_562, %select_n3A_552 : vector<16xi1>, vector<16xi32>
      %select_n3A_576 = arith.select %gt3A_563, %select_n3A_550, %select_n3A_575 : vector<16xi1>, vector<16xi32>
      %select_n3A_577 = arith.select %gt3A_565, %broadcast_in_dim3A_562, %select_n3A_554 : vector<16xi1>, vector<16xi32>
      %select_n3A_578 = arith.select %gt3A_564, %select_n3A_552, %select_n3A_577 : vector<16xi1>, vector<16xi32>
      %select_n3A_579 = arith.select %gt3A_566, %broadcast_in_dim3A_562, %select_n3A_556 : vector<16xi1>, vector<16xi32>
      %select_n3A_580 = arith.select %gt3A_565, %select_n3A_554, %select_n3A_579 : vector<16xi1>, vector<16xi32>
      %add3A_581 = arith.constant 3072 : i32
      %add3A_582 = arith.addi %add3A_581, %mul3A_25 : i32
      %get3A_583 = arith.index_cast %add3A_582 : i32 to index
      %get3A_584 = tpu.vector_load %arg7[%get3A_583] {strides = array<i32>} : memref<4096xf32, #tpu.memory_space<vmem>>, vector<16xf32>,
      %broadcast_in_dim3A_585 = arith.constant 24 : i32
      %broadcast_in_dim3A_586 = vector.broadcast %broadcast_in_dim3A_585 : i32 to vector<16xi32>
      %gt3A_587 = arith.cmpf ogt, %get3A_584, %select_n3A_567 : vector<16xf32>
      %gt3A_588 = arith.cmpf ogt, %get3A_584, %select_n3A_569 : vector<16xf32>
      %gt3A_589 = arith.cmpf ogt, %get3A_584, %select_n3A_571 : vector<16xf32>
      %gt3A_590 = arith.cmpf ogt, %get3A_584, %select_n3A_573 : vector<16xf32>
      %select_n3A_591 = arith.select %gt3A_587, %get3A_584, %select_n3A_567 : vector<16xi1>, vector<16xf32>
      %select_n3A_592 = arith.select %gt3A_588, %get3A_584, %select_n3A_569 : vector<16xi1>, vector<16xf32>
      %select_n3A_593 = arith.select %gt3A_587, %select_n3A_567, %select_n3A_592 : vector<16xi1>, vector<16xf32>
      %select_n3A_594 = arith.select %gt3A_589, %get3A_584, %select_n3A_571 : vector<16xi1>, vector<16xf32>
      %select_n3A_595 = arith.select %gt3A_588, %select_n3A_569, %select_n3A_594 : vector<16xi1>, vector<16xf32>
      %select_n3A_596 = arith.select %gt3A_590, %get3A_584, %select_n3A_573 : vector<16xi1>, vector<16xf32>
      %select_n3A_597 = arith.select %gt3A_589, %select_n3A_571, %select_n3A_596 : vector<16xi1>, vector<16xf32>
      %select_n3A_598 = arith.select %gt3A_587, %broadcast_in_dim3A_586, %select_n3A_574 : vector<16xi1>, vector<16xi32>
      %select_n3A_599 = arith.select %gt3A_588, %broadcast_in_dim3A_586, %select_n3A_576 : vector<16xi1>, vector<16xi32>
      %select_n3A_600 = arith.select %gt3A_587, %select_n3A_574, %select_n3A_599 : vector<16xi1>, vector<16xi32>
      %select_n3A_601 = arith.select %gt3A_589, %broadcast_in_dim3A_586, %select_n3A_578 : vector<16xi1>, vector<16xi32>
      %select_n3A_602 = arith.select %gt3A_588, %select_n3A_576, %select_n3A_601 : vector<16xi1>, vector<16xi32>
      %select_n3A_603 = arith.select %gt3A_590, %broadcast_in_dim3A_586, %select_n3A_580 : vector<16xi1>, vector<16xi32>
      %select_n3A_604 = arith.select %gt3A_589, %select_n3A_578, %select_n3A_603 : vector<16xi1>, vector<16xi32>
      %add3A_605 = arith.constant 3200 : i32
      %add3A_606 = arith.addi %add3A_605, %mul3A_25 : i32
      %get3A_607 = arith.index_cast %add3A_606 : i32 to index
      %get3A_608 = tpu.vector_load %arg7[%get3A_607] {strides = array<i32>} : memref<4096xf32, #tpu.memory_space<vmem>>, vector<16xf32>,
      %broadcast_in_dim3A_609 = arith.constant 25 : i32
      %broadcast_in_dim3A_610 = vector.broadcast %broadcast_in_dim3A_609 : i32 to vector<16xi32>
      %gt3A_611 = arith.cmpf ogt, %get3A_608, %select_n3A_591 : vector<16xf32>
      %gt3A_612 = arith.cmpf ogt, %get3A_608, %select_n3A_593 : vector<16xf32>
      %gt3A_613 = arith.cmpf ogt, %get3A_608, %select_n3A_595 : vector<16xf32>
      %gt3A_614 = arith.cmpf ogt, %get3A_608, %select_n3A_597 : vector<16xf32>
      %select_n3A_615 = arith.select %gt3A_611, %get3A_608, %select_n3A_591 : vector<16xi1>, vector<16xf32>
      %select_n3A_616 = arith.select %gt3A_612, %get3A_608, %select_n3A_593 : vector<16xi1>, vector<16xf32>
      %select_n3A_617 = arith.select %gt3A_611, %select_n3A_591, %select_n3A_616 : vector<16xi1>, vector<16xf32>
      %select_n3A_618 = arith.select %gt3A_613, %get3A_608, %select_n3A_595 : vector<16xi1>, vector<16xf32>
      %select_n3A_619 = arith.select %gt3A_612, %select_n3A_593, %select_n3A_618 : vector<16xi1>, vector<16xf32>
      %select_n3A_620 = arith.select %gt3A_614, %get3A_608, %select_n3A_597 : vector<16xi1>, vector<16xf32>
      %select_n3A_621 = arith.select %gt3A_613, %select_n3A_595, %select_n3A_620 : vector<16xi1>, vector<16xf32>
      %select_n3A_622 = arith.select %gt3A_611, %broadcast_in_dim3A_610, %select_n3A_598 : vector<16xi1>, vector<16xi32>
      %select_n3A_623 = arith.select %gt3A_612, %broadcast_in_dim3A_610, %select_n3A_600 : vector<16xi1>, vector<16xi32>
      %select_n3A_624 = arith.select %gt3A_611, %select_n3A_598, %select_n3A_623 : vector<16xi1>, vector<16xi32>
      %select_n3A_625 = arith.select %gt3A_613, %broadcast_in_dim3A_610, %select_n3A_602 : vector<16xi1>, vector<16xi32>
      %select_n3A_626 = arith.select %gt3A_612, %select_n3A_600, %select_n3A_625 : vector<16xi1>, vector<16xi32>
      %select_n3A_627 = arith.select %gt3A_614, %broadcast_in_dim3A_610, %select_n3A_604 : vector<16xi1>, vector<16xi32>
      %select_n3A_628 = arith.select %gt3A_613, %select_n3A_602, %select_n3A_627 : vector<16xi1>, vector<16xi32>
      %add3A_629 = arith.constant 3328 : i32
      %add3A_630 = arith.addi %add3A_629, %mul3A_25 : i32
      %get3A_631 = arith.index_cast %add3A_630 : i32 to index
      %get3A_632 = tpu.vector_load %arg7[%get3A_631] {strides = array<i32>} : memref<4096xf32, #tpu.memory_space<vmem>>, vector<16xf32>,
      %broadcast_in_dim3A_633 = arith.constant 26 : i32
      %broadcast_in_dim3A_634 = vector.broadcast %broadcast_in_dim3A_633 : i32 to vector<16xi32>
      %gt3A_635 = arith.cmpf ogt, %get3A_632, %select_n3A_615 : vector<16xf32>
      %gt3A_636 = arith.cmpf ogt, %get3A_632, %select_n3A_617 : vector<16xf32>
      %gt3A_637 = arith.cmpf ogt, %get3A_632, %select_n3A_619 : vector<16xf32>
      %gt3A_638 = arith.cmpf ogt, %get3A_632, %select_n3A_621 : vector<16xf32>
      %select_n3A_639 = arith.select %gt3A_635, %get3A_632, %select_n3A_615 : vector<16xi1>, vector<16xf32>
      %select_n3A_640 = arith.select %gt3A_636, %get3A_632, %select_n3A_617 : vector<16xi1>, vector<16xf32>
      %select_n3A_641 = arith.select %gt3A_635, %select_n3A_615, %select_n3A_640 : vector<16xi1>, vector<16xf32>
      %select_n3A_642 = arith.select %gt3A_637, %get3A_632, %select_n3A_619 : vector<16xi1>, vector<16xf32>
      %select_n3A_643 = arith.select %gt3A_636, %select_n3A_617, %select_n3A_642 : vector<16xi1>, vector<16xf32>
      %select_n3A_644 = arith.select %gt3A_638, %get3A_632, %select_n3A_621 : vector<16xi1>, vector<16xf32>
      %select_n3A_645 = arith.select %gt3A_637, %select_n3A_619, %select_n3A_644 : vector<16xi1>, vector<16xf32>
      %select_n3A_646 = arith.select %gt3A_635, %broadcast_in_dim3A_634, %select_n3A_622 : vector<16xi1>, vector<16xi32>
      %select_n3A_647 = arith.select %gt3A_636, %broadcast_in_dim3A_634, %select_n3A_624 : vector<16xi1>, vector<16xi32>
      %select_n3A_648 = arith.select %gt3A_635, %select_n3A_622, %select_n3A_647 : vector<16xi1>, vector<16xi32>
      %select_n3A_649 = arith.select %gt3A_637, %broadcast_in_dim3A_634, %select_n3A_626 : vector<16xi1>, vector<16xi32>
      %select_n3A_650 = arith.select %gt3A_636, %select_n3A_624, %select_n3A_649 : vector<16xi1>, vector<16xi32>
      %select_n3A_651 = arith.select %gt3A_638, %broadcast_in_dim3A_634, %select_n3A_628 : vector<16xi1>, vector<16xi32>
      %select_n3A_652 = arith.select %gt3A_637, %select_n3A_626, %select_n3A_651 : vector<16xi1>, vector<16xi32>
      %add3A_653 = arith.constant 3456 : i32
      %add3A_654 = arith.addi %add3A_653, %mul3A_25 : i32
      %get3A_655 = arith.index_cast %add3A_654 : i32 to index
      %get3A_656 = tpu.vector_load %arg7[%get3A_655] {strides = array<i32>} : memref<4096xf32, #tpu.memory_space<vmem>>, vector<16xf32>,
      %broadcast_in_dim3A_657 = arith.constant 27 : i32
      %broadcast_in_dim3A_658 = vector.broadcast %broadcast_in_dim3A_657 : i32 to vector<16xi32>
      %gt3A_659 = arith.cmpf ogt, %get3A_656, %select_n3A_639 : vector<16xf32>
      %gt3A_660 = arith.cmpf ogt, %get3A_656, %select_n3A_641 : vector<16xf32>
      %gt3A_661 = arith.cmpf ogt, %get3A_656, %select_n3A_643 : vector<16xf32>
      %gt3A_662 = arith.cmpf ogt, %get3A_656, %select_n3A_645 : vector<16xf32>
      %select_n3A_663 = arith.select %gt3A_659, %get3A_656, %select_n3A_639 : vector<16xi1>, vector<16xf32>
      %select_n3A_664 = arith.select %gt3A_660, %get3A_656, %select_n3A_641 : vector<16xi1>, vector<16xf32>
      %select_n3A_665 = arith.select %gt3A_659, %select_n3A_639, %select_n3A_664 : vector<16xi1>, vector<16xf32>
      %select_n3A_666 = arith.select %gt3A_661, %get3A_656, %select_n3A_643 : vector<16xi1>, vector<16xf32>
      %select_n3A_667 = arith.select %gt3A_660, %select_n3A_641, %select_n3A_666 : vector<16xi1>, vector<16xf32>
      %select_n3A_668 = arith.select %gt3A_662, %get3A_656, %select_n3A_645 : vector<16xi1>, vector<16xf32>
      %select_n3A_669 = arith.select %gt3A_661, %select_n3A_643, %select_n3A_668 : vector<16xi1>, vector<16xf32>
      %select_n3A_670 = arith.select %gt3A_659, %broadcast_in_dim3A_658, %select_n3A_646 : vector<16xi1>, vector<16xi32>
      %select_n3A_671 = arith.select %gt3A_660, %broadcast_in_dim3A_658, %select_n3A_648 : vector<16xi1>, vector<16xi32>
      %select_n3A_672 = arith.select %gt3A_659, %select_n3A_646, %select_n3A_671 : vector<16xi1>, vector<16xi32>
      %select_n3A_673 = arith.select %gt3A_661, %broadcast_in_dim3A_658, %select_n3A_650 : vector<16xi1>, vector<16xi32>
      %select_n3A_674 = arith.select %gt3A_660, %select_n3A_648, %select_n3A_673 : vector<16xi1>, vector<16xi32>
      %select_n3A_675 = arith.select %gt3A_662, %broadcast_in_dim3A_658, %select_n3A_652 : vector<16xi1>, vector<16xi32>
      %select_n3A_676 = arith.select %gt3A_661, %select_n3A_650, %select_n3A_675 : vector<16xi1>, vector<16xi32>
      %add3A_677 = arith.constant 3584 : i32
      %add3A_678 = arith.addi %add3A_677, %mul3A_25 : i32
      %get3A_679 = arith.index_cast %add3A_678 : i32 to index
      %get3A_680 = tpu.vector_load %arg7[%get3A_679] {strides = array<i32>} : memref<4096xf32, #tpu.memory_space<vmem>>, vector<16xf32>,
      %broadcast_in_dim3A_681 = arith.constant 28 : i32
      %broadcast_in_dim3A_682 = vector.broadcast %broadcast_in_dim3A_681 : i32 to vector<16xi32>
      %gt3A_683 = arith.cmpf ogt, %get3A_680, %select_n3A_663 : vector<16xf32>
      %gt3A_684 = arith.cmpf ogt, %get3A_680, %select_n3A_665 : vector<16xf32>
      %gt3A_685 = arith.cmpf ogt, %get3A_680, %select_n3A_667 : vector<16xf32>
      %gt3A_686 = arith.cmpf ogt, %get3A_680, %select_n3A_669 : vector<16xf32>
      %select_n3A_687 = arith.select %gt3A_683, %get3A_680, %select_n3A_663 : vector<16xi1>, vector<16xf32>
      %select_n3A_688 = arith.select %gt3A_684, %get3A_680, %select_n3A_665 : vector<16xi1>, vector<16xf32>
      %select_n3A_689 = arith.select %gt3A_683, %select_n3A_663, %select_n3A_688 : vector<16xi1>, vector<16xf32>
      %select_n3A_690 = arith.select %gt3A_685, %get3A_680, %select_n3A_667 : vector<16xi1>, vector<16xf32>
      %select_n3A_691 = arith.select %gt3A_684, %select_n3A_665, %select_n3A_690 : vector<16xi1>, vector<16xf32>
      %select_n3A_692 = arith.select %gt3A_686, %get3A_680, %select_n3A_669 : vector<16xi1>, vector<16xf32>
      %select_n3A_693 = arith.select %gt3A_685, %select_n3A_667, %select_n3A_692 : vector<16xi1>, vector<16xf32>
      %select_n3A_694 = arith.select %gt3A_683, %broadcast_in_dim3A_682, %select_n3A_670 : vector<16xi1>, vector<16xi32>
      %select_n3A_695 = arith.select %gt3A_684, %broadcast_in_dim3A_682, %select_n3A_672 : vector<16xi1>, vector<16xi32>
      %select_n3A_696 = arith.select %gt3A_683, %select_n3A_670, %select_n3A_695 : vector<16xi1>, vector<16xi32>
      %select_n3A_697 = arith.select %gt3A_685, %broadcast_in_dim3A_682, %select_n3A_674 : vector<16xi1>, vector<16xi32>
      %select_n3A_698 = arith.select %gt3A_684, %select_n3A_672, %select_n3A_697 : vector<16xi1>, vector<16xi32>
      %select_n3A_699 = arith.select %gt3A_686, %broadcast_in_dim3A_682, %select_n3A_676 : vector<16xi1>, vector<16xi32>
      %select_n3A_700 = arith.select %gt3A_685, %select_n3A_674, %select_n3A_699 : vector<16xi1>, vector<16xi32>
      %add3A_701 = arith.constant 3712 : i32
      %add3A_702 = arith.addi %add3A_701, %mul3A_25 : i32
      %get3A_703 = arith.index_cast %add3A_702 : i32 to index
      %get3A_704 = tpu.vector_load %arg7[%get3A_703] {strides = array<i32>} : memref<4096xf32, #tpu.memory_space<vmem>>, vector<16xf32>,
      %broadcast_in_dim3A_705 = arith.constant 29 : i32
      %broadcast_in_dim3A_706 = vector.broadcast %broadcast_in_dim3A_705 : i32 to vector<16xi32>
      %gt3A_707 = arith.cmpf ogt, %get3A_704, %select_n3A_687 : vector<16xf32>
      %gt3A_708 = arith.cmpf ogt, %get3A_704, %select_n3A_689 : vector<16xf32>
      %gt3A_709 = arith.cmpf ogt, %get3A_704, %select_n3A_691 : vector<16xf32>
      %gt3A_710 = arith.cmpf ogt, %get3A_704, %select_n3A_693 : vector<16xf32>
      %select_n3A_711 = arith.select %gt3A_707, %get3A_704, %select_n3A_687 : vector<16xi1>, vector<16xf32>
      %select_n3A_712 = arith.select %gt3A_708, %get3A_704, %select_n3A_689 : vector<16xi1>, vector<16xf32>
      %select_n3A_713 = arith.select %gt3A_707, %select_n3A_687, %select_n3A_712 : vector<16xi1>, vector<16xf32>
      %select_n3A_714 = arith.select %gt3A_709, %get3A_704, %select_n3A_691 : vector<16xi1>, vector<16xf32>
      %select_n3A_715 = arith.select %gt3A_708, %select_n3A_689, %select_n3A_714 : vector<16xi1>, vector<16xf32>
      %select_n3A_716 = arith.select %gt3A_710, %get3A_704, %select_n3A_693 : vector<16xi1>, vector<16xf32>
      %select_n3A_717 = arith.select %gt3A_709, %select_n3A_691, %select_n3A_716 : vector<16xi1>, vector<16xf32>
      %select_n3A_718 = arith.select %gt3A_707, %broadcast_in_dim3A_706, %select_n3A_694 : vector<16xi1>, vector<16xi32>
      %select_n3A_719 = arith.select %gt3A_708, %broadcast_in_dim3A_706, %select_n3A_696 : vector<16xi1>, vector<16xi32>
      %select_n3A_720 = arith.select %gt3A_707, %select_n3A_694, %select_n3A_719 : vector<16xi1>, vector<16xi32>
      %select_n3A_721 = arith.select %gt3A_709, %broadcast_in_dim3A_706, %select_n3A_698 : vector<16xi1>, vector<16xi32>
      %select_n3A_722 = arith.select %gt3A_708, %select_n3A_696, %select_n3A_721 : vector<16xi1>, vector<16xi32>
      %select_n3A_723 = arith.select %gt3A_710, %broadcast_in_dim3A_706, %select_n3A_700 : vector<16xi1>, vector<16xi32>
      %select_n3A_724 = arith.select %gt3A_709, %select_n3A_698, %select_n3A_723 : vector<16xi1>, vector<16xi32>
      %add3A_725 = arith.constant 3840 : i32
      %add3A_726 = arith.addi %add3A_725, %mul3A_25 : i32
      %get3A_727 = arith.index_cast %add3A_726 : i32 to index
      %get3A_728 = tpu.vector_load %arg7[%get3A_727] {strides = array<i32>} : memref<4096xf32, #tpu.memory_space<vmem>>, vector<16xf32>,
      %broadcast_in_dim3A_729 = arith.constant 30 : i32
      %broadcast_in_dim3A_730 = vector.broadcast %broadcast_in_dim3A_729 : i32 to vector<16xi32>
      %gt3A_731 = arith.cmpf ogt, %get3A_728, %select_n3A_711 : vector<16xf32>
      %gt3A_732 = arith.cmpf ogt, %get3A_728, %select_n3A_713 : vector<16xf32>
      %gt3A_733 = arith.cmpf ogt, %get3A_728, %select_n3A_715 : vector<16xf32>
      %gt3A_734 = arith.cmpf ogt, %get3A_728, %select_n3A_717 : vector<16xf32>
      %select_n3A_735 = arith.select %gt3A_731, %get3A_728, %select_n3A_711 : vector<16xi1>, vector<16xf32>
      %select_n3A_736 = arith.select %gt3A_732, %get3A_728, %select_n3A_713 : vector<16xi1>, vector<16xf32>
      %select_n3A_737 = arith.select %gt3A_731, %select_n3A_711, %select_n3A_736 : vector<16xi1>, vector<16xf32>
      %select_n3A_738 = arith.select %gt3A_733, %get3A_728, %select_n3A_715 : vector<16xi1>, vector<16xf32>
      %select_n3A_739 = arith.select %gt3A_732, %select_n3A_713, %select_n3A_738 : vector<16xi1>, vector<16xf32>
      %select_n3A_740 = arith.select %gt3A_734, %get3A_728, %select_n3A_717 : vector<16xi1>, vector<16xf32>
      %select_n3A_741 = arith.select %gt3A_733, %select_n3A_715, %select_n3A_740 : vector<16xi1>, vector<16xf32>
      %select_n3A_742 = arith.select %gt3A_731, %broadcast_in_dim3A_730, %select_n3A_718 : vector<16xi1>, vector<16xi32>
      %select_n3A_743 = arith.select %gt3A_732, %broadcast_in_dim3A_730, %select_n3A_720 : vector<16xi1>, vector<16xi32>
      %select_n3A_744 = arith.select %gt3A_731, %select_n3A_718, %select_n3A_743 : vector<16xi1>, vector<16xi32>
      %select_n3A_745 = arith.select %gt3A_733, %broadcast_in_dim3A_730, %select_n3A_722 : vector<16xi1>, vector<16xi32>
      %select_n3A_746 = arith.select %gt3A_732, %select_n3A_720, %select_n3A_745 : vector<16xi1>, vector<16xi32>
      %select_n3A_747 = arith.select %gt3A_734, %broadcast_in_dim3A_730, %select_n3A_724 : vector<16xi1>, vector<16xi32>
      %select_n3A_748 = arith.select %gt3A_733, %select_n3A_722, %select_n3A_747 : vector<16xi1>, vector<16xi32>
      %add3A_749 = arith.constant 3968 : i32
      %add3A_750 = arith.addi %add3A_749, %mul3A_25 : i32
      %get3A_751 = arith.index_cast %add3A_750 : i32 to index
      %get3A_752 = tpu.vector_load %arg7[%get3A_751] {strides = array<i32>} : memref<4096xf32, #tpu.memory_space<vmem>>, vector<16xf32>,
      %broadcast_in_dim3A_753 = arith.constant 31 : i32
      %broadcast_in_dim3A_754 = vector.broadcast %broadcast_in_dim3A_753 : i32 to vector<16xi32>
      %gt3A_755 = arith.cmpf ogt, %get3A_752, %select_n3A_735 : vector<16xf32>
      %gt3A_756 = arith.cmpf ogt, %get3A_752, %select_n3A_737 : vector<16xf32>
      %gt3A_757 = arith.cmpf ogt, %get3A_752, %select_n3A_739 : vector<16xf32>
      %gt3A_758 = arith.cmpf ogt, %get3A_752, %select_n3A_741 : vector<16xf32>
      %select_n3A_759 = arith.select %gt3A_755, %get3A_752, %select_n3A_735 : vector<16xi1>, vector<16xf32>
      %select_n3A_760 = arith.select %gt3A_756, %get3A_752, %select_n3A_737 : vector<16xi1>, vector<16xf32>
      %select_n3A_761 = arith.select %gt3A_755, %select_n3A_735, %select_n3A_760 : vector<16xi1>, vector<16xf32>
      %select_n3A_762 = arith.select %gt3A_757, %get3A_752, %select_n3A_739 : vector<16xi1>, vector<16xf32>
      %select_n3A_763 = arith.select %gt3A_756, %select_n3A_737, %select_n3A_762 : vector<16xi1>, vector<16xf32>
      %select_n3A_764 = arith.select %gt3A_758, %get3A_752, %select_n3A_741 : vector<16xi1>, vector<16xf32>
      %select_n3A_765 = arith.select %gt3A_757, %select_n3A_739, %select_n3A_764 : vector<16xi1>, vector<16xf32>
      %select_n3A_766 = arith.select %gt3A_755, %broadcast_in_dim3A_754, %select_n3A_742 : vector<16xi1>, vector<16xi32>
      %select_n3A_767 = arith.select %gt3A_756, %broadcast_in_dim3A_754, %select_n3A_744 : vector<16xi1>, vector<16xi32>
      %select_n3A_768 = arith.select %gt3A_755, %select_n3A_742, %select_n3A_767 : vector<16xi1>, vector<16xi32>
      %select_n3A_769 = arith.select %gt3A_757, %broadcast_in_dim3A_754, %select_n3A_746 : vector<16xi1>, vector<16xi32>
      %select_n3A_770 = arith.select %gt3A_756, %select_n3A_744, %select_n3A_769 : vector<16xi1>, vector<16xi32>
      %select_n3A_771 = arith.select %gt3A_758, %broadcast_in_dim3A_754, %select_n3A_748 : vector<16xi1>, vector<16xi32>
      %select_n3A_772 = arith.select %gt3A_757, %select_n3A_746, %select_n3A_771 : vector<16xi1>, vector<16xi32>
      %sub3A = arith.subf %select_n3A_761, %select_n3A_759 : vector<16xf32>
      %exp3A = math.exp %sub3A : vector<16xf32>
      %sub3A_773 = arith.subf %select_n3A_763, %select_n3A_759 : vector<16xf32>
      %exp3A_774 = math.exp %sub3A_773 : vector<16xf32>
      %sub3A_775 = arith.subf %select_n3A_765, %select_n3A_759 : vector<16xf32>
      %exp3A_776 = math.exp %sub3A_775 : vector<16xf32>
      %add3A_777 = arith.constant 1.000000e+00 : f32
      %add3A_778 = vector.broadcast %add3A_777 : f32 to vector<16xf32>
      %add3A_779 = arith.addf %add3A_778, %exp3A : vector<16xf32>
      %add3A_780 = arith.addf %add3A_779, %exp3A_774 : vector<16xf32>
      %add3A_781 = arith.addf %add3A_780, %exp3A_776 : vector<16xf32>
      %div3A = arith.constant 1.000000e+00 : f32
      %div3A_782 = vector.broadcast %div3A : f32 to vector<16xf32>
      %div3A_783 = arith.divf %div3A_782, %add3A_781 : vector<16xf32>
      %add3A_784 = vector.broadcast %mul3A_25 : i32 to vector<16xi32>
      %add3A_785 = arith.addi %add3A_784, %iota3A : vector<16xi32>
      tpu.vector_store_idx %arg8[%add3A_785, %select_n3A_766], %div3A_783 : memref<128x32xf32, #tpu.memory_space<vmem>>[vector<16xi32>, vector<16xi32>], vector<16xf32>,
      %mul3A_786 = arith.mulf %exp3A, %div3A_783 : vector<16xf32>
      tpu.vector_store_idx %arg8[%add3A_785, %select_n3A_768], %mul3A_786 : memref<128x32xf32, #tpu.memory_space<vmem>>[vector<16xi32>, vector<16xi32>], vector<16xf32>,
      %mul3A_787 = arith.mulf %exp3A_774, %div3A_783 : vector<16xf32>
      tpu.vector_store_idx %arg8[%add3A_785, %select_n3A_770], %mul3A_787 : memref<128x32xf32, #tpu.memory_space<vmem>>[vector<16xi32>, vector<16xi32>], vector<16xf32>,
      %mul3A_788 = arith.mulf %exp3A_776, %div3A_783 : vector<16xf32>
      tpu.vector_store_idx %arg8[%add3A_785, %select_n3A_772], %mul3A_788 : memref<128x32xf32, #tpu.memory_space<vmem>>[vector<16xi32>, vector<16xi32>], vector<16xf32>,
      tpu.vector_store_idx %arg9[%add3A_785, %broadcast_in_dim3A_29], %select_n3A_766 : memref<128x4xi32, #tpu.memory_space<vmem>>[vector<16xi32>, vector<16xi32>], vector<16xi32>,
      %add3A_789 = arith.constant 1 : i32
      %add3A_790 = vector.broadcast %add3A_789 : i32 to vector<16xi32>
      %add3A_791 = arith.addi %broadcast_in_dim3A_29, %add3A_790 : vector<16xi32>
      tpu.vector_store_idx %arg9[%add3A_785, %add3A_791], %select_n3A_768 : memref<128x4xi32, #tpu.memory_space<vmem>>[vector<16xi32>, vector<16xi32>], vector<16xi32>,
      %add3A_792 = arith.constant 2 : i32
      %add3A_793 = vector.broadcast %add3A_792 : i32 to vector<16xi32>
      %add3A_794 = arith.addi %broadcast_in_dim3A_29, %add3A_793 : vector<16xi32>
      tpu.vector_store_idx %arg9[%add3A_785, %add3A_794], %select_n3A_770 : memref<128x4xi32, #tpu.memory_space<vmem>>[vector<16xi32>, vector<16xi32>], vector<16xi32>,
      %add3A_795 = arith.constant 3 : i32
      %add3A_796 = vector.broadcast %add3A_795 : i32 to vector<16xi32>
      %add3A_797 = arith.addi %broadcast_in_dim3A_29, %add3A_796 : vector<16xi32>
      tpu.vector_store_idx %arg9[%add3A_785, %add3A_797], %select_n3A_772 : memref<128x4xi32, #tpu.memory_space<vmem>>[vector<16xi32>, vector<16xi32>], vector<16xi32>,
    }
    %scan3A_22 = arith.constant 8 : i32
    "tpu.region"() ({
      %run_scoped3A = tpu.sem_alloc : memref<!tpu.dma_semaphore, #tpu.memory_space<semaphore_mem>>
      %dma_start3A_23 = arith.constant 0 : i32
      %dma_start3A_24 = tpu.memref_slice %arg3[%add3A_4, %dma_start3A_23] : memref<8192x32xf32, #tpu.memory_space<hbm>> -> memref<128x32xf32, #tpu.memory_space<hbm>>
      %dma_start3A_25 = arith.constant 0 : i32
      %dma_start3A_26 = tpu.memref_slice %arg3[%add3A_4, %dma_start3A_25] : memref<8192x32xf32, #tpu.memory_space<hbm>> -> memref<128x32xf32, #tpu.memory_space<hbm>>
      tpu.enqueue_dma source(%arg8 : memref<128x32xf32, #tpu.memory_space<vmem>>) target(%dma_start3A_26 : memref<128x32xf32, #tpu.memory_space<hbm>>) target_semaphore(%run_scoped3A : memref<!tpu.dma_semaphore, #tpu.memory_space<semaphore_mem>>)
      %dma_wait3A_27 = arith.constant 0 : i32
      %dma_wait3A_28 = tpu.memref_slice %arg3[%add3A_4, %dma_wait3A_27] : memref<8192x32xf32, #tpu.memory_space<hbm>> -> memref<128x32xf32, #tpu.memory_space<hbm>>
      %dma_wait3A_29 = arith.constant 0 : i32
      %dma_wait3A_30 = tpu.memref_slice %arg3[%add3A_4, %dma_wait3A_29] : memref<8192x32xf32, #tpu.memory_space<hbm>> -> memref<128x32xf32, #tpu.memory_space<hbm>>
      tpu.wait_dma2 semaphore(%run_scoped3A : memref<!tpu.dma_semaphore, #tpu.memory_space<semaphore_mem>>) src(%arg8 : memref<128x32xf32, #tpu.memory_space<vmem>>) dst(%dma_wait3A_30 : memref<128x32xf32, #tpu.memory_space<hbm>>)
      tpu.yield
    }) : () -> ()
    "tpu.region"() ({
      %run_scoped3A = tpu.sem_alloc : memref<!tpu.dma_semaphore, #tpu.memory_space<semaphore_mem>>
      %dma_start3A_23 = arith.constant 0 : i32
      %dma_start3A_24 = tpu.memref_slice %arg4[%add3A_4, %dma_start3A_23] : memref<8192x4xi32, #tpu.memory_space<hbm>> -> memref<128x4xi32, #tpu.memory_space<hbm>>
      %dma_start3A_25 = arith.constant 0 : i32
      %dma_start3A_26 = tpu.memref_slice %arg4[%add3A_4, %dma_start3A_25] : memref<8192x4xi32, #tpu.memory_space<hbm>> -> memref<128x4xi32, #tpu.memory_space<hbm>>
      tpu.enqueue_dma source(%arg9 : memref<128x4xi32, #tpu.memory_space<vmem>>) target(%dma_start3A_26 : memref<128x4xi32, #tpu.memory_space<hbm>>) target_semaphore(%run_scoped3A : memref<!tpu.dma_semaphore, #tpu.memory_space<semaphore_mem>>)
      %dma_wait3A_27 = arith.constant 0 : i32
      %dma_wait3A_28 = tpu.memref_slice %arg4[%add3A_4, %dma_wait3A_27] : memref<8192x4xi32, #tpu.memory_space<hbm>> -> memref<128x4xi32, #tpu.memory_space<hbm>>
      %dma_wait3A_29 = arith.constant 0 : i32
      %dma_wait3A_30 = tpu.memref_slice %arg4[%add3A_4, %dma_wait3A_29] : memref<8192x4xi32, #tpu.memory_space<hbm>> -> memref<128x4xi32, #tpu.memory_space<hbm>>
      tpu.wait_dma2 semaphore(%run_scoped3A : memref<!tpu.dma_semaphore, #tpu.memory_space<semaphore_mem>>) src(%arg9 : memref<128x4xi32, #tpu.memory_space<vmem>>) dst(%dma_wait3A_30 : memref<128x4xi32, #tpu.memory_space<hbm>>)
      tpu.yield
    }) : () -> ()
    return
  }
}

module attributes {stable_mosaic.version = 14 : i64} {
  func.func @_mm_body(%arg0: i32, %arg1: memref<512x2880xf32, #tpu.memory_space<vmem>>, %arg2: memref<32x2880xf32, #tpu.memory_space<vmem>>, %arg3: memref<32x1xf32, #tpu.memory_space<vmem>>, %arg4: memref<4x32x128xf32, #tpu.memory_space<vmem>>) attributes {dimension_semantics = [#tpu.dimension_semantics<arbitrary>], iteration_bounds = array<i64: 8>, scalar_prefetch = 0 : i64, scratch_operands = 0 : i64, tpu.core_type = #tpu.core_type<tc>, window_params = [{transform_indices = @transform_0, window_bounds = array<i64: 512, 2880>}, {pipeline_mode = #tpu.pipeline_mode<synchronous>, transform_indices = @transform_1, window_bounds = array<i64: 32, 2880>}, {pipeline_mode = #tpu.pipeline_mode<synchronous>, transform_indices = @transform_2, window_bounds = array<i64: 32, 1>}, {transform_indices = @transform_3, window_bounds = array<i64: 4, 32, 128>}]} {
    %get3A = arith.constant 0 : index
    %get3A_0 = arith.constant 0 : index
    %get3A_1 = vector.load %arg1[%get3A, %get3A_0] : memref<512x2880xf32, #tpu.memory_space<vmem>>, vector<512x2880xf32>
    %get3A_2 = arith.constant 0 : index
    %get3A_3 = arith.constant 0 : index
    %get3A_4 = vector.load %arg2[%get3A_2, %get3A_3] : memref<32x2880xf32, #tpu.memory_space<vmem>>, vector<32x2880xf32>
    %dot_general3A = arith.constant dense<0.000000e+00> : vector<32x512xf32>
    %dot_general3A_5 = tpu.matmul %get3A_4, %get3A_1, %dot_general3A {dimension_numbers = #tpu.dot_dimension_numbers<[1], [1], [0], [0], [0, 0, 1, 0], [], []>, transpose_lhs_hint = false} : vector<32x2880xf32>, vector<512x2880xf32>, vector<32x512xf32> -> vector<32x512xf32>
    %get3A_6 = arith.constant 0 : index
    %get3A_7 = arith.constant 0 : index
    %get3A_8 = vector.load %arg3[%get3A_6, %get3A_7] : memref<32x1xf32, #tpu.memory_space<vmem>>, vector<32x1xf32>
    %add3A = vector.broadcast %get3A_8 : vector<32x1xf32> to vector<32x512xf32>
    %add3A_9 = arith.addf %dot_general3A_5, %add3A : vector<32x512xf32>
    %slice3A = vector.extract_strided_slice %add3A_9 {offsets = [0, 0], sizes = [32, 128], strides = [1, 1]} : vector<32x512xf32> to vector<32x128xf32>
    %swap3A = arith.constant 0 : index
    %swap3A_10 = arith.constant 0 : index
    %swap3A_11 = arith.constant 0 : index
    %swap3A_12 = vector.load %arg4[%swap3A, %swap3A_10, %swap3A_11] : memref<4x32x128xf32, #tpu.memory_space<vmem>>, vector<1x32x128xf32>
    %swap3A_13 = vector.shape_cast %swap3A_12 : vector<1x32x128xf32> to vector<32x128xf32>
    %swap3A_14 = vector.shape_cast %slice3A : vector<32x128xf32> to vector<1x32x128xf32>
    tpu.vector_store %arg4[%swap3A, %swap3A_10, %swap3A_11], %swap3A_14 {strides = array<i32>} : memref<4x32x128xf32, #tpu.memory_space<vmem>>, vector<1x32x128xf32>,
    %slice3A_15 = vector.extract_strided_slice %add3A_9 {offsets = [0, 128], sizes = [32, 128], strides = [1, 1]} : vector<32x512xf32> to vector<32x128xf32>
    %swap3A_16 = arith.constant 1 : index
    %swap3A_17 = arith.constant 0 : index
    %swap3A_18 = arith.constant 0 : index
    %swap3A_19 = vector.load %arg4[%swap3A_16, %swap3A_17, %swap3A_18] : memref<4x32x128xf32, #tpu.memory_space<vmem>>, vector<1x32x128xf32>
    %swap3A_20 = vector.shape_cast %swap3A_19 : vector<1x32x128xf32> to vector<32x128xf32>
    %swap3A_21 = vector.shape_cast %slice3A_15 : vector<32x128xf32> to vector<1x32x128xf32>
    tpu.vector_store %arg4[%swap3A_16, %swap3A_17, %swap3A_18], %swap3A_21 {strides = array<i32>} : memref<4x32x128xf32, #tpu.memory_space<vmem>>, vector<1x32x128xf32>,
    %slice3A_22 = vector.extract_strided_slice %add3A_9 {offsets = [0, 256], sizes = [32, 128], strides = [1, 1]} : vector<32x512xf32> to vector<32x128xf32>
    %swap3A_23 = arith.constant 2 : index
    %swap3A_24 = arith.constant 0 : index
    %swap3A_25 = arith.constant 0 : index
    %swap3A_26 = vector.load %arg4[%swap3A_23, %swap3A_24, %swap3A_25] : memref<4x32x128xf32, #tpu.memory_space<vmem>>, vector<1x32x128xf32>
    %swap3A_27 = vector.shape_cast %swap3A_26 : vector<1x32x128xf32> to vector<32x128xf32>
    %swap3A_28 = vector.shape_cast %slice3A_22 : vector<32x128xf32> to vector<1x32x128xf32>
    tpu.vector_store %arg4[%swap3A_23, %swap3A_24, %swap3A_25], %swap3A_28 {strides = array<i32>} : memref<4x32x128xf32, #tpu.memory_space<vmem>>, vector<1x32x128xf32>,
    %slice3A_29 = vector.extract_strided_slice %add3A_9 {offsets = [0, 384], sizes = [32, 128], strides = [1, 1]} : vector<32x512xf32> to vector<32x128xf32>
    %swap3A_30 = arith.constant 3 : index
    %swap3A_31 = arith.constant 0 : index
    %swap3A_32 = arith.constant 0 : index
    %swap3A_33 = vector.load %arg4[%swap3A_30, %swap3A_31, %swap3A_32] : memref<4x32x128xf32, #tpu.memory_space<vmem>>, vector<1x32x128xf32>
    %swap3A_34 = vector.shape_cast %swap3A_33 : vector<1x32x128xf32> to vector<32x128xf32>
    %swap3A_35 = vector.shape_cast %slice3A_29 : vector<32x128xf32> to vector<1x32x128xf32>
    tpu.vector_store %arg4[%swap3A_30, %swap3A_31, %swap3A_32], %swap3A_35 {strides = array<i32>} : memref<4x32x128xf32, #tpu.memory_space<vmem>>, vector<1x32x128xf32>,
    return
  }
  func.func @transform_0(%arg0: i32) -> (i32, i32) {
    %add3A = arith.constant 0 : i32
    %add3A_0 = arith.addi %arg0, %add3A : i32
    %c0_i32 = arith.constant 0 : i32
    %c0_i32_1 = arith.constant 0 : i32
    return %add3A_0, %c0_i32 : i32, i32
  }
  func.func @transform_1(%arg0: i32) -> (i32, i32) {
    %c0_i32 = arith.constant 0 : i32
    %c0_i32_0 = arith.constant 0 : i32
    %c0_i32_1 = arith.constant 0 : i32
    return %c0_i32, %c0_i32_0 : i32, i32
  }
  func.func @transform_2(%arg0: i32) -> (i32, i32) {
    %c0_i32 = arith.constant 0 : i32
    %c0_i32_0 = arith.constant 0 : i32
    %c0_i32_1 = arith.constant 0 : i32
    return %c0_i32, %c0_i32_0 : i32, i32
  }
  func.func @transform_3(%arg0: i32) -> (i32, i32, i32) {
    %c0_i32 = arith.constant 0 : i32
    %c0_i32_0 = arith.constant 0 : i32
    %c0_i32_1 = arith.constant 0 : i32
    return %arg0, %c0_i32, %c0_i32_0 : i32, i32, i32
  }
}

module attributes {stable_mosaic.version = 14 : i64} {
  func.func @_mm_body(%arg0: i32, %arg1: memref<512x2880xf32, #tpu.memory_space<vmem>>, %arg2: memref<32x2880xf32, #tpu.memory_space<vmem>>, %arg3: memref<32x1xf32, #tpu.memory_space<vmem>>, %arg4: memref<4x32x128xf32, #tpu.memory_space<vmem>>) attributes {dimension_semantics = [#tpu.dimension_semantics<arbitrary>], iteration_bounds = array<i64: 8>, scalar_prefetch = 0 : i64, scratch_operands = 0 : i64, tpu.core_type = #tpu.core_type<tc>, window_params = [{transform_indices = @transform_0, window_bounds = array<i64: 512, 2880>}, {pipeline_mode = #tpu.pipeline_mode<synchronous>, transform_indices = @transform_1, window_bounds = array<i64: 32, 2880>}, {pipeline_mode = #tpu.pipeline_mode<synchronous>, transform_indices = @transform_2, window_bounds = array<i64: 32, 1>}, {transform_indices = @transform_3, window_bounds = array<i64: 4, 32, 128>}]} {
    %get3A = arith.constant 0 : index
    %get3A_0 = arith.constant 0 : index
    %get3A_1 = vector.load %arg1[%get3A, %get3A_0] : memref<512x2880xf32, #tpu.memory_space<vmem>>, vector<512x2880xf32>
    %get3A_2 = arith.constant 0 : index
    %get3A_3 = arith.constant 0 : index
    %get3A_4 = vector.load %arg2[%get3A_2, %get3A_3] : memref<32x2880xf32, #tpu.memory_space<vmem>>, vector<32x2880xf32>
    %dot_general3A = arith.constant dense<0.000000e+00> : vector<32x512xf32>
    %dot_general3A_5 = tpu.matmul %get3A_4, %get3A_1, %dot_general3A {dimension_numbers = #tpu.dot_dimension_numbers<[1], [1], [0], [0], [0, 0, 1, 0], [], []>, transpose_lhs_hint = false} : vector<32x2880xf32>, vector<512x2880xf32>, vector<32x512xf32> -> vector<32x512xf32>
    %get3A_6 = arith.constant 0 : index
    %get3A_7 = arith.constant 0 : index
    %get3A_8 = vector.load %arg3[%get3A_6, %get3A_7] : memref<32x1xf32, #tpu.memory_space<vmem>>, vector<32x1xf32>
    %add3A = vector.broadcast %get3A_8 : vector<32x1xf32> to vector<32x512xf32>
    %add3A_9 = arith.addf %dot_general3A_5, %add3A : vector<32x512xf32>
    %slice3A = vector.extract_strided_slice %add3A_9 {offsets = [0, 0], sizes = [32, 128], strides = [1, 1]} : vector<32x512xf32> to vector<32x128xf32>
    %swap3A = arith.constant 0 : index
    %swap3A_10 = arith.constant 0 : index
    %swap3A_11 = arith.constant 0 : index
    %swap3A_12 = vector.load %arg4[%swap3A, %swap3A_10, %swap3A_11] : memref<4x32x128xf32, #tpu.memory_space<vmem>>, vector<1x32x128xf32>
    %swap3A_13 = vector.shape_cast %swap3A_12 : vector<1x32x128xf32> to vector<32x128xf32>
    %swap3A_14 = vector.shape_cast %slice3A : vector<32x128xf32> to vector<1x32x128xf32>
    tpu.vector_store %arg4[%swap3A, %swap3A_10, %swap3A_11], %swap3A_14 {strides = array<i32>} : memref<4x32x128xf32, #tpu.memory_space<vmem>>, vector<1x32x128xf32>,
    %slice3A_15 = vector.extract_strided_slice %add3A_9 {offsets = [0, 128], sizes = [32, 128], strides = [1, 1]} : vector<32x512xf32> to vector<32x128xf32>
    %swap3A_16 = arith.constant 1 : index
    %swap3A_17 = arith.constant 0 : index
    %swap3A_18 = arith.constant 0 : index
    %swap3A_19 = vector.load %arg4[%swap3A_16, %swap3A_17, %swap3A_18] : memref<4x32x128xf32, #tpu.memory_space<vmem>>, vector<1x32x128xf32>
    %swap3A_20 = vector.shape_cast %swap3A_19 : vector<1x32x128xf32> to vector<32x128xf32>
    %swap3A_21 = vector.shape_cast %slice3A_15 : vector<32x128xf32> to vector<1x32x128xf32>
    tpu.vector_store %arg4[%swap3A_16, %swap3A_17, %swap3A_18], %swap3A_21 {strides = array<i32>} : memref<4x32x128xf32, #tpu.memory_space<vmem>>, vector<1x32x128xf32>,
    %slice3A_22 = vector.extract_strided_slice %add3A_9 {offsets = [0, 256], sizes = [32, 128], strides = [1, 1]} : vector<32x512xf32> to vector<32x128xf32>
    %swap3A_23 = arith.constant 2 : index
    %swap3A_24 = arith.constant 0 : index
    %swap3A_25 = arith.constant 0 : index
    %swap3A_26 = vector.load %arg4[%swap3A_23, %swap3A_24, %swap3A_25] : memref<4x32x128xf32, #tpu.memory_space<vmem>>, vector<1x32x128xf32>
    %swap3A_27 = vector.shape_cast %swap3A_26 : vector<1x32x128xf32> to vector<32x128xf32>
    %swap3A_28 = vector.shape_cast %slice3A_22 : vector<32x128xf32> to vector<1x32x128xf32>
    tpu.vector_store %arg4[%swap3A_23, %swap3A_24, %swap3A_25], %swap3A_28 {strides = array<i32>} : memref<4x32x128xf32, #tpu.memory_space<vmem>>, vector<1x32x128xf32>,
    %slice3A_29 = vector.extract_strided_slice %add3A_9 {offsets = [0, 384], sizes = [32, 128], strides = [1, 1]} : vector<32x512xf32> to vector<32x128xf32>
    %swap3A_30 = arith.constant 3 : index
    %swap3A_31 = arith.constant 0 : index
    %swap3A_32 = arith.constant 0 : index
    %swap3A_33 = vector.load %arg4[%swap3A_30, %swap3A_31, %swap3A_32] : memref<4x32x128xf32, #tpu.memory_space<vmem>>, vector<1x32x128xf32>
    %swap3A_34 = vector.shape_cast %swap3A_33 : vector<1x32x128xf32> to vector<32x128xf32>
    %swap3A_35 = vector.shape_cast %slice3A_29 : vector<32x128xf32> to vector<1x32x128xf32>
    tpu.vector_store %arg4[%swap3A_30, %swap3A_31, %swap3A_32], %swap3A_35 {strides = array<i32>} : memref<4x32x128xf32, #tpu.memory_space<vmem>>, vector<1x32x128xf32>,
    return
  }
  func.func @transform_0(%arg0: i32) -> (i32, i32) {
    %add3A = arith.constant 8 : i32
    %add3A_0 = arith.addi %arg0, %add3A : i32
    %c0_i32 = arith.constant 0 : i32
    %c0_i32_1 = arith.constant 0 : i32
    return %add3A_0, %c0_i32 : i32, i32
  }
  func.func @transform_1(%arg0: i32) -> (i32, i32) {
    %c0_i32 = arith.constant 0 : i32
    %c0_i32_0 = arith.constant 0 : i32
    %c0_i32_1 = arith.constant 0 : i32
    return %c0_i32, %c0_i32_0 : i32, i32
  }
  func.func @transform_2(%arg0: i32) -> (i32, i32) {
    %c0_i32 = arith.constant 0 : i32
    %c0_i32_0 = arith.constant 0 : i32
    %c0_i32_1 = arith.constant 0 : i32
    return %c0_i32, %c0_i32_0 : i32, i32
  }
  func.func @transform_3(%arg0: i32) -> (i32, i32, i32) {
    %c0_i32 = arith.constant 0 : i32
    %c0_i32_0 = arith.constant 0 : i32
    %c0_i32_1 = arith.constant 0 : i32
    return %arg0, %c0_i32, %c0_i32_0 : i32, i32, i32
  }
}

</mosaic_0001>

<sc_bundles>
// kernel: kernel.6.cloned.1.call-start
scs
__scs_entry_jumppad:
0x0: {  	(pc) =	sbr.rel $0x88, $3  }
0x1: {  	(tag) =	ssettag $0x0;
	lr =	simm.s32 $0x1  }
0x2: {  	[smem:$0x3F9E] =	sst lr;
	_ =	strace $0xD0000000  }
0x3: {  	_ = 	snop  }
0x4: {  	_ = 	snop  }
0x5: {  	_ = 	snop  }
0x6: {  	_ = 	snop  }
0x7: {  	_ = 	snop  }
__scs_overlays_trampoline_lowered:
0x8: {  	[smem:$0x3FAD] =	sst s0  }
0x9: {  	[smem:$0x3FAE] =	sst s1  }
0xa: {  	[smem:$0x3FAF] =	sst s2  }
0xb: {  	[smem:$0x3FB0] =	sst s3  }
0xc: {  	[smem:$0x3FB1] =	sst s4  }
0xd: {  	[smem:$0x3FB2] =	sst s5  }
0xe: {  	[smem:$0x3FB3] =	sst s6  }
0xf: {  	[smem:$0x3FB4] =	sst s7  }
0x10: {  	[smem:$0x3FB5] =	sst s8  }
0x11: {  	[smem:$0x3FB6] =	sst s9;
	s0 =	simm.s32 @!p0 $0x0  }
0x12: {  	s1 =	sld [smem:$0x3F9C];
	s0 =	simm.s32 @p0 $0x1  }
0x13: {  	[smem:$0x3FB7] =	sst s0;
	s0 =	simm.s32 @!p1 $0x0  }
0x14: {  	s2 =	sld [smem:$0x3F9B];
	s0 =	simm.s32 @p1 $0x1  }
0x15: {  	[smem:$0x3FB8] =	sst s0;
	s0 =	simm.s32 @!p2 $0x0  }
0x16: {  	s3 =	sld [smem:$0x3FDB];
	s0 =	simm.s32 @p2 $0x1  }
0x17: {  	s4 =	simm.s32 $0x1BF5;
	[smem:$0x3FBA] =	sst s0  }
0x18: {  	s0 =	sld [smem:$0x3F9D];
	_ =	swait.ge [sflag:s4], $0x0  }
0x19: {  	s7 =	sld [smem:$0x3F9E]  }
0x1a: {  	s8 =	sadd.s32 $0xFFFFE003, lr  }
0x1b: {  	s9 =	sadd.s32 $0xFFFFFEF7, lr;
	s5 =	simm.s32 $0xFFFFFFFF;
	p2 =	slt.u32 s8, $0xFFFFF086  }
0x1c: {  	p1 =	slt.u32 s9, $0xF7A;
	s5 =	simm.s32 @!p2 $0x0  }
0x1d: {  	s5 =	simm.s32 @p1 $0x1;
	p0 =	seq.s32 s7, s2  }
0x1e: {  	s7 =	smul.u32 @!p0 $0xF7A, s2;
	p2 =	seq.s32 @!p0 s5, $0x0  }
0x1f: {  	s9 =	smul.u32 $0xF7A, s1;
	s8 =	simm.s32 @!p0 $0x1BF5;
	p2 =	por !p2, p0  }
0x20: {  	[sflag:s8] =	ssyncset.s32 @!p0 $0xFFFFF086;
	s6 =	sadd.s32 @!p0 s3, s7;
	s7 =	simm.s32 @!p0 $0x108  }
0x21: {  	s3 =	sadd.s32 s3, s9;
	s6 =	sadd.s32 @!p0 $0x88, s6;
	s7 =	simm.s32 @p2 $0x1082  }
0x22: {  	[simem:s7], [sflag:s8] =	dma.local @!p0 [hbm:s6], $0xF7A  }
0x23: {  	s9 =	sor.u32 $0xD0000000, s2;
	s6 =	simm.s32 $0x108;
	_ =	swait.ge @!p0 [sflag:s8], $0x0  }
0x24: {  	s3 =	sadd.s32 $0x88, s3;
	s6 =	simm.s32 @!p1 $0x1082;
	[sflag:s4] =	ssyncset.s32 $0xFFFFF086  }
0x25: {  	[simem:s6], [sflag:s4] =	dma.local [hbm:s3], $0xF7A  }
0x26: {  	[smem:$0x3F9E] =	sst s1;
	(tag) =	ssettag s2;
	_ =	strace s9  }
0x27: {  	s1 =	sld [smem:$0x3FAE]  }
0x28: {  	s2 =	sld [smem:$0x3FAF]  }
0x29: {  	s4 =	sld [smem:$0x3FB1]  }
0x2a: {  	p0 =	seq.s32 s5, $0x0;
	s5 =	sld [smem:$0x3FB2]  }
0x2b: {  	s6 =	sld [smem:$0x3FB3]  }
0x2c: {  	s7 =	sld [smem:$0x3FB4]  }
0x2d: {  	s3 =	simm.s32 $0x108;
	s8 =	sld [smem:$0x3FB5]  }
0x2e: {  	s3 =	simm.s32 @!p0 $0x1082;
	s9 =	sld [smem:$0x3FB6]  }
0x2f: {  	lr =	sadd.s32 s0, s3;
	s0 =	sld [smem:$0x3FAD]  }
0x30: {  	s3 =	sld [smem:$0x3FB0]  }
0x31: {  	[smem:$0x3FB9] =	sst s10  }
0x32: {  	s10 =	sld [smem:$0x3FB7];
	_ =	sdelay $0x3  }
0x33: {  	p0 =	seq.s32 s10, $0x1;
	s10 =	sld [smem:$0x3FB9];
	_ =	sdelay $0x3  }
0x34: {  	[smem:$0x3FB9] =	sst s10  }
0x35: {  	s10 =	sld [smem:$0x3FB8];
	_ =	sdelay $0x3  }
0x36: {  	p1 =	seq.s32 s10, $0x1;
	s10 =	sld [smem:$0x3FB9];
	_ =	sdelay $0x3  }
0x37: {  	[smem:$0x3FB9] =	sst s10  }
0x38: {  	s10 =	sld [smem:$0x3FBA]  }
0x39: {  	_ = 	snop;
	(pc) =	sbr.ind lr, $3  }
0x3a: {  	_ = 	snop  }
0x3b: {  	_ = 	snop  }
0x3c: {  	p2 =	seq.s32 s10, $0x1;
	s10 =	sld [smem:$0x3FB9]  }
0x3d: {  	_ =	shalt  }
0x3e: {  	_ =	shalt  }
0x3f: {  	_ =	shalt  }
0x40: {  	_ =	shalt  }
0x41: {  	_ =	shalt  }
0x42: {  	_ =	shalt  }
0x43: {  	_ =	shalt  }
0x44: {  	_ =	shalt  }
0x45: {  	_ =	shalt  }
0x46: {  	_ =	shalt  }
0x47: {  	_ =	shalt  }
0x48: {  	_ =	shalt  }
0x49: {  	_ =	shalt  }
0x4a: {  	_ =	shalt  }
0x4b: {  	_ =	shalt  }
0x4c: {  	_ =	shalt  }
0x4d: {  	_ =	shalt  }
0x4e: {  	_ =	shalt  }
0x4f: {  	_ =	shalt  }
0x50: {  	_ =	shalt  }
0x51: {  	_ =	shalt  }
0x52: {  	_ =	shalt  }
0x53: {  	_ =	shalt  }
0x54: {  	_ =	shalt  }
0x55: {  	_ =	shalt  }
0x56: {  	_ =	shalt  }
0x57: {  	_ =	shalt  }
0x58: {  	_ =	shalt  }
0x59: {  	_ =	shalt  }
0x5a: {  	_ =	shalt  }
0x5b: {  	_ =	shalt  }
0x5c: {  	_ =	shalt  }
0x5d: {  	_ =	shalt  }
0x5e: {  	_ =	shalt  }
0x5f: {  	_ =	shalt  }
0x60: {  	_ =	shalt  }
0x61: {  	_ =	shalt  }
0x62: {  	_ =	shalt  }
0x63: {  	_ =	shalt  }
0x64: {  	_ =	shalt  }
0x65: {  	_ =	shalt  }
0x66: {  	_ =	shalt  }
0x67: {  	_ =	shalt  }
0x68: {  	_ =	shalt  }
0x69: {  	_ =	shalt  }
0x6a: {  	_ =	shalt  }
0x6b: {  	_ =	shalt  }
0x6c: {  	_ =	shalt  }
0x6d: {  	_ =	shalt  }
0x6e: {  	_ =	shalt  }
0x6f: {  	_ =	shalt  }
0x70: {  	_ =	shalt  }
0x71: {  	_ =	shalt  }
0x72: {  	_ =	shalt  }
0x73: {  	_ =	shalt  }
0x74: {  	_ =	shalt  }
0x75: {  	_ =	shalt  }
0x76: {  	_ =	shalt  }
0x77: {  	_ =	shalt  }
0x78: {  	_ =	shalt  }
0x79: {  	_ =	shalt  }
0x7a: {  	_ =	shalt  }
0x7b: {  	_ =	shalt  }
0x7c: {  	_ =	shalt  }
0x7d: {  	_ =	shalt  }
0x7e: {  	_ =	shalt  }
0x7f: {  	_ =	shalt  }
0x80: {  	_ =	shalt  }
0x81: {  	_ =	shalt  }
0x82: {  	_ =	shalt  }
0x83: {  	_ =	shalt  }
0x84: {  	_ =	shalt  }
0x85: {  	_ =	shalt  }
0x86: {  	_ =	shalt  }
0x87: {  	_ =	shalt  }
.Lfunc_end0:
.L_simem_size_0:
called_computation_lowered:
.L_overlay_start_0:
0x88: {  	s2 =	sld [smem:$0x3FD9]  }
0x89: {  	s3 =	sld [smem:$0x3FFE];
	_ =	sdelay $0x1  }
0x8a: {  	s1 =	srdreg.scid  }
0x8b: {  	s0 =	sand.u32 $0x1, s1  }
0x8c: {  	s16 =	sshll.u32 s0, $0xA;
	s2 =	sadd.s32 s3, s2  }
0x8d: {  	s2 =	sadd.s32 s2, s16  }
0x8e: {  	[smem:$0x3FC5] =	sst s2  }
0x8f: {  	_ = 	snop  }
0x90: {  	(tm) =	ssettm $0x1  }
0x91: {  	s17 =	sld [smem:$0x3FFB];
	_ =	sdelay $0x3  }
0x92: {  	_ =	strace s17  }
0x93: {  	s2 =	sld [smem:$0x3FFC];
	_ =	sdelay $0x3  }
0x94: {  	_ =	strace s2  }
0x95: {  	s2 =	sld [smem:$0x3FFD];
	_ =	sdelay $0x3  }
0x96: {  	_ =	strace s2  }
0x97: {  	_ =	strace $0x8FFFFFFF  }
0x98: {  	s18 =	sld [smem:$0x3FDB];
	_ =	sdelay $0x1  }
0x99: {  	s19 =	simm.s32 $_scs_section_size  }
0x9a: {  	s4 =	simm.s32 $_size__tile_overlayer_lowered;
	s5 =	simm.s32 $_tile_overlayer_lowered  }
0x9b: {  	s22 =	simm.s32 $0x1BFF;
	s21 =	sshll.u32 s5, $0x1;
	s2 =	sadd.s32 s19, s18  }
0x9c: {  	s6 =	simm.s32 $0x0;
	s20 =	sshll.u32 s4, $0x1;
	s4 =	sadd.s32 s21, s2  }
0x9d: {  	[timem:s6], [sflag:s22] =	dma.local [hbm:s4], s20  }
0x9e: {  	_ =	swait.ge [sflag:s22], s20  }
0x9f: {  	s3 =	ssub.s32 $0x0, s20;
	[sflag:s22] =	ssyncset.done $0x0  }
0xa0: {  	[sflag:s22] =	ssyncadd.s32 s3;
	_ =	sdelay $0x1  }
0xa1: {  	s23 =	simm.s32 $0x1B8B  }
0xa2: {  	_ =	swait.ge [sflag:s23], $0x1  }
0xa3: {  	[sflag:s23] =	ssyncset.done $0x0  }
0xa4: {  	s25 =	simm.s32 $0x1B8E;
	s24 =	sld [smem:$0x3FFE];
	[sflag:s23] =	ssyncadd.s32 $0xFFFFFFFF  }
0xa5: {  	s26 =	simm.s32 $execute0_lowered;
	[smem:$0x3FD2] =	sst s25  }
0xa6: {  	s4 =	sshll.u32 s26, $0x1;
	_ =	strace $0x80000046;
	[dreg:$0x1] =	wrdreg $0xFFFFFFFF  }
0xa7: {  	s28 =	simm.s32 $_size_execute0_lowered;
	s2 =	sadd.s32 s2, s4;
	[dreg:$0x0] =	wrdreg $0x0  }
0xa8: {  	s4 =	sshll.u32 s28, $0x1;
	[dreg:$0x2] =	wrdreg s2  }
0xa9: {  	[dreg:$0x3] =	wrdreg s4  }
0xaa: {  	[dreg:$0x4] =	wrdreg $0xC0  }
0xab: {  	_ =	task [dreg:s6], $0x5FFFF  }
0xac: {  	[dreg:$0x1] =	wrdreg $0xFFFFFFFF  }
0xad: {  	[dreg:$0x0] =	wrdreg $0x60  }
0xae: {  	[dreg:$0x2] =	wrdreg s24  }
0xaf: {  	[dreg:$0x3] =	wrdreg $0x9  }
0xb0: {  	_ =	task.clear_ibuf [dreg:s6], $0x4FFFF;
	_ =	strace $0x90000046  }
0xb1: {  	s29 =	simm.s32 $0x9;
	_ =	strace $0x80000048  }
0xb2: {  	_ =	swait.ge [sflag:s29], $0x1  }
0xb3: {  	[sflag:s29] =	ssyncadd.s32 $0xFFFFFFFF  }
0xb4: {  	_ =	strace $0x90000048  }
0xb5: {  	_ =	sfence  }
0xb6: {  	s30 =	sld [smem:$0x0];
	_ =	sdelay $0x2  }
0xb7: {  	s31 =	sshll.u32 s1, $0xD;
	s1 =	sshrl.u32 s1, $0x2  }
0xb8: {  	s3 =	sand.u32 $0x4000, s31;
	s1 =	sadd.s32 s1, s30  }
0xb9: {  	s0 =	sor.u32 s3, s0;
	s1 =	sshll.u32 s1, $0x11  }
0xba: {  	s0 =	sor.u32 s1, s0  }
0xbb: {  	s0 =	sadd.s32 $0x8F2B, s0  }
0xbc: {  	[sflag:s0] =	ssyncadd.remote.s32 $0x1  }
0xbd: {  	_ =	sfence.sel $0xFFFF  }
0xbe: {  	[dreg:$0x0] =	wrdreg $0xFFFFFFFF;
	(pc) =	sbr.abs _section_cstart, $3  }
0xbf: {  	[dreg:$0x1] =	wrdreg $0xFFFFFFFF  }
0xc0: {  	_ =	task.clear_ibuf [dreg:s6], $0x2FFFF;
	_ =	strace $0x9FFFFFFF  }
0xc1: {  	(tm) =	ssettm $0x7FFFFFFF  }
tec
execute0_lowered:
.L_overlay_start_1:
0x0: {  	(tag) =	ssettag $0x1  }
0x1: {  	s3 =	rddreg [dreg:$0x0]  }
0x2: {  	s0 =	rddreg [dreg:$0x1]  }
0x3: {  	s2 =	simm.s32 $0x0;
	s4 =	srdreg.scid;
	s1 =	stileid.u32  }
0x4: {  	s8 =	simm.s32 $0x1000;
	s9 =	simm.s32 $0x5000;
	s10 =	simm.s32 $0x2  }
0x5: {  	[smem:$0x7FF] =	sst s2;
	s4 =	sand.u32 $0x1, s4;
	s5 =	sshll.u32 s1, $0x1  }
0x6: {  	s11 =	simm.s32 $0x0;
	_ =	strace $0x80000047;
	s5 =	sor.u32 s4, s5  }
0x7: {  	s4 =	ssub.s32 $0x2, s4;
	s6 =	sshll.u32 s5, $0x9;
	s5 =	sshll.u32 s5, $0xB  }
0x8: {  	s7 =	sshrl.u32 s4, $0x1;
	s6 =	sadd.s32 s6, s3;
	s5 =	sadd.s32 s5, s3  }
0x9: {  	v2 =	vlaneseq.u32;
	s7 =	ssub.s32 s4, s7;
	s3 =	sadd.s32 $0x321A00, s6;
	s4 =	sadd.s32 $0x1A00, s5  }
0xa: {  	v0 =	vimm.f32 $0.0e+00;
	v1 =	vimm.s32 $0x0;
	v2 =	vmul.u32 $0x80, v2;
	s5 =	sadd.s32 $0x21A00, s5;
	s6 =	smax.u32 s7, $0x1;
	s7 =	simm.s32 $0x1  }
.LBB2_1:
0xb: {  	[tilespmem:s2], [sflag:$0x1] =	stream.linear.gather [hbm4b:s3+s2], $0x1000, $0x38;
	[tilespmem:$0x9000] =	vst v63  }
0xc: {  	s12 =	simm.s32 $0x200;
	s13 =	simm.s32 $0x0  }
.LBB2_2:
0xd: {  	p0 =	sne.s32 s12, $0xFE00;
	[tilespmem:s13+$0x1000] =	vst v0;
	s14 =	smov.u32 s12;
	s12 =	sadd.s32 $0x200, s12  }
.Ltmp0:
0xe: {  	[tilespmem:s13+$0x1010] =	vst v0;
	(pc) =	sbr.rel @p0 .LBB2_2-.Ltmp0, $2  }
0xf: {  	_ =	sdelay $0x2  }
0x10: {  	s13 =	sshra.s32 s14, $0x2  }
0x11: {  	[tilespmem:s13+$0x1000] =	vst v0  }
0x12: {  	[tilespmem:s13+$0x1010] =	vst v0  }
0x13: {  	_ =	swait.ge [sflag:s7], $0x1000  }
0x14: {  	[sflag:s7] =	ssyncset.done $0x0  }
0x15: {  	s12 =	simm.s32 $0x0;
	s13 =	simm.s32 $0x800;
	[sflag:s7] =	ssyncadd.s32 $0xFFFFF000  }
.LBB2_4:
0x16: {  	v3 =	vld [tilespmem:s13+$0xFFFFF880]  }
0x17: {  	v4 =	vld [tilespmem:s13+$0xFFFFF800]  }
0x18: {  	v5 =	vld [tilespmem:s13+$0xFFFFF900]  }
0x19: {  	v7 =	vld [tilespmem:s13+$0xFFFFF980];
	_ =	sdelay $0x2  }
0x1a: {  	v16 =	vimm.s32 $0x0;
	vm0 =	vlt.f32 v3, $-Inf  }
0x1b: {  	vm1 =	vgt.f32 v3, $-Inf;
	vm2 =	vgt.f32 v3, v4;
	vm10 =	vlt.f32 v5, $-Inf  }
0x1c: {  	vm11 =	vgt.f32 v5, $-Inf;
	vm8 =	vlt.f32 v7, $-Inf;
	vm3 =	vgt.f32 v7, $-Inf  }
0x1d: {  	vm0 =	vmor vm1, vm0;
	vm9 =	vmneg vm2;
	v28 =	vsel vm2, $0x1, v1  }
0x1e: {  	vm1 =	vmor vm11, vm10;
	v6 =	vnsel vm0, $0xFF800000, v3;
	v3 =	vsel vm2, v3, v4  }
0x1f: {  	vm0 =	vmand vm0, vm9;
	v10 =	vnsel vm1, $0xFF800000, v5;
	v11 =	vsel vm1, $0x2, v1  }
0x20: {  	v4 =	vsel vm2, v4, v6;
	v8 =	vsel vm0, $0x1, v1;
	vm13 =	vgt.f32 v5, v3  }
0x21: {  	vm2 =	vmor vm3, vm8;
	vm12 =	vgt.f32 v5, v4;
	v29 =	vsel vm13, $0x2, v28  }
0x22: {  	v36 =	vsel vm2, $0x3, v1;
	v9 =	vsel vm12, v5, v4;
	v5 =	vsel vm13, v5, v3  }
0x23: {  	v4 =	vsel vm12, v4, v10;
	v30 =	vsel vm12, $0x2, v8;
	v8 =	vsel vm12, v8, v11  }
0x24: {  	v32 =	vld [tilespmem:s13+$0xFFFFFA00];
	v3 =	vsel vm13, v3, v9;
	v6 =	vsel vm13, v28, v30;
	vm14 =	vgt.f32 v7, v5  }
0x25: {  	vm4 =	vgt.f32 v7, v4;
	vm15 =	vgt.f32 v7, v3;
	v31 =	vsel vm14, v7, v5  }
0x26: {  	v13 =	vsel vm4, v7, v4;
	v33 =	vsel vm14, $0x3, v29;
	v35 =	vsel vm4, $0x3, v8  }
0x27: {  	v38 =	vld [tilespmem:s13+$0xFFFFFA80];
	v8 =	vsel vm4, v8, v36;
	v12 =	vsel vm15, v7, v3;
	v7 =	vnsel vm2, $0xFF800000, v7  }
0x28: {  	v3 =	vsel vm15, v3, v13;
	v34 =	vsel vm15, $0x3, v6;
	v6 =	vsel vm15, v6, v35  }
0x29: {  	vm9 =	vgt.f32 v32, v31;
	v5 =	vsel vm14, v5, v12;
	v4 =	vsel vm4, v4, v7  }
0x2a: {  	v9 =	vsel vm14, v29, v34;
	vm11 =	vgt.f32 v32, v3;
	v37 =	vsel vm9, v32, v31  }
0x2b: {  	v39 =	vsel vm9, $0x4, v33;
	vm10 =	vgt.f32 v32, v5;
	vm12 =	vgt.f32 v32, v4  }
0x2c: {  	v43 =	vld [tilespmem:s13+$0xFFFFFB00];
	v15 =	vsel vm11, v32, v3;
	v41 =	vsel vm11, $0x4, v6;
	vm13 =	vgt.f32 v38, v37  }
0x2d: {  	v14 =	vsel vm10, v32, v5;
	v4 =	vsel vm12, v32, v4;
	v5 =	vsel vm10, v5, v15  }
0x2e: {  	v40 =	vsel vm10, $0x4, v9;
	v9 =	vsel vm10, v9, v41;
	v8 =	vsel vm12, $0x4, v8  }
0x2f: {  	v42 =	vsel vm13, v38, v37;
	v45 =	vsel vm13, $0x5, v39;
	v10 =	vsel vm9, v31, v14  }
0x30: {  	v49 =	vld [tilespmem:s13+$0xFFFFFB80];
	v3 =	vsel vm11, v3, v4;
	v7 =	vsel vm9, v33, v40;
	v6 =	vsel vm11, v6, v8  }
0x31: {  	vm15 =	vgt.f32 v38, v5;
	vm7 =	vgt.f32 v43, v42;
	vm14 =	vgt.f32 v38, v10  }
0x32: {  	vm6 =	vgt.f32 v38, v3;
	v15 =	vsel vm15, v38, v5;
	v47 =	vsel vm15, $0x5, v9  }
0x33: {  	v48 =	vsel vm7, v43, v42;
	v52 =	vsel vm7, $0x6, v45;
	v44 =	vsel vm14, v38, v10  }
0x34: {  	v56 =	vld [tilespmem:s13+$0xFFFFFC00];
	v3 =	vsel vm6, v38, v3;
	v10 =	vsel vm14, v10, v15;
	v46 =	vsel vm14, $0x5, v7  }
0x35: {  	v7 =	vsel vm14, v7, v47;
	v6 =	vsel vm6, $0x5, v6;
	vm11 =	vgt.f32 v49, v48  }
0x36: {  	v12 =	vsel vm13, v37, v44;
	v3 =	vsel vm15, v5, v3;
	v4 =	vsel vm13, v39, v46  }
0x37: {  	v6 =	vsel vm15, v9, v6;
	vm9 =	vgt.f32 v43, v10;
	v55 =	vsel vm11, v49, v48  }
0x38: {  	v58 =	vsel vm11, $0x7, v52;
	vm8 =	vgt.f32 v43, v12;
	vm10 =	vgt.f32 v43, v3  }
0x39: {  	v62 =	vld [tilespmem:s13+$0xFFFFFC80];
	v15 =	vsel vm9, v43, v10;
	v54 =	vsel vm9, $0x6, v7;
	vm15 =	vgt.f32 v56, v55  }
0x3a: {  	v50 =	vsel vm8, v43, v12;
	v3 =	vsel vm10, v43, v3;
	v51 =	vsel vm8, v12, v15  }
0x3b: {  	v53 =	vsel vm8, $0x6, v4;
	v4 =	vsel vm8, v4, v54;
	v6 =	vsel vm10, $0x6, v6  }
0x3c: {  	v61 =	vsel vm15, v56, v55;
	v18 =	vsel vm15, $0x8, v58;
	v8 =	vsel vm7, v42, v50  }
0x3d: {  	v3 =	vsel vm9, v10, v3;
	v5 =	vsel vm7, v45, v53;
	v6 =	vsel vm9, v7, v6  }
0x3e: {  	vm13 =	vgt.f32 v49, v51;
	vm9 =	vgt.f32 v62, v61;
	vm12 =	vgt.f32 v49, v8  }
0x3f: {  	v22 =	vld [tilespmem:s13+$0xFFFFFD00];
	vm14 =	vgt.f32 v49, v3;
	v15 =	vsel vm13, v49, v51;
	v60 =	vsel vm13, $0x7, v4  }
0x40: {  	v21 =	vsel vm9, v62, v61;
	v24 =	vsel vm9, $0x9, v18;
	v57 =	vsel vm12, v49, v8  }
0x41: {  	v3 =	vsel vm14, v49, v3;
	v8 =	vsel vm12, v8, v15;
	v59 =	vsel vm12, $0x7, v5  }
0x42: {  	v5 =	vsel vm12, v5, v60;
	v6 =	vsel vm14, $0x7, v6;
	v9 =	vsel vm11, v48, v57  }
0x43: {  	v3 =	vsel vm13, v51, v3;
	v10 =	vsel vm11, v52, v59;
	v4 =	vsel vm13, v4, v6  }
0x44: {  	vm7 =	vgt.f32 v56, v8;
	vm13 =	vgt.f32 v22, v21;
	vm6 =	vgt.f32 v56, v9  }
0x45: {  	v28 =	vld [tilespmem:s13+$0xFFFFFD80];
	vm8 =	vgt.f32 v56, v3;
	v15 =	vsel vm7, v56, v8;
	v20 =	vsel vm7, $0x8, v5  }
0x46: {  	v27 =	vsel vm13, v22, v21;
	v30 =	vsel vm13, $0xA, v24;
	v63 =	vsel vm6, v56, v9  }
0x47: {  	v3 =	vsel vm8, v56, v3;
	v9 =	vsel vm6, v9, v15;
	v19 =	vsel vm6, $0x8, v10  }
0x48: {  	v10 =	vsel vm6, v10, v20;
	v4 =	vsel vm8, $0x8, v4;
	v7 =	vsel vm15, v55, v63  }
0x49: {  	v3 =	vsel vm7, v8, v3;
	v11 =	vsel vm15, v58, v19;
	v4 =	vsel vm7, v5, v4  }
0x4a: {  	vm11 =	vgt.f32 v62, v9;
	vm7 =	vgt.f32 v28, v27;
	vm10 =	vgt.f32 v62, v7  }
0x4b: {  	v34 =	vld [tilespmem:s13+$0xFFFFFE00];
	vm12 =	vgt.f32 v62, v3;
	v15 =	vsel vm11, v62, v9;
	v26 =	vsel vm11, $0x9, v10  }
0x4c: {  	v33 =	vsel vm7, v28, v27;
	v36 =	vsel vm7, $0xB, v30;
	v23 =	vsel vm10, v62, v7  }
0x4d: {  	v3 =	vsel vm12, v62, v3;
	v7 =	vsel vm10, v7, v15;
	v25 =	vsel vm10, $0x9, v11  }
0x4e: {  	v11 =	vsel vm10, v11, v26;
	v4 =	vsel vm12, $0x9, v4;
	v6 =	vsel vm9, v61, v23  }
0x4f: {  	v3 =	vsel vm11, v9, v3;
	v8 =	vsel vm9, v18, v25;
	v4 =	vsel vm11, v10, v4  }
0x50: {  	vm15 =	vgt.f32 v22, v7;
	vm11 =	vgt.f32 v34, v33;
	vm14 =	vgt.f32 v22, v6  }
0x51: {  	v40 =	vld [tilespmem:s13+$0xFFFFFE80];
	vm6 =	vgt.f32 v22, v3;
	v15 =	vsel vm15, v22, v7;
	v32 =	vsel vm15, $0xA, v11  }
0x52: {  	v39 =	vsel vm11, v34, v33;
	v42 =	vsel vm11, $0xC, v36;
	v29 =	vsel vm14, v22, v6  }
0x53: {  	v3 =	vsel vm6, v22, v3;
	v6 =	vsel vm14, v6, v15;
	v31 =	vsel vm14, $0xA, v8  }
0x54: {  	v8 =	vsel vm14, v8, v32;
	v4 =	vsel vm6, $0xA, v4;
	v5 =	vsel vm13, v21, v29  }
0x55: {  	v3 =	vsel vm15, v7, v3;
	v9 =	vsel vm13, v24, v31;
	v4 =	vsel vm15, v11, v4  }
0x56: {  	vm9 =	vgt.f32 v28, v6;
	vm15 =	vgt.f32 v40, v39;
	vm8 =	vgt.f32 v28, v5  }
0x57: {  	v46 =	vld [tilespmem:s13+$0xFFFFFF00];
	vm10 =	vgt.f32 v28, v3;
	v15 =	vsel vm9, v28, v6;
	v38 =	vsel vm9, $0xB, v8  }
0x58: {  	v45 =	vsel vm15, v40, v39;
	v48 =	vsel vm15, $0xD, v42;
	v35 =	vsel vm8, v28, v5  }
0x59: {  	v3 =	vsel vm10, v28, v3;
	v5 =	vsel vm8, v5, v15;
	v37 =	vsel vm8, $0xB, v9  }
0x5a: {  	v9 =	vsel vm8, v9, v38;
	v4 =	vsel vm10, $0xB, v4;
	v10 =	vsel vm7, v27, v35  }
0x5b: {  	v3 =	vsel vm9, v6, v3;
	v7 =	vsel vm7, v30, v37;
	v4 =	vsel vm9, v8, v4  }
0x5c: {  	vm13 =	vgt.f32 v34, v5;
	vm9 =	vgt.f32 v46, v45;
	vm12 =	vgt.f32 v34, v10  }
0x5d: {  	v52 =	vld [tilespmem:s13+$0xFFFFFF80];
	vm14 =	vgt.f32 v34, v3;
	v15 =	vsel vm13, v34, v5;
	v44 =	vsel vm13, $0xC, v9  }
0x5e: {  	v51 =	vsel vm9, v46, v45;
	v54 =	vsel vm9, $0xE, v48;
	v41 =	vsel vm12, v34, v10  }
0x5f: {  	v3 =	vsel vm14, v34, v3;
	v10 =	vsel vm12, v10, v15;
	v43 =	vsel vm12, $0xC, v7  }
0x60: {  	v7 =	vsel vm12, v7, v44;
	v4 =	vsel vm14, $0xC, v4;
	v11 =	vsel vm11, v33, v41  }
0x61: {  	v3 =	vsel vm13, v5, v3;
	v6 =	vsel vm11, v36, v43;
	v4 =	vsel vm13, v9, v4  }
0x62: {  	vm7 =	vgt.f32 v40, v10;
	vm13 =	vgt.f32 v52, v51;
	vm6 =	vgt.f32 v40, v11  }
0x63: {  	v58 =	vld [tilespmem:s13+$0x0];
	vm8 =	vgt.f32 v40, v3;
	v15 =	vsel vm7, v40, v10;
	v50 =	vsel vm7, $0xD, v7  }
0x64: {  	v57 =	vsel vm13, v52, v51;
	v60 =	vsel vm13, $0xF, v54;
	v47 =	vsel vm6, v40, v11  }
0x65: {  	v3 =	vsel vm8, v40, v3;
	v11 =	vsel vm6, v11, v15;
	v49 =	vsel vm6, $0xD, v6  }
0x66: {  	v6 =	vsel vm6, v6, v50;
	v4 =	vsel vm8, $0xD, v4;
	v8 =	vsel vm15, v39, v47  }
0x67: {  	v3 =	vsel vm7, v10, v3;
	v5 =	vsel vm15, v42, v49;
	v4 =	vsel vm7, v7, v4  }
0x68: {  	vm11 =	vgt.f32 v46, v11;
	vm7 =	vgt.f32 v58, v57;
	vm10 =	vgt.f32 v46, v8  }
0x69: {  	v18 =	vld [tilespmem:s13+$0x80];
	vm12 =	vgt.f32 v46, v3;
	v15 =	vsel vm11, v46, v11;
	v56 =	vsel vm11, $0xE, v6  }
0x6a: {  	v63 =	vsel vm7, v58, v57;
	v20 =	vsel vm7, $0x10, v60;
	v53 =	vsel vm10, v46, v8  }
0x6b: {  	v3 =	vsel vm12, v46, v3;
	v8 =	vsel vm10, v8, v15;
	v55 =	vsel vm10, $0xE, v5  }
0x6c: {  	v5 =	vsel vm10, v5, v56;
	v4 =	vsel vm12, $0xE, v4;
	v9 =	vsel vm9, v45, v53  }
0x6d: {  	v3 =	vsel vm11, v11, v3;
	v10 =	vsel vm9, v48, v55;
	v4 =	vsel vm11, v6, v4  }
0x6e: {  	vm15 =	vgt.f32 v52, v8;
	vm11 =	vgt.f32 v18, v63;
	vm14 =	vgt.f32 v52, v9  }
0x6f: {  	v24 =	vld [tilespmem:s13+$0x100];
	vm6 =	vgt.f32 v52, v3;
	v15 =	vsel vm15, v52, v8;
	v62 =	vsel vm15, $0xF, v5  }
0x70: {  	v23 =	vsel vm11, v18, v63;
	v26 =	vsel vm11, $0x11, v20;
	v59 =	vsel vm14, v52, v9  }
0x71: {  	v3 =	vsel vm6, v52, v3;
	v9 =	vsel vm14, v9, v15;
	v61 =	vsel vm14, $0xF, v10  }
0x72: {  	v10 =	vsel vm14, v10, v62;
	v4 =	vsel vm6, $0xF, v4;
	v7 =	vsel vm13, v51, v59  }
0x73: {  	v3 =	vsel vm15, v8, v3;
	v11 =	vsel vm13, v54, v61;
	v4 =	vsel vm15, v5, v4  }
0x74: {  	vm9 =	vgt.f32 v58, v9;
	vm15 =	vgt.f32 v24, v23;
	v59 =	vimm.s32 $0x0  }
0x75: {  	v61 =	vimm.s32 $0x0;
	vm8 =	vgt.f32 v58, v7;
	vm10 =	vgt.f32 v58, v3  }
0x76: {  	v30 =	vld [tilespmem:s13+$0x180];
	v15 =	vsel vm9, v58, v9;
	v22 =	vsel vm9, $0x10, v10;
	v29 =	vsel vm15, v24, v23  }
0x77: {  	v32 =	vsel vm15, $0x12, v26;
	v19 =	vsel vm8, v58, v7;
	v3 =	vsel vm10, v58, v3  }
0x78: {  	v7 =	vsel vm8, v7, v15;
	v21 =	vsel vm8, $0x10, v11;
	v11 =	vsel vm8, v11, v22  }
0x79: {  	v4 =	vsel vm10, $0x10, v4;
	v22 =	vimm.s32 $0x0;
	v6 =	vsel vm7, v57, v19  }
0x7a: {  	v3 =	vsel vm9, v9, v3;
	v8 =	vsel vm7, v60, v21;
	v4 =	vsel vm9, v10, v4  }
0x7b: {  	vm13 =	vgt.f32 v18, v7;
	vm9 =	vgt.f32 v30, v29;
	v60 =	vimm.s32 $0x0  }
0x7c: {  	v19 =	vimm.s32 $0x0;
	v21 =	vimm.s32 $0x0;
	vm12 =	vgt.f32 v18, v6  }
0x7d: {  	v36 =	vld [tilespmem:s13+$0x200];
	vm14 =	vgt.f32 v18, v3;
	v15 =	vsel vm13, v18, v7;
	v28 =	vsel vm13, $0x11, v11  }
0x7e: {  	v35 =	vsel vm9, v30, v29;
	v38 =	vsel vm9, $0x13, v32;
	v25 =	vsel vm12, v18, v6  }
0x7f: {  	v3 =	vsel vm14, v18, v3;
	v6 =	vsel vm12, v6, v15;
	v27 =	vsel vm12, $0x11, v8  }
0x80: {  	v8 =	vsel vm12, v8, v28;
	v4 =	vsel vm14, $0x11, v4;
	v28 =	vimm.s32 $0x0  }
0x81: {  	v5 =	vsel vm11, v63, v25;
	v3 =	vsel vm13, v7, v3;
	v9 =	vsel vm11, v20, v27  }
0x82: {  	v4 =	vsel vm13, v11, v4;
	vm7 =	vgt.f32 v24, v6;
	vm13 =	vgt.f32 v36, v35  }
0x83: {  	v20 =	vimm.s32 $0x0;
	v27 =	vimm.s32 $0x0;
	vm6 =	vgt.f32 v24, v5  }
0x84: {  	v42 =	vld [tilespmem:s13+$0x280];
	vm8 =	vgt.f32 v24, v3;
	v15 =	vsel vm7, v24, v6;
	v34 =	vsel vm7, $0x12, v8  }
0x85: {  	v41 =	vsel vm13, v36, v35;
	v44 =	vsel vm13, $0x14, v38;
	v31 =	vsel vm6, v24, v5  }
0x86: {  	v3 =	vsel vm8, v24, v3;
	v5 =	vsel vm6, v5, v15;
	v33 =	vsel vm6, $0x12, v9  }
0x87: {  	v9 =	vsel vm6, v9, v34;
	v4 =	vsel vm8, $0x12, v4;
	v34 =	vimm.s32 $0x0  }
0x88: {  	v10 =	vsel vm15, v23, v31;
	v3 =	vsel vm7, v6, v3;
	v7 =	vsel vm15, v26, v33  }
0x89: {  	v4 =	vsel vm7, v8, v4;
	vm11 =	vgt.f32 v30, v5;
	vm7 =	vgt.f32 v42, v41  }
0x8a: {  	v26 =	vimm.s32 $0x0;
	v33 =	vimm.s32 $0x0;
	vm10 =	vgt.f32 v30, v10  }
0x8b: {  	v48 =	vld [tilespmem:s13+$0x300];
	vm12 =	vgt.f32 v30, v3;
	v15 =	vsel vm11, v30, v5;
	v40 =	vsel vm11, $0x13, v9  }
0x8c: {  	v47 =	vsel vm7, v42, v41;
	v50 =	vsel vm7, $0x15, v44;
	v37 =	vsel vm10, v30, v10  }
0x8d: {  	v3 =	vsel vm12, v30, v3;
	v10 =	vsel vm10, v10, v15;
	v39 =	vsel vm10, $0x13, v7  }
0x8e: {  	v7 =	vsel vm10, v7, v40;
	v4 =	vsel vm12, $0x13, v4;
	v30 =	vimm.s32 $0x0  }
0x8f: {  	v54 =	vld [tilespmem:s13+$0x380];
	v11 =	vsel vm9, v29, v37;
	v3 =	vsel vm11, v5, v3;
	v6 =	vsel vm9, v32, v39  }
0x90: {  	v4 =	vsel vm11, v9, v4;
	vm15 =	vgt.f32 v36, v10;
	vm11 =	vgt.f32 v48, v47  }
0x91: {  	vm14 =	vgt.f32 v36, v11;
	vm6 =	vgt.f32 v36, v3;
	v15 =	vsel vm15, v36, v10  }
0x92: {  	v46 =	vsel vm15, $0x14, v7;
	v53 =	vsel vm11, v48, v47;
	v43 =	vsel vm14, v36, v11  }
0x93: {  	v3 =	vsel vm6, v36, v3;
	v11 =	vsel vm14, v11, v15;
	v45 =	vsel vm14, $0x14, v6  }
0x94: {  	v6 =	vsel vm14, v6, v46;
	v4 =	vsel vm6, $0x14, v4;
	vm4 =	vgt.f32 v54, v53  }
0x95: {  	v36 =	vimm.s32 $0x0;
	v8 =	vsel vm13, v35, v43;
	v3 =	vsel vm15, v10, v3  }
0x96: {  	v58 =	vld [tilespmem:s13+$0x400];
	v5 =	vsel vm13, v38, v45;
	v4 =	vsel vm15, v7, v4;
	vm9 =	vgt.f32 v42, v11  }
0x97: {  	v62 =	vsel vm4, v54, v53;
	v35 =	vimm.s32 $0x0;
	v45 =	vimm.s32 $0x0  }
0x98: {  	vm0 =	vmmov vm4;
	vm8 =	vgt.f32 v42, v8;
	vm10 =	vgt.f32 v42, v3  }
0x99: {  	v15 =	vsel vm9, v42, v11;
	v52 =	vsel vm9, $0x15, v6;
	v49 =	vsel vm8, v42, v8  }
0x9a: {  	v3 =	vsel vm10, v42, v3;
	v8 =	vsel vm8, v8, v15;
	v51 =	vsel vm8, $0x15, v5  }
0x9b: {  	v5 =	vsel vm8, v5, v52;
	v4 =	vsel vm10, $0x15, v4;
	vm8 =	vgt.f32 v58, v62  }
0x9c: {  	v9 =	vsel vm7, v41, v49;
	v3 =	vsel vm9, v11, v3;
	v10 =	vsel vm7, v44, v51  }
0x9d: {  	v4 =	vsel vm9, v6, v4;
	vm13 =	vgt.f32 v48, v8;
	v23 =	vsel vm8, v58, v62  }
0x9e: {  	v41 =	vimm.s32 $0x0;
	v44 =	vimm.s32 $0x0;
	vm12 =	vgt.f32 v48, v9  }
0x9f: {  	v18 =	vld [tilespmem:s13+$0x480];
	vm14 =	vgt.f32 v48, v3;
	v15 =	vsel vm13, v48, v8;
	v57 =	vsel vm13, $0x16, v5  }
0xa0: {  	v55 =	vsel vm12, v48, v9;
	v3 =	vsel vm14, v48, v3;
	v9 =	vsel vm12, v9, v15  }
0xa1: {  	v56 =	vsel vm12, $0x16, v10;
	v10 =	vsel vm12, v10, v57;
	v4 =	vsel vm14, $0x16, v4  }
0xa2: {  	v7 =	vsel vm11, v47, v55;
	v3 =	vsel vm13, v8, v3;
	v8 =	vsel vm11, $0x16, v50  }
0xa3: {  	v11 =	vsel vm11, v50, v56;
	v4 =	vsel vm13, v5, v4;
	vm6 =	vgt.f32 v54, v9  }
0xa4: {  	vm13 =	vgt.f32 v18, v23;
	vm15 =	vgt.f32 v54, v7;
	vm7 =	vgt.f32 v54, v3  }
0xa5: {  	v15 =	vsel vm6, v54, v9;
	v52 =	vsel vm4, $0x17, v8;
	v5 =	vsel vm15, $0xFFFFFFFF, v59  }
0xa6: {  	v63 =	vsel vm15, v54, v7;
	v3 =	vsel vm7, v54, v3;
	v7 =	vsel vm15, v7, v15  }
0xa7: {  	[tilespmem:$0x1FEA0] =	vst v5;
	v5 =	vsel vm6, $0xFFFFFFFF, v60;
	v6 =	vsel vm4, v53, v63;
	v3 =	vsel vm6, v9, v3  }
0xa8: {  	v9 =	vsel vm8, $0xFFFFFFFF, v19;
	vm10 =	vgt.f32 v58, v7;
	v53 =	vimm.s32 $0x0  }
0xa9: {  	[tilespmem:$0x1FEC0] =	vst v5;
	v5 =	vsel vm7, $0xFFFFFFFF, v61;
	vm9 =	vgt.f32 v58, v6;
	vm11 =	vgt.f32 v58, v3  }
0xaa: {  	[tilespmem:$0x1FED0] =	vst v9;
	v24 =	vsel vm10, v58, v7;
	v9 =	vsel vm9, $0xFFFFFFFF, v20;
	v14 =	vsel vm9, v58, v6  }
0xab: {  	[tilespmem:$0x1FEB0] =	vst v5;
	v3 =	vsel vm11, v58, v3;
	v6 =	vsel vm9, v6, v24;
	v58 =	vimm.s32 $0x0  }
0xac: {  	v25 =	vld [tilespmem:s13+$0x500];
	[tilespmem:$0x1FEE0] =	vst v9;
	v9 =	vsel vm10, $0xFFFFFFFF, v21;
	v5 =	vsel vm8, v62, v14;
	v3 =	vsel vm10, v7, v3  }
0xad: {  	v59 =	vld [tilespmem:$0x1FEA0];
	vm14 =	vgt.f32 v18, v6;
	[tilespmem:$0x1FF00] =	vst v9;
	v9 =	vsel vm11, $0xFFFFFFFF, v22;
	vm12 =	vgt.f32 v18, v5  }
0xae: {  	vm15 =	vgt.f32 v18, v3;
	v31 =	vsel vm14, v18, v6;
	v7 =	vsel vm12, $0xFFFFFFFF, v26  }
0xaf: {  	v32 =	vld [tilespmem:s13+$0x580];
	[tilespmem:$0x1FEF0] =	vst v9;
	v29 =	vsel vm12, v18, v5;
	v14 =	vsel vm15, $0xFFFFFFFF, v30;
	v9 =	vsel vm13, v18, v23  }
0xb0: {  	v63 =	vld [tilespmem:$0x1FEB0];
	v5 =	vsel vm12, v5, v31;
	v3 =	vsel vm15, v18, v3;
	[tilespmem:$0x1FF20] =	vst v7;
	v7 =	vsel vm13, $0xFFFFFFFF, v27  }
0xb1: {  	v3 =	vsel vm14, v6, v3;
	vm2 =	vgt.f32 v25, v9;
	vm7 =	vgt.f32 v25, v5  }
0xb2: {  	vm1 =	vnez.u8 v59;
	[tilespmem:$0x1FF10] =	vst v7;
	v7 =	vsel vm14, $0xFFFFFFFF, v28;
	v6 =	vsel vm2, $0xFFFFFFFF, v33  }
0xb3: {  	vm8 =	vgt.f32 v25, v3;
	v38 =	vsel vm2, v25, v9;
	v39 =	vsel vm7, v25, v5  }
0xb4: {  	v15 =	vsel vm1, $0x17, v11;
	[tilespmem:$0x1FF30] =	vst v7;
	v7 =	vsel vm13, v23, v29;
	v3 =	vsel vm8, v25, v3  }
0xb5: {  	[tilespmem:$0x1FF40] =	vst v14;
	v14 =	vld [tilespmem:$0x1FEC0];
	vm9 =	vgt.f32 v32, v38;
	v8 =	vsel vm0, v8, v15;
	vm0 =	vnez.u8 v63  }
0xb6: {  	vm6 =	vgt.f32 v25, v7;
	v3 =	vsel vm7, v5, v3;
	v5 =	vsel vm9, $0xFFFFFFFF, v41  }
0xb7: {  	v40 =	vld [tilespmem:s13+$0x600];
	[tilespmem:$0x1FF50] =	vst v6;
	v42 =	vsel vm9, v32, v38;
	v6 =	vsel vm6, $0xFFFFFFFF, v34;
	v37 =	vsel vm6, v25, v7  }
0xb8: {  	v7 =	vsel vm6, v7, v39;
	vm11 =	vgt.f32 v32, v3;
	[tilespmem:$0x1FF60] =	vst v6;
	v6 =	vsel vm7, $0xFFFFFFFF, v35  }
0xb9: {  	v4 =	vsel vm0, $0x17, v4;
	vm10 =	vgt.f32 v32, v7;
	v12 =	vsel vm11, $0xFFFFFFFF, v44;
	[tilespmem:$0x1FF80] =	vst v6  }
0xba: {  	v3 =	vsel vm11, v32, v3;
	vm0 =	vnez.u8 v14;
	v6 =	vsel vm8, $0xFFFFFFFF, v36;
	[tilespmem:$0x1FFB0] =	vst v12  }
0xbb: {  	v12 =	vsel vm10, $0xFFFFFFFF, v45;
	v3 =	vsel vm10, v7, v3;
	[tilespmem:$0x1FF70] =	vst v6;
	v6 =	vsel vm2, v9, v37  }
0xbc: {  	v47 =	vld [tilespmem:s13+$0x680];
	v46 =	vsel vm10, v32, v7;
	vm12 =	vgt.f32 v40, v3;
	vm15 =	vgt.f32 v32, v6  }
0xbd: {  	v4 =	vsel vm0, v10, v4;
	v16 =	vsel vm12, $0xFFFFFFFF, v16;
	v43 =	vsel vm15, v32, v6  }
0xbe: {  	v3 =	vsel vm12, v40, v3;
	v6 =	vsel vm15, v6, v46;
	v9 =	vsel vm9, v38, v43  }
0xbf: {  	[tilespmem:$0x1FF90] =	vst v5;
	vm9 =	vgt.f32 v40, v42;
	vm14 =	vgt.f32 v40, v6;
	vm13 =	vgt.f32 v40, v9  }
0xc0: {  	v49 =	vld [tilespmem:s13+$0x700];
	[tilespmem:$0x1FFA0] =	vst v12;
	v12 =	vsel vm14, v40, v6;
	v5 =	vsel vm9, v40, v42;
	v3 =	vsel vm14, v6, v3  }
0xc1: {  	v48 =	vsel vm13, v40, v9;
	v9 =	vsel vm13, v9, v12;
	vm6 =	vgt.f32 v47, v5  }
0xc2: {  	vm4 =	vgt.f32 v47, v3;
	v7 =	vsel vm9, v42, v48;
	vm12 =	vgt.f32 v47, v9  }
0xc3: {  	[tilespmem:$0x1FFC0] =	vst v16;
	v16 =	vsel vm4, $0xFFFFFFFF, v53;
	v3 =	vsel vm4, v47, v3;
	vm11 =	vgt.f32 v47, v7  }
0xc4: {  	v51 =	vld [tilespmem:s13+$0x780];
	v12 =	vsel vm12, v47, v9;
	v3 =	vsel vm12, v9, v3;
	v50 =	vsel vm11, v47, v7  }
0xc5: {  	v7 =	vsel vm11, v7, v12;
	vm5 =	vgt.f32 v49, v3;
	v6 =	vsel vm6, v5, v50  }
0xc6: {  	[tilespmem:$0x1FFD0] =	vst v16;
	v5 =	vsel vm6, v47, v5;
	vm7 =	vgt.f32 v49, v7;
	v16 =	vsel vm5, $0xFFFFFFFF, v58  }
0xc7: {  	v3 =	vsel vm5, v49, v3;
	vm10 =	vgt.f32 v49, v6;
	vm3 =	vgt.f32 v49, v5  }
0xc8: {  	v56 =	vsel vm7, v49, v7;
	v3 =	vsel vm7, v7, v3;
	v54 =	vsel vm10, v49, v6  }
0xc9: {  	v6 =	vsel vm10, v6, v56;
	vm2 =	vgt.f32 v51, v3;
	v55 =	vsel vm3, v5, v54  }
0xca: {  	[tilespmem:$0x1FFE0] =	vst v16;
	v16 =	vld [tilespmem:$0x1FED0];
	v5 =	vsel vm3, v49, v5;
	vm5 =	vgt.f32 v51, v6;
	vm8 =	vgt.f32 v51, v55  }
0xcb: {  	v17 =	vld [tilespmem:$0x1FEE0];
	v3 =	vsel vm2, v51, v3;
	vm4 =	vgt.f32 v51, v5;
	v57 =	vsel vm8, v51, v55  }
0xcc: {  	v60 =	vsel vm5, v51, v6;
	v13 =	vsel vm4, v5, v57;
	v5 =	vsel vm4, v51, v5  }
0xcd: {  	v18 =	vld [tilespmem:$0x1FEF0];
	v3 =	vsel vm5, v6, v3;
	v7 =	vsel vm8, v55, v60;
	v13 =	vsub.f32 v13, v5  }
0xce: {  	v19 =	vld [tilespmem:$0x1FF00];
	v7 =	vsub.f32 v7, v5;
	v3 =	vsub.f32 v3, v5;
	v5 =	vsel vm0, $0x17, v10  }
0xcf: {  	vm0 =	vnez.u8 v16;
	v5 =	vsel vm1, v11, v5;
	v61 =	vmul.f32 $1.442695020e+00, v13  }
0xd0: {  	v21 =	vld [tilespmem:$0x1FF30];
	vm1 =	vnez.u8 v17;
	v15 =	vmul.f32 $1.442695020e+00, v7;
	v7 =	vsel vm0, $0x18, v52  }
0xd1: {  	v20 =	vld [tilespmem:$0x1FF20];
	v6 =	vsel vm1, $0x18, v8;
	v3 =	vmul.f32 $1.442695020e+00, v3;
	(erf) = vpow2.f32 v61  }
0xd2: {  	v22 =	vld [tilespmem:$0x1FF40];
	v6 =	vsel vm0, v52, v6;
	vm0 =	vnez.u8 v18;
	(erf) = vpow2.f32 v15  }
0xd3: {  	v4 =	vsel vm0, $0x18, v4;
	vm0 =	vnez.u8 v19;
	(erf) = vpow2.f32 v3;
	v3 =	vld [tilespmem:$0x1FF10]  }
0xd4: {  	v62 =	vimm.s32 $0x0;
	v24 =	vld [tilespmem:$0x1FF60];
	v9 =	vsel vm0, $0x18, v5  }
0xd5: {  	v23 =	vld [tilespmem:$0x1FF50];
	v13 =	vsel vm2, $0xFFFFFFFF, v62;
	vm2 =	vnez.u8 v21;
	v8 =	vsel vm1, v8, v9  }
0xd6: {  	v25 =	vld [tilespmem:$0x1FF70];
	v4 =	vsel vm0, v5, v4;
	vm0 =	vnez.u8 v20;
	v9 =	vsel vm2, $0x19, v8  }
0xd7: {  	v26 =	vld [tilespmem:$0x1FF80];
	v5 =	vsel vm0, $0x19, v6;
	v6 =	vsel vm0, v6, v9;
	vm0 =	vnez.u8 v22  }
0xd8: {  	v49 =	vmov s12;
	v4 =	vsel vm0, $0x19, v4;
	vm1 =	vnez.u8 v3  }
0xd9: {  	v28 =	vld [tilespmem:$0x1FF90];
	vm0 =	vnez.u8 v24;
	v4 =	vsel vm2, v8, v4;
	v5 =	vsel vm1, v7, v5  }
0xda: {  	v30 =	vld [tilespmem:$0x1FFA0];
	v3 =	vsel vm1, $0x19, v7;
	vm1 =	vnez.u8 v23;
	v8 =	vsel vm0, $0x1A, v5  }
0xdb: {  	v7 =	vsel vm1, $0x1A, v3;
	v27 =	vpop (erf);
	v3 =	vsel vm1, v3, v8;
	vm1 =	vnez.u8 v25  }
0xdc: {  	v32 =	vld [tilespmem:$0x1FFB0];
	v31 =	vadd.f32 $1.000000000e+00, v27;
	v4 =	vsel vm1, $0x1A, v4;
	vm1 =	vnez.u8 v26  }
0xdd: {  	v50 =	vshll.u32 v49, $0x7;
	[tilespmem:$0x1FFF0] =	vst v13;
	v33 =	vpop (erf);
	v29 =	vsel vm15, $0x1B, v3;
	v8 =	vsel vm1, $0x1A, v6  }
0xde: {  	v55 =	vld [tilespmem:$0x1FFF0];
	v35 =	vadd.f32 v31, v33;
	v5 =	vsel vm0, v5, v8;
	vm0 =	vnez.u8 v28  }
0xdf: {  	v39 =	vld [tilespmem:$0x1FFC0];
	v38 =	vpop (erf);
	v4 =	vsel vm1, v6, v4;
	vm1 =	vnez.u8 v30;
	v8 =	vsel vm0, $0x1B, v7  }
0xe0: {  	v44 =	vld [tilespmem:$0x1FFD0];
	v10 =	vsel vm1, $0x1B, v5;
	v7 =	vsel vm0, v7, v29;
	v40 =	vadd.f32 v35, v38  }
0xe1: {  	v3 =	vsel vm15, v3, v10;
	vm15 =	vnez.u8 v32;
	v34 =	vsel vm13, $0x1C, v7  }
0xe2: {  	v36 =	vsel vm9, $0x1C, v8;
	v4 =	vsel vm15, $0x1B, v4;
	v37 =	vsel vm14, $0x1C, v3  }
0xe3: {  	v47 =	vld [tilespmem:$0x1FFE0];
	v41 =	vsel vm6, $0x1D, v36;
	(erf) = vrcp.f32 v40;
	vm15 =	vnez.u8 v55  }
0xe4: {  	v4 =	vsel vm1, v5, v4;
	v5 =	vsel vm9, v8, v34;
	v7 =	vsel vm13, v7, v37  }
0xe5: {  	vm9 =	vnez.u8 v39;
	vm13 =	vnez.u8 v44;
	v46 =	vsel vm3, $0x1E, v41  }
0xe6: {  	v4 =	vsel vm9, $0x1C, v4;
	v42 =	vsel vm11, $0x1D, v5;
	v43 =	vsel vm12, $0x1D, v7  }
0xe7: {  	v51 =	vsel vm4, $0x1F, v46;
	v3 =	vsel vm14, v3, v4;
	v10 =	vsel vm6, v36, v42  }
0xe8: {  	v5 =	vsel vm11, v5, v43;
	vm14 =	vnez.u8 v47;
	v3 =	vsel vm13, $0x1D, v3  }
0xe9: {  	v45 =	vsel vm10, $0x1E, v10;
	v48 =	vsel vm7, $0x1E, v5;
	v3 =	vsel vm12, v7, v3  }
0xea: {  	v4 =	vsel vm3, v41, v45;
	v8 =	vsel vm10, v10, v48;
	v3 =	vsel vm14, $0x1E, v3  }
0xeb: {  	v52 =	vsel vm8, $0x1F, v4;
	v3 =	vsel vm7, v5, v3;
	v5 =	vor.u32 v2, v50  }
0xec: {  	v53 =	vsel vm5, $0x1F, v8;
	v7 =	vsel vm4, v46, v52;
	v54 =	vor.u32 v5, v51  }
0xed: {  	v4 =	vsel vm8, v4, v53;
	v3 =	vsel vm15, $0x1F, v3;
	v56 =	vor.u32 v5, v7  }
0xee: {  	v57 =	vor.u32 v5, v4;
	v3 =	vsel vm5, v8, v3  }
0xef: {  	v58 =	vpop (erf);
	v59 =	vor.u32 v5, v3  }
0xf0: {  	v6 =	vmul.f32 v58, v27  }
0xf1: {  	v60 =	vor.u32 $0x1, v5;
	v9 =	vmul.f32 v58, v33;
	[tilespmem:v54+s8+$0x0] =	vst.idx.msk $0xffff, v58  }
0xf2: {  	v62 =	vor.u32 $0x2, v5;
	v61 =	vmul.f32 v58, v38;
	[tilespmem:v56+s8+$0x0] =	vst.idx.msk $0xffff, v6  }
0xf3: {  	p0 =	sne.s32 s12, $0x70;
	v63 =	vor.u32 $0x3, v5;
	[tilespmem:v57+s8+$0x0] =	vst.idx.msk $0xffff, v9  }
.Ltmp1:
0xf4: {  	[tilespmem:v59+s8+$0x0] =	vst.idx.msk $0xffff, v61;
	(pc) =	sbr.rel @p0 .LBB2_4-.Ltmp1, $4  }
0xf5: {  	[tilespmem:v5+s9+$0x0] =	vst.idx.msk $0xffff, v51  }
0xf6: {  	[tilespmem:v60+s9+$0x0] =	vst.idx.msk $0xffff, v7  }
0xf7: {  	[tilespmem:v62+s9+$0x0] =	vst.idx.msk $0xffff, v4  }
0xf8: {  	s13 =	sadd.s32 $0x10, s13;
	s12 =	sadd.s32 $0x10, s12;
	[tilespmem:v63+s9+$0x0] =	vst.idx.msk $0xffff, v3  }
0xf9: {  	[hbm4b:s4+s2] =	stream.linear.scatter [tilespmem:s8], [sflag:$0x2], $0x4000, $0x38;
	[tilespmem:$0x9000] =	vst v63  }
0xfa: {  	s11 =	sadd.s32 $0x1, s11;
	_ =	swait.ge [sflag:s10], $0x4000  }
0xfb: {  	p0 =	sne.s32 s11, s6;
	[sflag:s10] =	ssyncset.done $0x0  }
.Ltmp2:
0xfc: {  	[sflag:s10] =	ssyncadd.s32 $0xFFFFC000;
	(pc) =	sbr.rel @p0 .LBB2_1-.Ltmp2, $4  }
0xfd: {  	[hbm4b:s5+s2] =	stream.linear.scatter [tilespmem:s9], [sflag:$0x2], $0x4000, $0x38;
	[tilespmem:$0x9000] =	vst v63  }
0xfe: {  	_ =	swait.ge [sflag:s10], $0x4000  }
0xff: {  	[sflag:s10] =	ssyncset.done $0x0  }
0x100: {  	[sflag:s10] =	ssyncadd.s32 $0xFFFFC000  }
0x101: {  	_ =	sfence.sel $0x180000  }
0x102: {  	[bflag:$0x0] =	sbarrier.arrive $0xFFFF  }
0x103: {  	p0 =	sne.s32 s1, $0x0;
	_ =	strace $0x90000047  }
0x104: {  	s0 =	sadd.s32 @!p0 $0x100000, s0;
	[bflag:$0x2] =	sbarrier.arrive $0xFFFF  }
0x105: {  	[sflag:s0] =	ssyncadd.tile.s32 @!p0 $0x1;
	_ =	shalt  }
.Lfunc_end2:
_tile_overlayer_lowered:
.L_overlay_start_2:
0x106: {  	(tag) =	ssettag $0x2  }
0x107: {  	s0 =	rddreg [dreg:$0x0];
	s2 =	stileid.u32  }
0x108: {  	s1 =	rddreg [dreg:$0x1];
	p0 =	sne.s32 s2, $0x0  }
0x109: {  	s3 =	rddreg [dreg:$0x2];
	[bflag:$0x3] =	sbarrier.arrive $0xFFFF;
	s2 =	simm.s32 @!p0 $0x1C02  }
0x10a: {  	[timem:s3], [sflag:s2] =	dma.local @!p0 [hbm:s0], s1  }
0x10b: {  	s0 =	simm.s32 @!p0 $0x2  }
0x10c: {  	_ =	swait.ge @!p0 [sflag:s0], s1  }
0x10d: {  	s1 =	ssub.s32 @!p0 $0x0, s1;
	[sflag:s0] =	ssyncset.done @!p0 $0x0  }
0x10e: {  	[sflag:s0] =	ssyncadd.s32 @!p0 s1  }
0x10f: {  	[bflag:$0x3] =	sbarrier.arrive $0xFFFF  }
0x110: {  	_ =	shalt  }

// kernel: kernel.9.cloned.1.call-start
scs
__scs_entry_jumppad:
0x0: {  	(pc) =	sbr.rel $0x88, $3  }
0x1: {  	(tag) =	ssettag $0x0;
	lr =	simm.s32 $0x1  }
0x2: {  	[smem:$0x3F9E] =	sst lr;
	_ =	strace $0xD0000000  }
0x3: {  	_ = 	snop  }
0x4: {  	_ = 	snop  }
0x5: {  	_ = 	snop  }
0x6: {  	_ = 	snop  }
0x7: {  	_ = 	snop  }
__scs_overlays_trampoline_lowered:
0x8: {  	[smem:$0x3FAD] =	sst s0  }
0x9: {  	[smem:$0x3FAE] =	sst s1  }
0xa: {  	[smem:$0x3FAF] =	sst s2  }
0xb: {  	[smem:$0x3FB0] =	sst s3  }
0xc: {  	[smem:$0x3FB1] =	sst s4  }
0xd: {  	[smem:$0x3FB2] =	sst s5  }
0xe: {  	[smem:$0x3FB3] =	sst s6  }
0xf: {  	[smem:$0x3FB4] =	sst s7  }
0x10: {  	[smem:$0x3FB5] =	sst s8  }
0x11: {  	[smem:$0x3FB6] =	sst s9;
	s0 =	simm.s32 @!p0 $0x0  }
0x12: {  	s1 =	sld [smem:$0x3F9C];
	s0 =	simm.s32 @p0 $0x1  }
0x13: {  	[smem:$0x3FB7] =	sst s0;
	s0 =	simm.s32 @!p1 $0x0  }
0x14: {  	s2 =	sld [smem:$0x3F9B];
	s0 =	simm.s32 @p1 $0x1  }
0x15: {  	[smem:$0x3FB8] =	sst s0;
	s0 =	simm.s32 @!p2 $0x0  }
0x16: {  	s3 =	sld [smem:$0x3FDB];
	s0 =	simm.s32 @p2 $0x1  }
0x17: {  	s4 =	simm.s32 $0x1BF5;
	[smem:$0x3FBA] =	sst s0  }
0x18: {  	s0 =	sld [smem:$0x3F9D];
	_ =	swait.ge [sflag:s4], $0x0  }
0x19: {  	s7 =	sld [smem:$0x3F9E]  }
0x1a: {  	s8 =	sadd.s32 $0xFFFFE003, lr  }
0x1b: {  	s9 =	sadd.s32 $0xFFFFFEF7, lr;
	s5 =	simm.s32 $0xFFFFFFFF;
	p2 =	slt.u32 s8, $0xFFFFF086  }
0x1c: {  	p1 =	slt.u32 s9, $0xF7A;
	s5 =	simm.s32 @!p2 $0x0  }
0x1d: {  	s5 =	simm.s32 @p1 $0x1;
	p0 =	seq.s32 s7, s2  }
0x1e: {  	s7 =	smul.u32 @!p0 $0xF7A, s2;
	p2 =	seq.s32 @!p0 s5, $0x0  }
0x1f: {  	s9 =	smul.u32 $0xF7A, s1;
	s8 =	simm.s32 @!p0 $0x1BF5;
	p2 =	por !p2, p0  }
0x20: {  	[sflag:s8] =	ssyncset.s32 @!p0 $0xFFFFF086;
	s6 =	sadd.s32 @!p0 s3, s7;
	s7 =	simm.s32 @!p0 $0x108  }
0x21: {  	s3 =	sadd.s32 s3, s9;
	s6 =	sadd.s32 @!p0 $0x88, s6;
	s7 =	simm.s32 @p2 $0x1082  }
0x22: {  	[simem:s7], [sflag:s8] =	dma.local @!p0 [hbm:s6], $0xF7A  }
0x23: {  	s9 =	sor.u32 $0xD0000000, s2;
	s6 =	simm.s32 $0x108;
	_ =	swait.ge @!p0 [sflag:s8], $0x0  }
0x24: {  	s3 =	sadd.s32 $0x88, s3;
	s6 =	simm.s32 @!p1 $0x1082;
	[sflag:s4] =	ssyncset.s32 $0xFFFFF086  }
0x25: {  	[simem:s6], [sflag:s4] =	dma.local [hbm:s3], $0xF7A  }
0x26: {  	[smem:$0x3F9E] =	sst s1;
	(tag) =	ssettag s2;
	_ =	strace s9  }
0x27: {  	s1 =	sld [smem:$0x3FAE]  }
0x28: {  	s2 =	sld [smem:$0x3FAF]  }
0x29: {  	s4 =	sld [smem:$0x3FB1]  }
0x2a: {  	p0 =	seq.s32 s5, $0x0;
	s5 =	sld [smem:$0x3FB2]  }
0x2b: {  	s6 =	sld [smem:$0x3FB3]  }
0x2c: {  	s7 =	sld [smem:$0x3FB4]  }
0x2d: {  	s3 =	simm.s32 $0x108;
	s8 =	sld [smem:$0x3FB5]  }
0x2e: {  	s3 =	simm.s32 @!p0 $0x1082;
	s9 =	sld [smem:$0x3FB6]  }
0x2f: {  	lr =	sadd.s32 s0, s3;
	s0 =	sld [smem:$0x3FAD]  }
0x30: {  	s3 =	sld [smem:$0x3FB0]  }
0x31: {  	[smem:$0x3FB9] =	sst s10  }
0x32: {  	s10 =	sld [smem:$0x3FB7];
	_ =	sdelay $0x3  }
0x33: {  	p0 =	seq.s32 s10, $0x1;
	s10 =	sld [smem:$0x3FB9];
	_ =	sdelay $0x3  }
0x34: {  	[smem:$0x3FB9] =	sst s10  }
0x35: {  	s10 =	sld [smem:$0x3FB8];
	_ =	sdelay $0x3  }
0x36: {  	p1 =	seq.s32 s10, $0x1;
	s10 =	sld [smem:$0x3FB9];
	_ =	sdelay $0x3  }
0x37: {  	[smem:$0x3FB9] =	sst s10  }
0x38: {  	s10 =	sld [smem:$0x3FBA]  }
0x39: {  	_ = 	snop;
	(pc) =	sbr.ind lr, $3  }
0x3a: {  	_ = 	snop  }
0x3b: {  	_ = 	snop  }
0x3c: {  	p2 =	seq.s32 s10, $0x1;
	s10 =	sld [smem:$0x3FB9]  }
0x3d: {  	_ =	shalt  }
0x3e: {  	_ =	shalt  }
0x3f: {  	_ =	shalt  }
0x40: {  	_ =	shalt  }
0x41: {  	_ =	shalt  }
0x42: {  	_ =	shalt  }
0x43: {  	_ =	shalt  }
0x44: {  	_ =	shalt  }
0x45: {  	_ =	shalt  }
0x46: {  	_ =	shalt  }
0x47: {  	_ =	shalt  }
0x48: {  	_ =	shalt  }
0x49: {  	_ =	shalt  }
0x4a: {  	_ =	shalt  }
0x4b: {  	_ =	shalt  }
0x4c: {  	_ =	shalt  }
0x4d: {  	_ =	shalt  }
0x4e: {  	_ =	shalt  }
0x4f: {  	_ =	shalt  }
0x50: {  	_ =	shalt  }
0x51: {  	_ =	shalt  }
0x52: {  	_ =	shalt  }
0x53: {  	_ =	shalt  }
0x54: {  	_ =	shalt  }
0x55: {  	_ =	shalt  }
0x56: {  	_ =	shalt  }
0x57: {  	_ =	shalt  }
0x58: {  	_ =	shalt  }
0x59: {  	_ =	shalt  }
0x5a: {  	_ =	shalt  }
0x5b: {  	_ =	shalt  }
0x5c: {  	_ =	shalt  }
0x5d: {  	_ =	shalt  }
0x5e: {  	_ =	shalt  }
0x5f: {  	_ =	shalt  }
0x60: {  	_ =	shalt  }
0x61: {  	_ =	shalt  }
0x62: {  	_ =	shalt  }
0x63: {  	_ =	shalt  }
0x64: {  	_ =	shalt  }
0x65: {  	_ =	shalt  }
0x66: {  	_ =	shalt  }
0x67: {  	_ =	shalt  }
0x68: {  	_ =	shalt  }
0x69: {  	_ =	shalt  }
0x6a: {  	_ =	shalt  }
0x6b: {  	_ =	shalt  }
0x6c: {  	_ =	shalt  }
0x6d: {  	_ =	shalt  }
0x6e: {  	_ =	shalt  }
0x6f: {  	_ =	shalt  }
0x70: {  	_ =	shalt  }
0x71: {  	_ =	shalt  }
0x72: {  	_ =	shalt  }
0x73: {  	_ =	shalt  }
0x74: {  	_ =	shalt  }
0x75: {  	_ =	shalt  }
0x76: {  	_ =	shalt  }
0x77: {  	_ =	shalt  }
0x78: {  	_ =	shalt  }
0x79: {  	_ =	shalt  }
0x7a: {  	_ =	shalt  }
0x7b: {  	_ =	shalt  }
0x7c: {  	_ =	shalt  }
0x7d: {  	_ =	shalt  }
0x7e: {  	_ =	shalt  }
0x7f: {  	_ =	shalt  }
0x80: {  	_ =	shalt  }
0x81: {  	_ =	shalt  }
0x82: {  	_ =	shalt  }
0x83: {  	_ =	shalt  }
0x84: {  	_ =	shalt  }
0x85: {  	_ =	shalt  }
0x86: {  	_ =	shalt  }
0x87: {  	_ =	shalt  }
.Lfunc_end0:
.L_simem_size_0:
called_computation.1_lowered:
.L_overlay_start_0:
0x88: {  	s2 =	sld [smem:$0x3FD9]  }
0x89: {  	s3 =	sld [smem:$0x3FFE];
	_ =	sdelay $0x1  }
0x8a: {  	s1 =	srdreg.scid  }
0x8b: {  	s0 =	sand.u32 $0x1, s1  }
0x8c: {  	s14 =	sshll.u32 s0, $0xA;
	s2 =	sadd.s32 s3, s2  }
0x8d: {  	s2 =	sadd.s32 s2, s14  }
0x8e: {  	[smem:$0x3FC5] =	sst s2  }
0x8f: {  	_ = 	snop  }
0x90: {  	s2 =	sld [smem:$0x3FD0];
	_ =	sdelay $0x2  }
0x91: {  	s15 =	simm.s32 $0xA;
	s4 =	simm.s32 $0x10  }
0x92: {  	[smem:s4], [sflag:s15] =	dma.local [hbm:s2], $0x1  }
0x93: {  	_ =	swait.eq [sflag:s15], $0x1  }
0x94: {  	[sflag:s15] =	ssyncset.done $0x0  }
0x95: {  	[sflag:s15] =	ssyncadd.s32 $0xFFFFFFFF  }
0x96: {  	s16 =	sld [smem:$0x10];
	(tm) =	ssettm $0x1  }
0x97: {  	s17 =	sld [smem:$0x3FFB];
	_ =	sdelay $0x3  }
0x98: {  	_ =	strace s17  }
0x99: {  	s3 =	sld [smem:$0x3FFC];
	_ =	sdelay $0x3  }
0x9a: {  	_ =	strace s3  }
0x9b: {  	s3 =	sld [smem:$0x3FFD];
	_ =	sdelay $0x3  }
0x9c: {  	_ =	strace s3  }
0x9d: {  	_ =	strace $0x8FFFFFFF  }
0x9e: {  	s18 =	sld [smem:$0x3FDB];
	_ =	sdelay $0x1  }
0x9f: {  	s19 =	simm.s32 $_scs_section_size  }
0xa0: {  	s5 =	simm.s32 $_size__tile_overlayer_lowered;
	s6 =	simm.s32 $_tile_overlayer_lowered  }
0xa1: {  	s22 =	simm.s32 $0x1BFF;
	s21 =	sshll.u32 s6, $0x1;
	s3 =	sadd.s32 s19, s18  }
0xa2: {  	s7 =	simm.s32 $0x0;
	s20 =	sshll.u32 s5, $0x1;
	s5 =	sadd.s32 s21, s3  }
0xa3: {  	[timem:s7], [sflag:s22] =	dma.local [hbm:s5], s20  }
0xa4: {  	_ =	swait.ge [sflag:s22], s20  }
0xa5: {  	s4 =	ssub.s32 $0x0, s20;
	[sflag:s22] =	ssyncset.done $0x0  }
0xa6: {  	[sflag:s22] =	ssyncadd.s32 s4;
	_ =	sdelay $0x1  }
0xa7: {  	s23 =	simm.s32 $0x1B8B  }
0xa8: {  	_ =	swait.ge [sflag:s23], $0x1  }
0xa9: {  	[sflag:s23] =	ssyncset.done $0x0  }
0xaa: {  	s25 =	simm.s32 $0x1B8E;
	s24 =	sld [smem:$0x3FFE];
	[sflag:s23] =	ssyncadd.s32 $0xFFFFFFFF  }
0xab: {  	s26 =	simm.s32 $execute0_lowered;
	[smem:$0x3FD2] =	sst s25  }
0xac: {  	s5 =	sshll.u32 s26, $0x1;
	_ =	strace $0x80000049;
	[dreg:$0x1] =	wrdreg $0xFFFFFFFF  }
0xad: {  	s28 =	simm.s32 $_size_execute0_lowered;
	s3 =	sadd.s32 s3, s5;
	[dreg:$0x0] =	wrdreg $0x0  }
0xae: {  	s5 =	sshll.u32 s28, $0x1;
	[dreg:$0x2] =	wrdreg s3  }
0xaf: {  	[dreg:$0x3] =	wrdreg s5  }
0xb0: {  	[dreg:$0x4] =	wrdreg $0xC0  }
0xb1: {  	_ =	task [dreg:s7], $0x5FFFF  }
0xb2: {  	[dreg:$0x1] =	wrdreg $0xFFFFFFFF  }
0xb3: {  	[dreg:$0x0] =	wrdreg $0x60  }
0xb4: {  	[dreg:$0x2] =	wrdreg s16  }
0xb5: {  	[dreg:$0x3] =	wrdreg s24  }
0xb6: {  	[dreg:$0x4] =	wrdreg $0x9  }
0xb7: {  	_ =	task.clear_ibuf [dreg:s7], $0x5FFFF;
	_ =	strace $0x90000049  }
0xb8: {  	s29 =	simm.s32 $0x9;
	_ =	strace $0x8000004B  }
0xb9: {  	_ =	swait.ge [sflag:s29], $0x1  }
0xba: {  	[sflag:s29] =	ssyncadd.s32 $0xFFFFFFFF  }
0xbb: {  	_ =	strace $0x9000004B  }
0xbc: {  	_ =	sfence  }
0xbd: {  	s30 =	sld [smem:$0x0];
	_ =	sdelay $0x2  }
0xbe: {  	s31 =	sshll.u32 s1, $0xD;
	s1 =	sshrl.u32 s1, $0x2  }
0xbf: {  	s3 =	sand.u32 $0x4000, s31;
	s1 =	sadd.s32 s1, s30  }
0xc0: {  	s0 =	sor.u32 s3, s0;
	s1 =	sshll.u32 s1, $0x11  }
0xc1: {  	s0 =	sor.u32 s1, s0  }
0xc2: {  	s0 =	sadd.s32 $0x8F2B, s0  }
0xc3: {  	[sflag:s0] =	ssyncadd.remote.s32 $0x1  }
0xc4: {  	_ =	sfence.sel $0xFFFF  }
0xc5: {  	[dreg:$0x0] =	wrdreg $0xFFFFFFFF;
	(pc) =	sbr.abs _section_cstart, $3  }
0xc6: {  	[dreg:$0x1] =	wrdreg $0xFFFFFFFF  }
0xc7: {  	_ =	task.clear_ibuf [dreg:s7], $0x2FFFF;
	_ =	strace $0x9FFFFFFF  }
0xc8: {  	(tm) =	ssettm $0x7FFFFFFF  }
0xc9: {  	_ =	shalt  }
tec
execute0_lowered:
.L_overlay_start_1:
0x0: {  	(tag) =	ssettag $0x1  }
0x1: {  	s3 =	rddreg [dreg:$0x0]  }
0x2: {  	s4 =	rddreg [dreg:$0x1]  }
0x3: {  	s0 =	rddreg [dreg:$0x2]  }
0x4: {  	s5 =	srdreg.scid;
	s1 =	stileid.u32  }
0x5: {  	s2 =	simm.s32 $0x0;
	s9 =	simm.s32 $0x5000;
	s10 =	simm.s32 $0x2  }
0x6: {  	s11 =	simm.s32 $0x0;
	s5 =	sand.u32 $0x1, s5;
	s6 =	sshll.u32 s1, $0x1  }
0x7: {  	[smem:$0x7FF] =	sst s2;
	s6 =	sor.u32 s5, s6;
	s5 =	ssub.s32 $0x2, s5  }
0x8: {  	_ =	strace $0x8000004A;
	s7 =	sshll.u32 s6, $0xB;
	s8 =	sshrl.u32 s5, $0x1  }
0x9: {  	s31 =	sshll.u32 s6, $0x9;
	s7 =	sadd.s32 s7, s4;
	s8 =	ssub.s32 s5, s8  }
0xa: {  	v2 =	vlaneseq.u32;
	s3 =	sadd.s32 s3, s31;
	s4 =	sadd.s32 $0x11A00, s7;
	s5 =	sadd.s32 $0x31A00, s7  }
0xb: {  	v0 =	vimm.f32 $0.0e+00;
	v1 =	vimm.s32 $0x0;
	v2 =	vmul.u32 $0x80, v2;
	s6 =	smax.u32 s8, $0x1;
	s7 =	simm.s32 $0x1;
	s8 =	simm.s32 $0x1000  }
.LBB2_1:
0xc: {  	[tilespmem:s2], [sflag:$0x1] =	stream.linear.gather [hbm4b:s3+s2], $0x1000, $0x38;
	[tilespmem:$0x9000] =	vst v63  }
0xd: {  	s12 =	simm.s32 $0x200;
	s13 =	simm.s32 $0x0  }
.LBB2_2:
0xe: {  	p0 =	sne.s32 s12, $0xFE00;
	[tilespmem:s13+$0x1000] =	vst v0;
	s14 =	smov.u32 s12;
	s12 =	sadd.s32 $0x200, s12  }
.Ltmp0:
0xf: {  	[tilespmem:s13+$0x1010] =	vst v0;
	(pc) =	sbr.rel @p0 .LBB2_2-.Ltmp0, $2  }
0x10: {  	_ =	sdelay $0x2  }
0x11: {  	s13 =	sshra.s32 s14, $0x2  }
0x12: {  	[tilespmem:s13+$0x1000] =	vst v0  }
0x13: {  	[tilespmem:s13+$0x1010] =	vst v0  }
0x14: {  	_ =	swait.ge [sflag:s7], $0x1000  }
0x15: {  	[sflag:s7] =	ssyncset.done $0x0  }
0x16: {  	s12 =	simm.s32 $0x0;
	s13 =	simm.s32 $0x800;
	[sflag:s7] =	ssyncadd.s32 $0xFFFFF000  }
.LBB2_4:
0x17: {  	v3 =	vld [tilespmem:s13+$0xFFFFF880]  }
0x18: {  	v4 =	vld [tilespmem:s13+$0xFFFFF800]  }
0x19: {  	v5 =	vld [tilespmem:s13+$0xFFFFF900]  }
0x1a: {  	v7 =	vld [tilespmem:s13+$0xFFFFF980];
	_ =	sdelay $0x2  }
0x1b: {  	v16 =	vimm.s32 $0x0;
	vm0 =	vlt.f32 v3, $-Inf  }
0x1c: {  	vm1 =	vgt.f32 v3, $-Inf;
	vm2 =	vgt.f32 v3, v4;
	vm10 =	vlt.f32 v5, $-Inf  }
0x1d: {  	vm11 =	vgt.f32 v5, $-Inf;
	vm8 =	vlt.f32 v7, $-Inf;
	vm3 =	vgt.f32 v7, $-Inf  }
0x1e: {  	vm0 =	vmor vm1, vm0;
	vm9 =	vmneg vm2;
	v28 =	vsel vm2, $0x1, v1  }
0x1f: {  	vm1 =	vmor vm11, vm10;
	v6 =	vnsel vm0, $0xFF800000, v3;
	v3 =	vsel vm2, v3, v4  }
0x20: {  	vm0 =	vmand vm0, vm9;
	v10 =	vnsel vm1, $0xFF800000, v5;
	v11 =	vsel vm1, $0x2, v1  }
0x21: {  	v4 =	vsel vm2, v4, v6;
	v8 =	vsel vm0, $0x1, v1;
	vm13 =	vgt.f32 v5, v3  }
0x22: {  	vm2 =	vmor vm3, vm8;
	vm12 =	vgt.f32 v5, v4;
	v29 =	vsel vm13, $0x2, v28  }
0x23: {  	v36 =	vsel vm2, $0x3, v1;
	v9 =	vsel vm12, v5, v4;
	v5 =	vsel vm13, v5, v3  }
0x24: {  	v4 =	vsel vm12, v4, v10;
	v30 =	vsel vm12, $0x2, v8;
	v8 =	vsel vm12, v8, v11  }
0x25: {  	v32 =	vld [tilespmem:s13+$0xFFFFFA00];
	v3 =	vsel vm13, v3, v9;
	v6 =	vsel vm13, v28, v30;
	vm14 =	vgt.f32 v7, v5  }
0x26: {  	vm4 =	vgt.f32 v7, v4;
	vm15 =	vgt.f32 v7, v3;
	v31 =	vsel vm14, v7, v5  }
0x27: {  	v13 =	vsel vm4, v7, v4;
	v33 =	vsel vm14, $0x3, v29;
	v35 =	vsel vm4, $0x3, v8  }
0x28: {  	v38 =	vld [tilespmem:s13+$0xFFFFFA80];
	v8 =	vsel vm4, v8, v36;
	v12 =	vsel vm15, v7, v3;
	v7 =	vnsel vm2, $0xFF800000, v7  }
0x29: {  	v3 =	vsel vm15, v3, v13;
	v34 =	vsel vm15, $0x3, v6;
	v6 =	vsel vm15, v6, v35  }
0x2a: {  	vm9 =	vgt.f32 v32, v31;
	v5 =	vsel vm14, v5, v12;
	v4 =	vsel vm4, v4, v7  }
0x2b: {  	v9 =	vsel vm14, v29, v34;
	vm11 =	vgt.f32 v32, v3;
	v37 =	vsel vm9, v32, v31  }
0x2c: {  	v39 =	vsel vm9, $0x4, v33;
	vm10 =	vgt.f32 v32, v5;
	vm12 =	vgt.f32 v32, v4  }
0x2d: {  	v43 =	vld [tilespmem:s13+$0xFFFFFB00];
	v15 =	vsel vm11, v32, v3;
	v41 =	vsel vm11, $0x4, v6;
	vm13 =	vgt.f32 v38, v37  }
0x2e: {  	v14 =	vsel vm10, v32, v5;
	v4 =	vsel vm12, v32, v4;
	v5 =	vsel vm10, v5, v15  }
0x2f: {  	v40 =	vsel vm10, $0x4, v9;
	v9 =	vsel vm10, v9, v41;
	v8 =	vsel vm12, $0x4, v8  }
0x30: {  	v42 =	vsel vm13, v38, v37;
	v45 =	vsel vm13, $0x5, v39;
	v10 =	vsel vm9, v31, v14  }
0x31: {  	v49 =	vld [tilespmem:s13+$0xFFFFFB80];
	v3 =	vsel vm11, v3, v4;
	v7 =	vsel vm9, v33, v40;
	v6 =	vsel vm11, v6, v8  }
0x32: {  	vm15 =	vgt.f32 v38, v5;
	vm7 =	vgt.f32 v43, v42;
	vm14 =	vgt.f32 v38, v10  }
0x33: {  	vm6 =	vgt.f32 v38, v3;
	v15 =	vsel vm15, v38, v5;
	v47 =	vsel vm15, $0x5, v9  }
0x34: {  	v48 =	vsel vm7, v43, v42;
	v52 =	vsel vm7, $0x6, v45;
	v44 =	vsel vm14, v38, v10  }
0x35: {  	v56 =	vld [tilespmem:s13+$0xFFFFFC00];
	v3 =	vsel vm6, v38, v3;
	v10 =	vsel vm14, v10, v15;
	v46 =	vsel vm14, $0x5, v7  }
0x36: {  	v7 =	vsel vm14, v7, v47;
	v6 =	vsel vm6, $0x5, v6;
	vm11 =	vgt.f32 v49, v48  }
0x37: {  	v12 =	vsel vm13, v37, v44;
	v3 =	vsel vm15, v5, v3;
	v4 =	vsel vm13, v39, v46  }
0x38: {  	v6 =	vsel vm15, v9, v6;
	vm9 =	vgt.f32 v43, v10;
	v55 =	vsel vm11, v49, v48  }
0x39: {  	v58 =	vsel vm11, $0x7, v52;
	vm8 =	vgt.f32 v43, v12;
	vm10 =	vgt.f32 v43, v3  }
0x3a: {  	v62 =	vld [tilespmem:s13+$0xFFFFFC80];
	v15 =	vsel vm9, v43, v10;
	v54 =	vsel vm9, $0x6, v7;
	vm15 =	vgt.f32 v56, v55  }
0x3b: {  	v50 =	vsel vm8, v43, v12;
	v3 =	vsel vm10, v43, v3;
	v51 =	vsel vm8, v12, v15  }
0x3c: {  	v53 =	vsel vm8, $0x6, v4;
	v4 =	vsel vm8, v4, v54;
	v6 =	vsel vm10, $0x6, v6  }
0x3d: {  	v61 =	vsel vm15, v56, v55;
	v18 =	vsel vm15, $0x8, v58;
	v8 =	vsel vm7, v42, v50  }
0x3e: {  	v3 =	vsel vm9, v10, v3;
	v5 =	vsel vm7, v45, v53;
	v6 =	vsel vm9, v7, v6  }
0x3f: {  	vm13 =	vgt.f32 v49, v51;
	vm9 =	vgt.f32 v62, v61;
	vm12 =	vgt.f32 v49, v8  }
0x40: {  	v22 =	vld [tilespmem:s13+$0xFFFFFD00];
	vm14 =	vgt.f32 v49, v3;
	v15 =	vsel vm13, v49, v51;
	v60 =	vsel vm13, $0x7, v4  }
0x41: {  	v21 =	vsel vm9, v62, v61;
	v24 =	vsel vm9, $0x9, v18;
	v57 =	vsel vm12, v49, v8  }
0x42: {  	v3 =	vsel vm14, v49, v3;
	v8 =	vsel vm12, v8, v15;
	v59 =	vsel vm12, $0x7, v5  }
0x43: {  	v5 =	vsel vm12, v5, v60;
	v6 =	vsel vm14, $0x7, v6;
	v9 =	vsel vm11, v48, v57  }
0x44: {  	v3 =	vsel vm13, v51, v3;
	v10 =	vsel vm11, v52, v59;
	v4 =	vsel vm13, v4, v6  }
0x45: {  	vm7 =	vgt.f32 v56, v8;
	vm13 =	vgt.f32 v22, v21;
	vm6 =	vgt.f32 v56, v9  }
0x46: {  	v28 =	vld [tilespmem:s13+$0xFFFFFD80];
	vm8 =	vgt.f32 v56, v3;
	v15 =	vsel vm7, v56, v8;
	v20 =	vsel vm7, $0x8, v5  }
0x47: {  	v27 =	vsel vm13, v22, v21;
	v30 =	vsel vm13, $0xA, v24;
	v63 =	vsel vm6, v56, v9  }
0x48: {  	v3 =	vsel vm8, v56, v3;
	v9 =	vsel vm6, v9, v15;
	v19 =	vsel vm6, $0x8, v10  }
0x49: {  	v10 =	vsel vm6, v10, v20;
	v4 =	vsel vm8, $0x8, v4;
	v7 =	vsel vm15, v55, v63  }
0x4a: {  	v3 =	vsel vm7, v8, v3;
	v11 =	vsel vm15, v58, v19;
	v4 =	vsel vm7, v5, v4  }
0x4b: {  	vm11 =	vgt.f32 v62, v9;
	vm7 =	vgt.f32 v28, v27;
	vm10 =	vgt.f32 v62, v7  }
0x4c: {  	v34 =	vld [tilespmem:s13+$0xFFFFFE00];
	vm12 =	vgt.f32 v62, v3;
	v15 =	vsel vm11, v62, v9;
	v26 =	vsel vm11, $0x9, v10  }
0x4d: {  	v33 =	vsel vm7, v28, v27;
	v36 =	vsel vm7, $0xB, v30;
	v23 =	vsel vm10, v62, v7  }
0x4e: {  	v3 =	vsel vm12, v62, v3;
	v7 =	vsel vm10, v7, v15;
	v25 =	vsel vm10, $0x9, v11  }
0x4f: {  	v11 =	vsel vm10, v11, v26;
	v4 =	vsel vm12, $0x9, v4;
	v6 =	vsel vm9, v61, v23  }
0x50: {  	v3 =	vsel vm11, v9, v3;
	v8 =	vsel vm9, v18, v25;
	v4 =	vsel vm11, v10, v4  }
0x51: {  	vm15 =	vgt.f32 v22, v7;
	vm11 =	vgt.f32 v34, v33;
	vm14 =	vgt.f32 v22, v6  }
0x52: {  	v40 =	vld [tilespmem:s13+$0xFFFFFE80];
	vm6 =	vgt.f32 v22, v3;
	v15 =	vsel vm15, v22, v7;
	v32 =	vsel vm15, $0xA, v11  }
0x53: {  	v39 =	vsel vm11, v34, v33;
	v42 =	vsel vm11, $0xC, v36;
	v29 =	vsel vm14, v22, v6  }
0x54: {  	v3 =	vsel vm6, v22, v3;
	v6 =	vsel vm14, v6, v15;
	v31 =	vsel vm14, $0xA, v8  }
0x55: {  	v8 =	vsel vm14, v8, v32;
	v4 =	vsel vm6, $0xA, v4;
	v5 =	vsel vm13, v21, v29  }
0x56: {  	v3 =	vsel vm15, v7, v3;
	v9 =	vsel vm13, v24, v31;
	v4 =	vsel vm15, v11, v4  }
0x57: {  	vm9 =	vgt.f32 v28, v6;
	vm15 =	vgt.f32 v40, v39;
	vm8 =	vgt.f32 v28, v5  }
0x58: {  	v46 =	vld [tilespmem:s13+$0xFFFFFF00];
	vm10 =	vgt.f32 v28, v3;
	v15 =	vsel vm9, v28, v6;
	v38 =	vsel vm9, $0xB, v8  }
0x59: {  	v45 =	vsel vm15, v40, v39;
	v48 =	vsel vm15, $0xD, v42;
	v35 =	vsel vm8, v28, v5  }
0x5a: {  	v3 =	vsel vm10, v28, v3;
	v5 =	vsel vm8, v5, v15;
	v37 =	vsel vm8, $0xB, v9  }
0x5b: {  	v9 =	vsel vm8, v9, v38;
	v4 =	vsel vm10, $0xB, v4;
	v10 =	vsel vm7, v27, v35  }
0x5c: {  	v3 =	vsel vm9, v6, v3;
	v7 =	vsel vm7, v30, v37;
	v4 =	vsel vm9, v8, v4  }
0x5d: {  	vm13 =	vgt.f32 v34, v5;
	vm9 =	vgt.f32 v46, v45;
	vm12 =	vgt.f32 v34, v10  }
0x5e: {  	v52 =	vld [tilespmem:s13+$0xFFFFFF80];
	vm14 =	vgt.f32 v34, v3;
	v15 =	vsel vm13, v34, v5;
	v44 =	vsel vm13, $0xC, v9  }
0x5f: {  	v51 =	vsel vm9, v46, v45;
	v54 =	vsel vm9, $0xE, v48;
	v41 =	vsel vm12, v34, v10  }
0x60: {  	v3 =	vsel vm14, v34, v3;
	v10 =	vsel vm12, v10, v15;
	v43 =	vsel vm12, $0xC, v7  }
0x61: {  	v7 =	vsel vm12, v7, v44;
	v4 =	vsel vm14, $0xC, v4;
	v11 =	vsel vm11, v33, v41  }
0x62: {  	v3 =	vsel vm13, v5, v3;
	v6 =	vsel vm11, v36, v43;
	v4 =	vsel vm13, v9, v4  }
0x63: {  	vm7 =	vgt.f32 v40, v10;
	vm13 =	vgt.f32 v52, v51;
	vm6 =	vgt.f32 v40, v11  }
0x64: {  	v58 =	vld [tilespmem:s13+$0x0];
	vm8 =	vgt.f32 v40, v3;
	v15 =	vsel vm7, v40, v10;
	v50 =	vsel vm7, $0xD, v7  }
0x65: {  	v57 =	vsel vm13, v52, v51;
	v60 =	vsel vm13, $0xF, v54;
	v47 =	vsel vm6, v40, v11  }
0x66: {  	v3 =	vsel vm8, v40, v3;
	v11 =	vsel vm6, v11, v15;
	v49 =	vsel vm6, $0xD, v6  }
0x67: {  	v6 =	vsel vm6, v6, v50;
	v4 =	vsel vm8, $0xD, v4;
	v8 =	vsel vm15, v39, v47  }
0x68: {  	v3 =	vsel vm7, v10, v3;
	v5 =	vsel vm15, v42, v49;
	v4 =	vsel vm7, v7, v4  }
0x69: {  	vm11 =	vgt.f32 v46, v11;
	vm7 =	vgt.f32 v58, v57;
	vm10 =	vgt.f32 v46, v8  }
0x6a: {  	v18 =	vld [tilespmem:s13+$0x80];
	vm12 =	vgt.f32 v46, v3;
	v15 =	vsel vm11, v46, v11;
	v56 =	vsel vm11, $0xE, v6  }
0x6b: {  	v63 =	vsel vm7, v58, v57;
	v20 =	vsel vm7, $0x10, v60;
	v53 =	vsel vm10, v46, v8  }
0x6c: {  	v3 =	vsel vm12, v46, v3;
	v8 =	vsel vm10, v8, v15;
	v55 =	vsel vm10, $0xE, v5  }
0x6d: {  	v5 =	vsel vm10, v5, v56;
	v4 =	vsel vm12, $0xE, v4;
	v9 =	vsel vm9, v45, v53  }
0x6e: {  	v3 =	vsel vm11, v11, v3;
	v10 =	vsel vm9, v48, v55;
	v4 =	vsel vm11, v6, v4  }
0x6f: {  	vm15 =	vgt.f32 v52, v8;
	vm11 =	vgt.f32 v18, v63;
	vm14 =	vgt.f32 v52, v9  }
0x70: {  	v24 =	vld [tilespmem:s13+$0x100];
	vm6 =	vgt.f32 v52, v3;
	v15 =	vsel vm15, v52, v8;
	v62 =	vsel vm15, $0xF, v5  }
0x71: {  	v23 =	vsel vm11, v18, v63;
	v26 =	vsel vm11, $0x11, v20;
	v59 =	vsel vm14, v52, v9  }
0x72: {  	v3 =	vsel vm6, v52, v3;
	v9 =	vsel vm14, v9, v15;
	v61 =	vsel vm14, $0xF, v10  }
0x73: {  	v10 =	vsel vm14, v10, v62;
	v4 =	vsel vm6, $0xF, v4;
	v7 =	vsel vm13, v51, v59  }
0x74: {  	v3 =	vsel vm15, v8, v3;
	v11 =	vsel vm13, v54, v61;
	v4 =	vsel vm15, v5, v4  }
0x75: {  	vm9 =	vgt.f32 v58, v9;
	vm15 =	vgt.f32 v24, v23;
	v59 =	vimm.s32 $0x0  }
0x76: {  	v61 =	vimm.s32 $0x0;
	vm8 =	vgt.f32 v58, v7;
	vm10 =	vgt.f32 v58, v3  }
0x77: {  	v30 =	vld [tilespmem:s13+$0x180];
	v15 =	vsel vm9, v58, v9;
	v22 =	vsel vm9, $0x10, v10;
	v29 =	vsel vm15, v24, v23  }
0x78: {  	v32 =	vsel vm15, $0x12, v26;
	v19 =	vsel vm8, v58, v7;
	v3 =	vsel vm10, v58, v3  }
0x79: {  	v7 =	vsel vm8, v7, v15;
	v21 =	vsel vm8, $0x10, v11;
	v11 =	vsel vm8, v11, v22  }
0x7a: {  	v4 =	vsel vm10, $0x10, v4;
	v22 =	vimm.s32 $0x0;
	v6 =	vsel vm7, v57, v19  }
0x7b: {  	v3 =	vsel vm9, v9, v3;
	v8 =	vsel vm7, v60, v21;
	v4 =	vsel vm9, v10, v4  }
0x7c: {  	vm13 =	vgt.f32 v18, v7;
	vm9 =	vgt.f32 v30, v29;
	v60 =	vimm.s32 $0x0  }
0x7d: {  	v19 =	vimm.s32 $0x0;
	v21 =	vimm.s32 $0x0;
	vm12 =	vgt.f32 v18, v6  }
0x7e: {  	v36 =	vld [tilespmem:s13+$0x200];
	vm14 =	vgt.f32 v18, v3;
	v15 =	vsel vm13, v18, v7;
	v28 =	vsel vm13, $0x11, v11  }
0x7f: {  	v35 =	vsel vm9, v30, v29;
	v38 =	vsel vm9, $0x13, v32;
	v25 =	vsel vm12, v18, v6  }
0x80: {  	v3 =	vsel vm14, v18, v3;
	v6 =	vsel vm12, v6, v15;
	v27 =	vsel vm12, $0x11, v8  }
0x81: {  	v8 =	vsel vm12, v8, v28;
	v4 =	vsel vm14, $0x11, v4;
	v28 =	vimm.s32 $0x0  }
0x82: {  	v5 =	vsel vm11, v63, v25;
	v3 =	vsel vm13, v7, v3;
	v9 =	vsel vm11, v20, v27  }
0x83: {  	v4 =	vsel vm13, v11, v4;
	vm7 =	vgt.f32 v24, v6;
	vm13 =	vgt.f32 v36, v35  }
0x84: {  	v20 =	vimm.s32 $0x0;
	v27 =	vimm.s32 $0x0;
	vm6 =	vgt.f32 v24, v5  }
0x85: {  	v42 =	vld [tilespmem:s13+$0x280];
	vm8 =	vgt.f32 v24, v3;
	v15 =	vsel vm7, v24, v6;
	v34 =	vsel vm7, $0x12, v8  }
0x86: {  	v41 =	vsel vm13, v36, v35;
	v44 =	vsel vm13, $0x14, v38;
	v31 =	vsel vm6, v24, v5  }
0x87: {  	v3 =	vsel vm8, v24, v3;
	v5 =	vsel vm6, v5, v15;
	v33 =	vsel vm6, $0x12, v9  }
0x88: {  	v9 =	vsel vm6, v9, v34;
	v4 =	vsel vm8, $0x12, v4;
	v34 =	vimm.s32 $0x0  }
0x89: {  	v10 =	vsel vm15, v23, v31;
	v3 =	vsel vm7, v6, v3;
	v7 =	vsel vm15, v26, v33  }
0x8a: {  	v4 =	vsel vm7, v8, v4;
	vm11 =	vgt.f32 v30, v5;
	vm7 =	vgt.f32 v42, v41  }
0x8b: {  	v26 =	vimm.s32 $0x0;
	v33 =	vimm.s32 $0x0;
	vm10 =	vgt.f32 v30, v10  }
0x8c: {  	v48 =	vld [tilespmem:s13+$0x300];
	vm12 =	vgt.f32 v30, v3;
	v15 =	vsel vm11, v30, v5;
	v40 =	vsel vm11, $0x13, v9  }
0x8d: {  	v47 =	vsel vm7, v42, v41;
	v50 =	vsel vm7, $0x15, v44;
	v37 =	vsel vm10, v30, v10  }
0x8e: {  	v3 =	vsel vm12, v30, v3;
	v10 =	vsel vm10, v10, v15;
	v39 =	vsel vm10, $0x13, v7  }
0x8f: {  	v7 =	vsel vm10, v7, v40;
	v4 =	vsel vm12, $0x13, v4;
	v30 =	vimm.s32 $0x0  }
0x90: {  	v54 =	vld [tilespmem:s13+$0x380];
	v11 =	vsel vm9, v29, v37;
	v3 =	vsel vm11, v5, v3;
	v6 =	vsel vm9, v32, v39  }
0x91: {  	v4 =	vsel vm11, v9, v4;
	vm15 =	vgt.f32 v36, v10;
	vm11 =	vgt.f32 v48, v47  }
0x92: {  	vm14 =	vgt.f32 v36, v11;
	vm6 =	vgt.f32 v36, v3;
	v15 =	vsel vm15, v36, v10  }
0x93: {  	v46 =	vsel vm15, $0x14, v7;
	v53 =	vsel vm11, v48, v47;
	v43 =	vsel vm14, v36, v11  }
0x94: {  	v3 =	vsel vm6, v36, v3;
	v11 =	vsel vm14, v11, v15;
	v45 =	vsel vm14, $0x14, v6  }
0x95: {  	v6 =	vsel vm14, v6, v46;
	v4 =	vsel vm6, $0x14, v4;
	vm4 =	vgt.f32 v54, v53  }
0x96: {  	v36 =	vimm.s32 $0x0;
	v8 =	vsel vm13, v35, v43;
	v3 =	vsel vm15, v10, v3  }
0x97: {  	v58 =	vld [tilespmem:s13+$0x400];
	v5 =	vsel vm13, v38, v45;
	v4 =	vsel vm15, v7, v4;
	vm9 =	vgt.f32 v42, v11  }
0x98: {  	v62 =	vsel vm4, v54, v53;
	v35 =	vimm.s32 $0x0;
	v45 =	vimm.s32 $0x0  }
0x99: {  	vm0 =	vmmov vm4;
	vm8 =	vgt.f32 v42, v8;
	vm10 =	vgt.f32 v42, v3  }
0x9a: {  	v15 =	vsel vm9, v42, v11;
	v52 =	vsel vm9, $0x15, v6;
	v49 =	vsel vm8, v42, v8  }
0x9b: {  	v3 =	vsel vm10, v42, v3;
	v8 =	vsel vm8, v8, v15;
	v51 =	vsel vm8, $0x15, v5  }
0x9c: {  	v5 =	vsel vm8, v5, v52;
	v4 =	vsel vm10, $0x15, v4;
	vm8 =	vgt.f32 v58, v62  }
0x9d: {  	v9 =	vsel vm7, v41, v49;
	v3 =	vsel vm9, v11, v3;
	v10 =	vsel vm7, v44, v51  }
0x9e: {  	v4 =	vsel vm9, v6, v4;
	vm13 =	vgt.f32 v48, v8;
	v23 =	vsel vm8, v58, v62  }
0x9f: {  	v41 =	vimm.s32 $0x0;
	v44 =	vimm.s32 $0x0;
	vm12 =	vgt.f32 v48, v9  }
0xa0: {  	v18 =	vld [tilespmem:s13+$0x480];
	vm14 =	vgt.f32 v48, v3;
	v15 =	vsel vm13, v48, v8;
	v57 =	vsel vm13, $0x16, v5  }
0xa1: {  	v55 =	vsel vm12, v48, v9;
	v3 =	vsel vm14, v48, v3;
	v9 =	vsel vm12, v9, v15  }
0xa2: {  	v56 =	vsel vm12, $0x16, v10;
	v10 =	vsel vm12, v10, v57;
	v4 =	vsel vm14, $0x16, v4  }
0xa3: {  	v7 =	vsel vm11, v47, v55;
	v3 =	vsel vm13, v8, v3;
	v8 =	vsel vm11, $0x16, v50  }
0xa4: {  	v11 =	vsel vm11, v50, v56;
	v4 =	vsel vm13, v5, v4;
	vm6 =	vgt.f32 v54, v9  }
0xa5: {  	vm13 =	vgt.f32 v18, v23;
	vm15 =	vgt.f32 v54, v7;
	vm7 =	vgt.f32 v54, v3  }
0xa6: {  	v15 =	vsel vm6, v54, v9;
	v52 =	vsel vm4, $0x17, v8;
	v5 =	vsel vm15, $0xFFFFFFFF, v59  }
0xa7: {  	v63 =	vsel vm15, v54, v7;
	v3 =	vsel vm7, v54, v3;
	v7 =	vsel vm15, v7, v15  }
0xa8: {  	[tilespmem:$0x1FEA0] =	vst v5;
	v5 =	vsel vm6, $0xFFFFFFFF, v60;
	v6 =	vsel vm4, v53, v63;
	v3 =	vsel vm6, v9, v3  }
0xa9: {  	v9 =	vsel vm8, $0xFFFFFFFF, v19;
	vm10 =	vgt.f32 v58, v7;
	v53 =	vimm.s32 $0x0  }
0xaa: {  	[tilespmem:$0x1FEC0] =	vst v5;
	v5 =	vsel vm7, $0xFFFFFFFF, v61;
	vm9 =	vgt.f32 v58, v6;
	vm11 =	vgt.f32 v58, v3  }
0xab: {  	[tilespmem:$0x1FED0] =	vst v9;
	v24 =	vsel vm10, v58, v7;
	v9 =	vsel vm9, $0xFFFFFFFF, v20;
	v14 =	vsel vm9, v58, v6  }
0xac: {  	[tilespmem:$0x1FEB0] =	vst v5;
	v3 =	vsel vm11, v58, v3;
	v6 =	vsel vm9, v6, v24;
	v58 =	vimm.s32 $0x0  }
0xad: {  	v25 =	vld [tilespmem:s13+$0x500];
	[tilespmem:$0x1FEE0] =	vst v9;
	v9 =	vsel vm10, $0xFFFFFFFF, v21;
	v5 =	vsel vm8, v62, v14;
	v3 =	vsel vm10, v7, v3  }
0xae: {  	v59 =	vld [tilespmem:$0x1FEA0];
	vm14 =	vgt.f32 v18, v6;
	[tilespmem:$0x1FF00] =	vst v9;
	v9 =	vsel vm11, $0xFFFFFFFF, v22;
	vm12 =	vgt.f32 v18, v5  }
0xaf: {  	vm15 =	vgt.f32 v18, v3;
	v31 =	vsel vm14, v18, v6;
	v7 =	vsel vm12, $0xFFFFFFFF, v26  }
0xb0: {  	v32 =	vld [tilespmem:s13+$0x580];
	[tilespmem:$0x1FEF0] =	vst v9;
	v29 =	vsel vm12, v18, v5;
	v14 =	vsel vm15, $0xFFFFFFFF, v30;
	v9 =	vsel vm13, v18, v23  }
0xb1: {  	v63 =	vld [tilespmem:$0x1FEB0];
	v5 =	vsel vm12, v5, v31;
	v3 =	vsel vm15, v18, v3;
	[tilespmem:$0x1FF20] =	vst v7;
	v7 =	vsel vm13, $0xFFFFFFFF, v27  }
0xb2: {  	v3 =	vsel vm14, v6, v3;
	vm2 =	vgt.f32 v25, v9;
	vm7 =	vgt.f32 v25, v5  }
0xb3: {  	vm1 =	vnez.u8 v59;
	[tilespmem:$0x1FF10] =	vst v7;
	v7 =	vsel vm14, $0xFFFFFFFF, v28;
	v6 =	vsel vm2, $0xFFFFFFFF, v33  }
0xb4: {  	vm8 =	vgt.f32 v25, v3;
	v38 =	vsel vm2, v25, v9;
	v39 =	vsel vm7, v25, v5  }
0xb5: {  	v15 =	vsel vm1, $0x17, v11;
	[tilespmem:$0x1FF30] =	vst v7;
	v7 =	vsel vm13, v23, v29;
	v3 =	vsel vm8, v25, v3  }
0xb6: {  	[tilespmem:$0x1FF40] =	vst v14;
	v14 =	vld [tilespmem:$0x1FEC0];
	vm9 =	vgt.f32 v32, v38;
	v8 =	vsel vm0, v8, v15;
	vm0 =	vnez.u8 v63  }
0xb7: {  	vm6 =	vgt.f32 v25, v7;
	v3 =	vsel vm7, v5, v3;
	v5 =	vsel vm9, $0xFFFFFFFF, v41  }
0xb8: {  	v40 =	vld [tilespmem:s13+$0x600];
	[tilespmem:$0x1FF50] =	vst v6;
	v42 =	vsel vm9, v32, v38;
	v6 =	vsel vm6, $0xFFFFFFFF, v34;
	v37 =	vsel vm6, v25, v7  }
0xb9: {  	v7 =	vsel vm6, v7, v39;
	vm11 =	vgt.f32 v32, v3;
	[tilespmem:$0x1FF60] =	vst v6;
	v6 =	vsel vm7, $0xFFFFFFFF, v35  }
0xba: {  	v4 =	vsel vm0, $0x17, v4;
	vm10 =	vgt.f32 v32, v7;
	v12 =	vsel vm11, $0xFFFFFFFF, v44;
	[tilespmem:$0x1FF80] =	vst v6  }
0xbb: {  	v3 =	vsel vm11, v32, v3;
	vm0 =	vnez.u8 v14;
	v6 =	vsel vm8, $0xFFFFFFFF, v36;
	[tilespmem:$0x1FFB0] =	vst v12  }
0xbc: {  	v12 =	vsel vm10, $0xFFFFFFFF, v45;
	v3 =	vsel vm10, v7, v3;
	[tilespmem:$0x1FF70] =	vst v6;
	v6 =	vsel vm2, v9, v37  }
0xbd: {  	v47 =	vld [tilespmem:s13+$0x680];
	v46 =	vsel vm10, v32, v7;
	vm12 =	vgt.f32 v40, v3;
	vm15 =	vgt.f32 v32, v6  }
0xbe: {  	v4 =	vsel vm0, v10, v4;
	v16 =	vsel vm12, $0xFFFFFFFF, v16;
	v43 =	vsel vm15, v32, v6  }
0xbf: {  	v3 =	vsel vm12, v40, v3;
	v6 =	vsel vm15, v6, v46;
	v9 =	vsel vm9, v38, v43  }
0xc0: {  	[tilespmem:$0x1FF90] =	vst v5;
	vm9 =	vgt.f32 v40, v42;
	vm14 =	vgt.f32 v40, v6;
	vm13 =	vgt.f32 v40, v9  }
0xc1: {  	v49 =	vld [tilespmem:s13+$0x700];
	[tilespmem:$0x1FFA0] =	vst v12;
	v12 =	vsel vm14, v40, v6;
	v5 =	vsel vm9, v40, v42;
	v3 =	vsel vm14, v6, v3  }
0xc2: {  	v48 =	vsel vm13, v40, v9;
	v9 =	vsel vm13, v9, v12;
	vm6 =	vgt.f32 v47, v5  }
0xc3: {  	vm4 =	vgt.f32 v47, v3;
	v7 =	vsel vm9, v42, v48;
	vm12 =	vgt.f32 v47, v9  }
0xc4: {  	[tilespmem:$0x1FFC0] =	vst v16;
	v16 =	vsel vm4, $0xFFFFFFFF, v53;
	v3 =	vsel vm4, v47, v3;
	vm11 =	vgt.f32 v47, v7  }
0xc5: {  	v51 =	vld [tilespmem:s13+$0x780];
	v12 =	vsel vm12, v47, v9;
	v3 =	vsel vm12, v9, v3;
	v50 =	vsel vm11, v47, v7  }
0xc6: {  	v7 =	vsel vm11, v7, v12;
	vm5 =	vgt.f32 v49, v3;
	v6 =	vsel vm6, v5, v50  }
0xc7: {  	[tilespmem:$0x1FFD0] =	vst v16;
	v5 =	vsel vm6, v47, v5;
	vm7 =	vgt.f32 v49, v7;
	v16 =	vsel vm5, $0xFFFFFFFF, v58  }
0xc8: {  	v3 =	vsel vm5, v49, v3;
	vm10 =	vgt.f32 v49, v6;
	vm3 =	vgt.f32 v49, v5  }
0xc9: {  	v56 =	vsel vm7, v49, v7;
	v3 =	vsel vm7, v7, v3;
	v54 =	vsel vm10, v49, v6  }
0xca: {  	v6 =	vsel vm10, v6, v56;
	vm2 =	vgt.f32 v51, v3;
	v55 =	vsel vm3, v5, v54  }
0xcb: {  	[tilespmem:$0x1FFE0] =	vst v16;
	v16 =	vld [tilespmem:$0x1FED0];
	v5 =	vsel vm3, v49, v5;
	vm5 =	vgt.f32 v51, v6;
	vm8 =	vgt.f32 v51, v55  }
0xcc: {  	v17 =	vld [tilespmem:$0x1FEE0];
	v3 =	vsel vm2, v51, v3;
	vm4 =	vgt.f32 v51, v5;
	v57 =	vsel vm8, v51, v55  }
0xcd: {  	v60 =	vsel vm5, v51, v6;
	v13 =	vsel vm4, v5, v57;
	v5 =	vsel vm4, v51, v5  }
0xce: {  	v18 =	vld [tilespmem:$0x1FEF0];
	v3 =	vsel vm5, v6, v3;
	v7 =	vsel vm8, v55, v60;
	v13 =	vsub.f32 v13, v5  }
0xcf: {  	v19 =	vld [tilespmem:$0x1FF00];
	v7 =	vsub.f32 v7, v5;
	v3 =	vsub.f32 v3, v5;
	v5 =	vsel vm0, $0x17, v10  }
0xd0: {  	vm0 =	vnez.u8 v16;
	v5 =	vsel vm1, v11, v5;
	v61 =	vmul.f32 $1.442695020e+00, v13  }
0xd1: {  	v21 =	vld [tilespmem:$0x1FF30];
	vm1 =	vnez.u8 v17;
	v15 =	vmul.f32 $1.442695020e+00, v7;
	v7 =	vsel vm0, $0x18, v52  }
0xd2: {  	v20 =	vld [tilespmem:$0x1FF20];
	v6 =	vsel vm1, $0x18, v8;
	v3 =	vmul.f32 $1.442695020e+00, v3;
	(erf) = vpow2.f32 v61  }
0xd3: {  	v22 =	vld [tilespmem:$0x1FF40];
	v6 =	vsel vm0, v52, v6;
	vm0 =	vnez.u8 v18;
	(erf) = vpow2.f32 v15  }
0xd4: {  	v4 =	vsel vm0, $0x18, v4;
	vm0 =	vnez.u8 v19;
	(erf) = vpow2.f32 v3;
	v3 =	vld [tilespmem:$0x1FF10]  }
0xd5: {  	v62 =	vimm.s32 $0x0;
	v24 =	vld [tilespmem:$0x1FF60];
	v9 =	vsel vm0, $0x18, v5  }
0xd6: {  	v23 =	vld [tilespmem:$0x1FF50];
	v13 =	vsel vm2, $0xFFFFFFFF, v62;
	vm2 =	vnez.u8 v21;
	v8 =	vsel vm1, v8, v9  }
0xd7: {  	v25 =	vld [tilespmem:$0x1FF70];
	v4 =	vsel vm0, v5, v4;
	vm0 =	vnez.u8 v20;
	v9 =	vsel vm2, $0x19, v8  }
0xd8: {  	v26 =	vld [tilespmem:$0x1FF80];
	v5 =	vsel vm0, $0x19, v6;
	v6 =	vsel vm0, v6, v9;
	vm0 =	vnez.u8 v22  }
0xd9: {  	v49 =	vmov s12;
	v4 =	vsel vm0, $0x19, v4;
	vm1 =	vnez.u8 v3  }
0xda: {  	v28 =	vld [tilespmem:$0x1FF90];
	vm0 =	vnez.u8 v24;
	v4 =	vsel vm2, v8, v4;
	v5 =	vsel vm1, v7, v5  }
0xdb: {  	v30 =	vld [tilespmem:$0x1FFA0];
	v3 =	vsel vm1, $0x19, v7;
	vm1 =	vnez.u8 v23;
	v8 =	vsel vm0, $0x1A, v5  }
0xdc: {  	v7 =	vsel vm1, $0x1A, v3;
	v27 =	vpop (erf);
	v3 =	vsel vm1, v3, v8;
	vm1 =	vnez.u8 v25  }
0xdd: {  	v32 =	vld [tilespmem:$0x1FFB0];
	v31 =	vadd.f32 $1.000000000e+00, v27;
	v4 =	vsel vm1, $0x1A, v4;
	vm1 =	vnez.u8 v26  }
0xde: {  	v50 =	vshll.u32 v49, $0x7;
	[tilespmem:$0x1FFF0] =	vst v13;
	v33 =	vpop (erf);
	v29 =	vsel vm15, $0x1B, v3;
	v8 =	vsel vm1, $0x1A, v6  }
0xdf: {  	v55 =	vld [tilespmem:$0x1FFF0];
	v35 =	vadd.f32 v31, v33;
	v5 =	vsel vm0, v5, v8;
	vm0 =	vnez.u8 v28  }
0xe0: {  	v39 =	vld [tilespmem:$0x1FFC0];
	v38 =	vpop (erf);
	v4 =	vsel vm1, v6, v4;
	vm1 =	vnez.u8 v30;
	v8 =	vsel vm0, $0x1B, v7  }
0xe1: {  	v44 =	vld [tilespmem:$0x1FFD0];
	v10 =	vsel vm1, $0x1B, v5;
	v7 =	vsel vm0, v7, v29;
	v40 =	vadd.f32 v35, v38  }
0xe2: {  	v3 =	vsel vm15, v3, v10;
	vm15 =	vnez.u8 v32;
	v34 =	vsel vm13, $0x1C, v7  }
0xe3: {  	v36 =	vsel vm9, $0x1C, v8;
	v4 =	vsel vm15, $0x1B, v4;
	v37 =	vsel vm14, $0x1C, v3  }
0xe4: {  	v47 =	vld [tilespmem:$0x1FFE0];
	v41 =	vsel vm6, $0x1D, v36;
	(erf) = vrcp.f32 v40;
	vm15 =	vnez.u8 v55  }
0xe5: {  	v4 =	vsel vm1, v5, v4;
	v5 =	vsel vm9, v8, v34;
	v7 =	vsel vm13, v7, v37  }
0xe6: {  	vm9 =	vnez.u8 v39;
	vm13 =	vnez.u8 v44;
	v46 =	vsel vm3, $0x1E, v41  }
0xe7: {  	v4 =	vsel vm9, $0x1C, v4;
	v42 =	vsel vm11, $0x1D, v5;
	v43 =	vsel vm12, $0x1D, v7  }
0xe8: {  	v51 =	vsel vm4, $0x1F, v46;
	v3 =	vsel vm14, v3, v4;
	v10 =	vsel vm6, v36, v42  }
0xe9: {  	v5 =	vsel vm11, v5, v43;
	vm14 =	vnez.u8 v47;
	v3 =	vsel vm13, $0x1D, v3  }
0xea: {  	v45 =	vsel vm10, $0x1E, v10;
	v48 =	vsel vm7, $0x1E, v5;
	v3 =	vsel vm12, v7, v3  }
0xeb: {  	v4 =	vsel vm3, v41, v45;
	v8 =	vsel vm10, v10, v48;
	v3 =	vsel vm14, $0x1E, v3  }
0xec: {  	v52 =	vsel vm8, $0x1F, v4;
	v3 =	vsel vm7, v5, v3;
	v5 =	vor.u32 v2, v50  }
0xed: {  	v53 =	vsel vm5, $0x1F, v8;
	v7 =	vsel vm4, v46, v52;
	v54 =	vor.u32 v5, v51  }
0xee: {  	v4 =	vsel vm8, v4, v53;
	v3 =	vsel vm15, $0x1F, v3;
	v56 =	vor.u32 v5, v7  }
0xef: {  	v57 =	vor.u32 v5, v4;
	v3 =	vsel vm5, v8, v3  }
0xf0: {  	v58 =	vpop (erf);
	v59 =	vor.u32 v5, v3  }
0xf1: {  	v6 =	vmul.f32 v58, v27  }
0xf2: {  	v60 =	vor.u32 $0x1, v5;
	v9 =	vmul.f32 v58, v33;
	[tilespmem:v54+s8+$0x0] =	vst.idx.msk $0xffff, v58  }
0xf3: {  	v62 =	vor.u32 $0x2, v5;
	v61 =	vmul.f32 v58, v38;
	[tilespmem:v56+s8+$0x0] =	vst.idx.msk $0xffff, v6  }
0xf4: {  	p0 =	sne.s32 s12, $0x70;
	v63 =	vor.u32 $0x3, v5;
	[tilespmem:v57+s8+$0x0] =	vst.idx.msk $0xffff, v9  }
.Ltmp1:
0xf5: {  	[tilespmem:v59+s8+$0x0] =	vst.idx.msk $0xffff, v61;
	(pc) =	sbr.rel @p0 .LBB2_4-.Ltmp1, $4  }
0xf6: {  	[tilespmem:v5+s9+$0x0] =	vst.idx.msk $0xffff, v51  }
0xf7: {  	[tilespmem:v60+s9+$0x0] =	vst.idx.msk $0xffff, v7  }
0xf8: {  	[tilespmem:v62+s9+$0x0] =	vst.idx.msk $0xffff, v4  }
0xf9: {  	s13 =	sadd.s32 $0x10, s13;
	s12 =	sadd.s32 $0x10, s12;
	[tilespmem:v63+s9+$0x0] =	vst.idx.msk $0xffff, v3  }
0xfa: {  	[hbm4b:s4+s2] =	stream.linear.scatter [tilespmem:s8], [sflag:$0x2], $0x4000, $0x38;
	[tilespmem:$0x9000] =	vst v63  }
0xfb: {  	s11 =	sadd.s32 $0x1, s11;
	_ =	swait.ge [sflag:s10], $0x4000  }
0xfc: {  	p0 =	sne.s32 s11, s6;
	[sflag:s10] =	ssyncset.done $0x0  }
.Ltmp2:
0xfd: {  	[sflag:s10] =	ssyncadd.s32 $0xFFFFC000;
	(pc) =	sbr.rel @p0 .LBB2_1-.Ltmp2, $4  }
0xfe: {  	[hbm4b:s5+s2] =	stream.linear.scatter [tilespmem:s9], [sflag:$0x2], $0x4000, $0x38;
	[tilespmem:$0x9000] =	vst v63  }
0xff: {  	_ =	swait.ge [sflag:s10], $0x4000  }
0x100: {  	[sflag:s10] =	ssyncset.done $0x0  }
0x101: {  	[sflag:s10] =	ssyncadd.s32 $0xFFFFC000  }
0x102: {  	_ =	sfence.sel $0x180000  }
0x103: {  	[bflag:$0x0] =	sbarrier.arrive $0xFFFF  }
0x104: {  	p0 =	sne.s32 s1, $0x0;
	_ =	strace $0x9000004A  }
0x105: {  	s0 =	sadd.s32 @!p0 $0x100000, s0;
	[bflag:$0x2] =	sbarrier.arrive $0xFFFF  }
0x106: {  	[sflag:s0] =	ssyncadd.tile.s32 @!p0 $0x1;
	_ =	shalt  }
.Lfunc_end2:
_tile_overlayer_lowered:
.L_overlay_start_2:
0x107: {  	(tag) =	ssettag $0x2  }
0x108: {  	s0 =	rddreg [dreg:$0x0];
	s2 =	stileid.u32  }
0x109: {  	s1 =	rddreg [dreg:$0x1];
	p0 =	sne.s32 s2, $0x0  }
0x10a: {  	s3 =	rddreg [dreg:$0x2];
	[bflag:$0x3] =	sbarrier.arrive $0xFFFF;
	s2 =	simm.s32 @!p0 $0x1C02  }
0x10b: {  	[timem:s3], [sflag:s2] =	dma.local @!p0 [hbm:s0], s1  }
0x10c: {  	s0 =	simm.s32 @!p0 $0x2  }
0x10d: {  	_ =	swait.ge @!p0 [sflag:s0], s1  }
0x10e: {  	s1 =	ssub.s32 @!p0 $0x0, s1;
	[sflag:s0] =	ssyncset.done @!p0 $0x0  }
0x10f: {  	[sflag:s0] =	ssyncadd.s32 @!p0 s1  }
0x110: {  	[bflag:$0x3] =	sbarrier.arrive $0xFFFF  }
0x111: {  	_ =	shalt  }

</sc_bundles>
